<compile_context>
chip_gen: v7x
topology: tpu7x:2x2x1
jax: 0.10.2.dev20260603
libtpu: 0.0.44.dev20260713+nightly
codegen_flags: <defaults>
</compile_context>

<pallas_src>
import functools

import jax
import jax.numpy as jnp
from jax import lax
from jax.experimental import pallas as pl
from jax.experimental.pallas import tpu as pltpu
from jax.experimental.pallas import tpu_sc as plsc

VOCAB = 1000000
B = 16384
D0 = 64
D1 = 16

_info = plsc.get_sparse_core_info()
_NC = _info.num_cores
_NS = _info.num_subcores
_NW = _NC * _NS
_BPW = B // _NW
_C = 8
_G = 16


def _gather_body(idx_hbm, t0, t1, t2, t3, o0, o1, o2, o3,
                 idx_sh, idx_s, idx_vv, ga0, ga1, ga2, ga3,
                 gb0, gb1, gb2, gb3, b0, b1, b2, b3,
                 sem_a, sem_b, sem_s):
    wid = lax.axis_index("s") * _NC + lax.axis_index("c")
    base = wid * _BPW
    pltpu.sync_copy(idx_hbm.at[pl.ds(base, _BPW)], idx_vv)
    pltpu.sync_copy(idx_hbm.at[pl.ds(base, _BPW)], idx_sh.at[wid])
    pltpu.sync_copy(idx_sh.at[wid], idx_s)

    i16 = lax.iota(jnp.int32, 16)
    d1v = lax.rem(i16, 8)
    bufs_a = ((ga0, b0, 8), (ga1, b1, 2), (ga2, b2, 8), (ga3, b3, 2))
    bufs_b = ((gb0, b0, 8), (gb1, b1, 2), (gb2, b2, 8), (gb3, b3, 2))

    n_chunks = _BPW // _C

    def issue_one(ck, jj, gbufs, sem):
        v = idx_s[ck * _C + jj]
        v16 = pl.multiple_of((v >> 4) << 4, _G)
        s = jj * _G
        for t, (g, _, _) in zip((t0, t1, t2, t3), gbufs):
            pltpu.make_async_copy(
                t.at[:, :, pl.ds(v16, _G)], g.at[:, :, pl.ds(s, _G)],
                sem).start()

    def issue_chunk(ck, gbufs, sem):
        lax.fori_loop(
            0, _C, lambda jj, c: (issue_one(ck, jj, gbufs, sem), c)[1], 0,
            unroll=2)

    def wait_chunk(gbufs, sem):
        for t, (g, _, _) in zip((t0, t1, t2, t3), gbufs):
            pltpu.make_async_copy(t.at[:, :, pl.ds(0, _C * _G)], g,
                                  sem).wait()

    def extract_one(ck, jj, gbufs):
        jcol = ck * _C + jj
        v_vec = plsc.load_gather(idx_vv, [i16 * 0 + jcol])
        lane = lax.rem(v_vec, _G) + jj * _G
        for gbuf, obuf, nfb in gbufs:
            for g in range(nfb * 8 // 16):
                d0 = 2 * g + i16 // 8
                vals = plsc.load_gather(gbuf, [d0, d1v, lane])
                plsc.store_scatter(obuf, [d0, d1v, i16 * 0 + jcol], vals)

    def extract_chunk(ck, gbufs):
        lax.fori_loop(
            0, _C, lambda jj, c: (extract_one(ck, jj, gbufs), c)[1], 0)

    issue_chunk(0, bufs_a, sem_a)

    def step(k, carry):
        issue_chunk(2 * k + 1, bufs_b, sem_b)
        wait_chunk(bufs_a, sem_a)
        extract_chunk(2 * k, bufs_a)

        @pl.when(2 * k + 2 < n_chunks)
        def _():
            issue_chunk(2 * k + 2, bufs_a, sem_a)

        wait_chunk(bufs_b, sem_b)
        extract_chunk(2 * k + 1, bufs_b)
        return carry

    lax.fori_loop(0, n_chunks // 2, step, 0)

    stores = [
        pltpu.async_copy(b0, o0.at[:, :, pl.ds(base, _BPW)], sem_s),
        pltpu.async_copy(b1, o1.at[:, :, pl.ds(base, _BPW)], sem_s),
        pltpu.async_copy(b2, o2.at[:, :, pl.ds(base, _BPW)], sem_s),
        pltpu.async_copy(b3, o3.at[:, :, pl.ds(base, _BPW)], sem_s),
    ]
    for c in stores:
        c.wait()


@jax.jit
def _gather_all(idx, np0, np1, gp0, gp1):
    t0 = np0.T.reshape(D0 // 8, 8, VOCAB)
    t1 = np1.T.reshape(D1 // 8, 8, VOCAB)
    t2 = gp0.T.reshape(D0 // 8, 8, VOCAB)
    t3 = gp1.T.reshape(D1 // 8, 8, VOCAB)
    mesh = plsc.VectorSubcoreMesh(core_axis_name="c", subcore_axis_name="s")
    f = functools.partial(
        pl.kernel,
        mesh=mesh,
        out_type=[
            jax.ShapeDtypeStruct((D0 // 8, 8, B), jnp.float32),
            jax.ShapeDtypeStruct((D1 // 8, 8, B), jnp.float32),
            jax.ShapeDtypeStruct((D0 // 8, 8, B), jnp.float32),
            jax.ShapeDtypeStruct((D1 // 8, 8, B), jnp.float32),
        ],
        scratch_types=[
            pltpu.VMEM_SHARED((_NW, _BPW), jnp.int32),
            pltpu.SMEM((_BPW,), jnp.int32),
            pltpu.VMEM((_BPW,), jnp.int32),
            pltpu.VMEM((D0 // 8, 8, _C * _G), jnp.float32),
            pltpu.VMEM((D1 // 8, 8, _C * _G), jnp.float32),
            pltpu.VMEM((D0 // 8, 8, _C * _G), jnp.float32),
            pltpu.VMEM((D1 // 8, 8, _C * _G), jnp.float32),
            pltpu.VMEM((D0 // 8, 8, _C * _G), jnp.float32),
            pltpu.VMEM((D1 // 8, 8, _C * _G), jnp.float32),
            pltpu.VMEM((D0 // 8, 8, _C * _G), jnp.float32),
            pltpu.VMEM((D1 // 8, 8, _C * _G), jnp.float32),
            pltpu.VMEM((D0 // 8, 8, _BPW), jnp.float32),
            pltpu.VMEM((D1 // 8, 8, _BPW), jnp.float32),
            pltpu.VMEM((D0 // 8, 8, _BPW), jnp.float32),
            pltpu.VMEM((D1 // 8, 8, _BPW), jnp.float32),
            pltpu.SemaphoreType.DMA,
            pltpu.SemaphoreType.DMA,
            pltpu.SemaphoreType.DMA,
        ],
        compiler_params=pltpu.CompilerParams(needs_layout_passes=False),
    )(_gather_body)
    q0, q1, q2, q3 = f(idx, t0, t1, t2, t3)
    return (q0.reshape(D0, B).T, q1.reshape(D1, B).T,
            q2.reshape(D0, B).T, q3.reshape(D1, B).T)


def kernel(idx, np0, np1, gp0, gp1):
    o0, o1, o2, o3 = _gather_all(idx, np0, np1, gp0, gp1)
    return ([o0, o1], [o2, o3])

# --- scband reference (transcript-rebuilt; emitter-appended) ---
"""Pipeline reference for scband-gnnfoo-18820546691352 (READ-ONLY COPY).

The authoritative reference and input builder live on the scoring server;
editing this copy changes nothing except your own understanding.
"""

import jax, jax.numpy as jnp
import numpy as np

VOCAB = 1000000
B = 16384
D0 = 64
D1 = 16


def setup_inputs(seed: int = 0) -> dict:
    key = jax.random.key(seed)
    k1, k2, k3, k4, k5 = jax.random.split(key, 5)
    # Learned parameter tables. In the flax module these are built by concatenating
    # the per-part arrays in n_params / g_params along axis 0; here we materialize
    # the already-concatenated tables directly (4 parts x 250000 rows = 1000000 rows).
    np0 = jax.random.normal(k1, (VOCAB, D0), dtype=jnp.float32) * 0.02
    np1 = jax.random.normal(k2, (VOCAB, D1), dtype=jnp.float32) * 0.02
    gp0 = jax.random.normal(k3, (VOCAB, D0), dtype=jnp.float32) * 0.02
    gp1 = jax.random.normal(k4, (VOCAB, D1), dtype=jnp.float32) * 0.02
    idx = jax.random.randint(k5, (B,), 0, VOCAB, dtype=jnp.int32)
    return {"idx": idx, "np0": np0, "np1": np1, "gp0": gp0, "gp1": gp1}


def reference(idx, np0, np1, gp0, gp1):
    # Faithful translation of GNNFoo.__call__: gather rows from each concatenated
    # parameter table with the same index tensor.
    nparams = [np0, np1]
    gparams = [gp0, gp1]
    return ([p[idx] for p in nparams], [p[idx] for p in gparams])

if __name__ == "__main__":
    import jax
    _d = setup_inputs()
    print(jax.jit(kernel)(*tuple(_d.values())))

</pallas_src>

<mosaic_0001>
#map = affine_map<(d0, d1) -> (0)>
#map1 = affine_map<(d0, d1) -> (0, 0, 0)>
module attributes {stable_mosaic.version = 14 : i64} {
  func.func @_gather_body(%arg0: i32, %arg1: i32, %arg2: memref<16384xi32, #tpu.memory_space<hbm>>, %arg3: memref<8x8x1000000xf32, #tpu.memory_space<hbm>>, %arg4: memref<2x8x1000000xf32, #tpu.memory_space<hbm>>, %arg5: memref<8x8x1000000xf32, #tpu.memory_space<hbm>>, %arg6: memref<2x8x1000000xf32, #tpu.memory_space<hbm>>, %arg7: memref<8x8x16384xf32, #tpu.memory_space<hbm>>, %arg8: memref<2x8x16384xf32, #tpu.memory_space<hbm>>, %arg9: memref<8x8x16384xf32, #tpu.memory_space<hbm>>, %arg10: memref<2x8x16384xf32, #tpu.memory_space<hbm>>, %arg11: memref<32x512xi32, #tpu.memory_space<vmem_shared>>, %arg12: memref<512xi32, #tpu.memory_space<smem>>, %arg13: memref<512xi32, #tpu.memory_space<vmem>>, %arg14: memref<8x8x128xf32, #tpu.memory_space<vmem>>, %arg15: memref<2x8x128xf32, #tpu.memory_space<vmem>>, %arg16: memref<8x8x128xf32, #tpu.memory_space<vmem>>, %arg17: memref<2x8x128xf32, #tpu.memory_space<vmem>>, %arg18: memref<8x8x128xf32, #tpu.memory_space<vmem>>, %arg19: memref<2x8x128xf32, #tpu.memory_space<vmem>>, %arg20: memref<8x8x128xf32, #tpu.memory_space<vmem>>, %arg21: memref<2x8x128xf32, #tpu.memory_space<vmem>>, %arg22: memref<8x8x512xf32, #tpu.memory_space<vmem>>, %arg23: memref<2x8x512xf32, #tpu.memory_space<vmem>>, %arg24: memref<8x8x512xf32, #tpu.memory_space<vmem>>, %arg25: memref<2x8x512xf32, #tpu.memory_space<vmem>>, %arg26: memref<!tpu.dma_semaphore, #tpu.memory_space<semaphore_mem>>, %arg27: memref<!tpu.dma_semaphore, #tpu.memory_space<semaphore_mem>>, %arg28: memref<!tpu.dma_semaphore, #tpu.memory_space<semaphore_mem>>) attributes {dimension_semantics = [#tpu.dimension_semantics<core_parallel>, #tpu.dimension_semantics<subcore_parallel>], iteration_bounds = array<i64: 2, 16>, scalar_prefetch = 0 : i64, scratch_operands = 18 : i64, tpu.core_type = #tpu.core_type<sc_vector_subcore>, window_params = [{transform_indices = #map}, {transform_indices = #map1}, {transform_indices = #map1}, {transform_indices = #map1}, {transform_indices = #map1}, {transform_indices = #map1}, {transform_indices = #map1}, {transform_indices = #map1}, {transform_indices = #map1}]} {
    %mul3A = arith.constant 2 : i32
    %mul3A_0 = arith.muli %arg1, %mul3A : i32
    %add3A = arith.addi %mul3A_0, %arg0 : i32
    %mul3A_1 = arith.constant 512 : i32
    %mul3A_2 = arith.muli %add3A, %mul3A_1 : i32
    "tpu.region"() ({
      %run_scoped3A = tpu.sem_alloc : memref<!tpu.dma_semaphore, #tpu.memory_space<semaphore_mem>>
      %dma_start3A_62 = tpu.memref_slice %arg2[%mul3A_2] : memref<16384xi32, #tpu.memory_space<hbm>> -> memref<512xi32, #tpu.memory_space<hbm>>
      %dma_start3A_63 = tpu.memref_slice %arg2[%mul3A_2] : memref<16384xi32, #tpu.memory_space<hbm>> -> memref<512xi32, #tpu.memory_space<hbm>>
      tpu.enqueue_dma source(%dma_start3A_63 : memref<512xi32, #tpu.memory_space<hbm>>) target(%arg13 : memref<512xi32, #tpu.memory_space<vmem>>) target_semaphore(%run_scoped3A : memref<!tpu.dma_semaphore, #tpu.memory_space<semaphore_mem>>)
      %dma_wait3A_64 = tpu.memref_slice %arg2[%mul3A_2] : memref<16384xi32, #tpu.memory_space<hbm>> -> memref<512xi32, #tpu.memory_space<hbm>>
      %dma_wait3A_65 = tpu.memref_slice %arg2[%mul3A_2] : memref<16384xi32, #tpu.memory_space<hbm>> -> memref<512xi32, #tpu.memory_space<hbm>>
      tpu.wait_dma2 semaphore(%run_scoped3A : memref<!tpu.dma_semaphore, #tpu.memory_space<semaphore_mem>>) src(%dma_wait3A_65 : memref<512xi32, #tpu.memory_space<hbm>>) dst(%arg13 : memref<512xi32, #tpu.memory_space<vmem>>)
      tpu.yield
    }) : () -> ()
    "tpu.region"() ({
      %run_scoped3A = tpu.sem_alloc : memref<!tpu.dma_semaphore, #tpu.memory_space<semaphore_mem>>
      %dma_start3A_62 = arith.constant 0 : i32
      %dma_start3A_63 = tpu.memref_slice %arg11[%add3A, %dma_start3A_62] : memref<32x512xi32, #tpu.memory_space<vmem_shared>> -> memref<1x512xi32, #tpu.memory_space<vmem_shared>>
      %dma_start3A_64 = tpu.memref_squeeze %dma_start3A_63 : memref<1x512xi32, #tpu.memory_space<vmem_shared>> -> memref<512xi32, #tpu.memory_space<vmem_shared>>
      %dma_start3A_65 = tpu.memref_slice %arg2[%mul3A_2] : memref<16384xi32, #tpu.memory_space<hbm>> -> memref<512xi32, #tpu.memory_space<hbm>>
      tpu.enqueue_dma source(%dma_start3A_65 : memref<512xi32, #tpu.memory_space<hbm>>) target(%dma_start3A_64 : memref<512xi32, #tpu.memory_space<vmem_shared>>) target_semaphore(%run_scoped3A : memref<!tpu.dma_semaphore, #tpu.memory_space<semaphore_mem>>)
      %dma_wait3A_66 = arith.constant 0 : i32
      %dma_wait3A_67 = tpu.memref_slice %arg11[%add3A, %dma_wait3A_66] : memref<32x512xi32, #tpu.memory_space<vmem_shared>> -> memref<1x512xi32, #tpu.memory_space<vmem_shared>>
      %dma_wait3A_68 = tpu.memref_squeeze %dma_wait3A_67 : memref<1x512xi32, #tpu.memory_space<vmem_shared>> -> memref<512xi32, #tpu.memory_space<vmem_shared>>
      %dma_wait3A_69 = tpu.memref_slice %arg2[%mul3A_2] : memref<16384xi32, #tpu.memory_space<hbm>> -> memref<512xi32, #tpu.memory_space<hbm>>
      tpu.wait_dma2 semaphore(%run_scoped3A : memref<!tpu.dma_semaphore, #tpu.memory_space<semaphore_mem>>) src(%dma_wait3A_69 : memref<512xi32, #tpu.memory_space<hbm>>) dst(%dma_wait3A_68 : memref<512xi32, #tpu.memory_space<vmem_shared>>)
      tpu.yield
    }) : () -> ()
    "tpu.region"() ({
      %run_scoped3A = tpu.sem_alloc : memref<!tpu.dma_semaphore, #tpu.memory_space<semaphore_mem>>
      %dma_start3A_62 = arith.constant 0 : i32
      %dma_start3A_63 = tpu.memref_slice %arg11[%add3A, %dma_start3A_62] : memref<32x512xi32, #tpu.memory_space<vmem_shared>> -> memref<1x512xi32, #tpu.memory_space<vmem_shared>>
      %dma_start3A_64 = tpu.memref_squeeze %dma_start3A_63 : memref<1x512xi32, #tpu.memory_space<vmem_shared>> -> memref<512xi32, #tpu.memory_space<vmem_shared>>
      tpu.enqueue_dma source(%dma_start3A_64 : memref<512xi32, #tpu.memory_space<vmem_shared>>) target(%arg12 : memref<512xi32, #tpu.memory_space<smem>>) target_semaphore(%run_scoped3A : memref<!tpu.dma_semaphore, #tpu.memory_space<semaphore_mem>>)
      %dma_wait3A_65 = arith.constant 0 : i32
      %dma_wait3A_66 = tpu.memref_slice %arg11[%add3A, %dma_wait3A_65] : memref<32x512xi32, #tpu.memory_space<vmem_shared>> -> memref<1x512xi32, #tpu.memory_space<vmem_shared>>
      %dma_wait3A_67 = tpu.memref_squeeze %dma_wait3A_66 : memref<1x512xi32, #tpu.memory_space<vmem_shared>> -> memref<512xi32, #tpu.memory_space<vmem_shared>>
      tpu.wait_dma2 semaphore(%run_scoped3A : memref<!tpu.dma_semaphore, #tpu.memory_space<semaphore_mem>>) src(%dma_wait3A_67 : memref<512xi32, #tpu.memory_space<vmem_shared>>) dst(%arg12 : memref<512xi32, #tpu.memory_space<smem>>)
      tpu.yield
    }) : () -> ()
    %iota3A = tpu.iota {dimensions = array<i32: 0>} : vector<16xi32>
    %rem3A = arith.constant 8 : i32
    %rem3A_3 = vector.broadcast %rem3A : i32 to vector<16xi32>
    %rem3A_4 = arith.remsi %iota3A, %rem3A_3 : vector<16xi32>
    %scan3A = arith.constant 0 : i32
    %scan3A_5 = arith.constant 0 : i32
    %scan3A_6 = arith.constant 8 : i32
    %scan3A_7 = arith.addi %scan3A_5, %scan3A_6 : i32
    %scan3A_8 = arith.constant 2 : i32
    scf.for %scan3A_62 = %scan3A_5 to %scan3A_7 step %scan3A_8  : i32 {
      %add3A_63 = arith.constant 0 : i32
      %add3A_64 = arith.addi %add3A_63, %scan3A_62 : i32
      %get3A = arith.index_cast %add3A_64 : i32 to index
      %get3A_65 = memref.load %arg12[%get3A] : memref<512xi32, #tpu.memory_space<smem>>
      %shift_right_arithmetic3A = arith.constant 4 : i32
      %shift_right_arithmetic3A_66 = arith.shrsi %get3A_65, %shift_right_arithmetic3A : i32
      %shift_left3A = arith.constant 4 : i32
      %shift_left3A_67 = arith.shli %shift_right_arithmetic3A_66, %shift_left3A : i32
      %multiple_of3A = tpu.assume_multiple %shift_left3A_67, 16 : i32
      %mul3A_68 = arith.constant 16 : i32
      %mul3A_69 = arith.muli %scan3A_62, %mul3A_68 : i32
      %dma_start3A_70 = arith.constant 0 : i32
      %dma_start3A_71 = arith.constant 0 : i32
      %dma_start3A_72 = tpu.memref_slice %arg14[%dma_start3A_70, %dma_start3A_71, %mul3A_69] : memref<8x8x128xf32, #tpu.memory_space<vmem>> -> memref<8x8x16xf32, #tpu.memory_space<vmem>>
      %dma_start3A_73 = arith.constant 0 : i32
      %dma_start3A_74 = arith.constant 0 : i32
      %dma_start3A_75 = tpu.memref_slice %arg3[%dma_start3A_73, %dma_start3A_74, %multiple_of3A] : memref<8x8x1000000xf32, #tpu.memory_space<hbm>> -> memref<8x8x16xf32, #tpu.memory_space<hbm>>
      %dma_start3A_76 = arith.constant 0 : i32
      %dma_start3A_77 = arith.constant 0 : i32
      %dma_start3A_78 = tpu.memref_slice %arg14[%dma_start3A_76, %dma_start3A_77, %mul3A_69] : memref<8x8x128xf32, #tpu.memory_space<vmem>> -> memref<8x8x16xf32, #tpu.memory_space<vmem>>
      %dma_start3A_79 = arith.constant 0 : i32
      %dma_start3A_80 = arith.constant 0 : i32
      %dma_start3A_81 = tpu.memref_slice %arg3[%dma_start3A_79, %dma_start3A_80, %multiple_of3A] : memref<8x8x1000000xf32, #tpu.memory_space<hbm>> -> memref<8x8x16xf32, #tpu.memory_space<hbm>>
      tpu.enqueue_dma source(%dma_start3A_81 : memref<8x8x16xf32, #tpu.memory_space<hbm>>) target(%dma_start3A_78 : memref<8x8x16xf32, #tpu.memory_space<vmem>>) target_semaphore(%arg26 : memref<!tpu.dma_semaphore, #tpu.memory_space<semaphore_mem>>)
      %dma_start3A_82 = arith.constant 0 : i32
      %dma_start3A_83 = arith.constant 0 : i32
      %dma_start3A_84 = tpu.memref_slice %arg15[%dma_start3A_82, %dma_start3A_83, %mul3A_69] : memref<2x8x128xf32, #tpu.memory_space<vmem>> -> memref<2x8x16xf32, #tpu.memory_space<vmem>>
      %dma_start3A_85 = arith.constant 0 : i32
      %dma_start3A_86 = arith.constant 0 : i32
      %dma_start3A_87 = tpu.memref_slice %arg4[%dma_start3A_85, %dma_start3A_86, %multiple_of3A] : memref<2x8x1000000xf32, #tpu.memory_space<hbm>> -> memref<2x8x16xf32, #tpu.memory_space<hbm>>
      %dma_start3A_88 = arith.constant 0 : i32
      %dma_start3A_89 = arith.constant 0 : i32
      %dma_start3A_90 = tpu.memref_slice %arg15[%dma_start3A_88, %dma_start3A_89, %mul3A_69] : memref<2x8x128xf32, #tpu.memory_space<vmem>> -> memref<2x8x16xf32, #tpu.memory_space<vmem>>
      %dma_start3A_91 = arith.constant 0 : i32
      %dma_start3A_92 = arith.constant 0 : i32
      %dma_start3A_93 = tpu.memref_slice %arg4[%dma_start3A_91, %dma_start3A_92, %multiple_of3A] : memref<2x8x1000000xf32, #tpu.memory_space<hbm>> -> memref<2x8x16xf32, #tpu.memory_space<hbm>>
      tpu.enqueue_dma source(%dma_start3A_93 : memref<2x8x16xf32, #tpu.memory_space<hbm>>) target(%dma_start3A_90 : memref<2x8x16xf32, #tpu.memory_space<vmem>>) target_semaphore(%arg26 : memref<!tpu.dma_semaphore, #tpu.memory_space<semaphore_mem>>)
      %dma_start3A_94 = arith.constant 0 : i32
      %dma_start3A_95 = arith.constant 0 : i32
      %dma_start3A_96 = tpu.memref_slice %arg16[%dma_start3A_94, %dma_start3A_95, %mul3A_69] : memref<8x8x128xf32, #tpu.memory_space<vmem>> -> memref<8x8x16xf32, #tpu.memory_space<vmem>>
      %dma_start3A_97 = arith.constant 0 : i32
      %dma_start3A_98 = arith.constant 0 : i32
      %dma_start3A_99 = tpu.memref_slice %arg5[%dma_start3A_97, %dma_start3A_98, %multiple_of3A] : memref<8x8x1000000xf32, #tpu.memory_space<hbm>> -> memref<8x8x16xf32, #tpu.memory_space<hbm>>
      %dma_start3A_100 = arith.constant 0 : i32
      %dma_start3A_101 = arith.constant 0 : i32
      %dma_start3A_102 = tpu.memref_slice %arg16[%dma_start3A_100, %dma_start3A_101, %mul3A_69] : memref<8x8x128xf32, #tpu.memory_space<vmem>> -> memref<8x8x16xf32, #tpu.memory_space<vmem>>
      %dma_start3A_103 = arith.constant 0 : i32
      %dma_start3A_104 = arith.constant 0 : i32
      %dma_start3A_105 = tpu.memref_slice %arg5[%dma_start3A_103, %dma_start3A_104, %multiple_of3A] : memref<8x8x1000000xf32, #tpu.memory_space<hbm>> -> memref<8x8x16xf32, #tpu.memory_space<hbm>>
      tpu.enqueue_dma source(%dma_start3A_105 : memref<8x8x16xf32, #tpu.memory_space<hbm>>) target(%dma_start3A_102 : memref<8x8x16xf32, #tpu.memory_space<vmem>>) target_semaphore(%arg26 : memref<!tpu.dma_semaphore, #tpu.memory_space<semaphore_mem>>)
      %dma_start3A_106 = arith.constant 0 : i32
      %dma_start3A_107 = arith.constant 0 : i32
      %dma_start3A_108 = tpu.memref_slice %arg17[%dma_start3A_106, %dma_start3A_107, %mul3A_69] : memref<2x8x128xf32, #tpu.memory_space<vmem>> -> memref<2x8x16xf32, #tpu.memory_space<vmem>>
      %dma_start3A_109 = arith.constant 0 : i32
      %dma_start3A_110 = arith.constant 0 : i32
      %dma_start3A_111 = tpu.memref_slice %arg6[%dma_start3A_109, %dma_start3A_110, %multiple_of3A] : memref<2x8x1000000xf32, #tpu.memory_space<hbm>> -> memref<2x8x16xf32, #tpu.memory_space<hbm>>
      %dma_start3A_112 = arith.constant 0 : i32
      %dma_start3A_113 = arith.constant 0 : i32
      %dma_start3A_114 = tpu.memref_slice %arg17[%dma_start3A_112, %dma_start3A_113, %mul3A_69] : memref<2x8x128xf32, #tpu.memory_space<vmem>> -> memref<2x8x16xf32, #tpu.memory_space<vmem>>
      %dma_start3A_115 = arith.constant 0 : i32
      %dma_start3A_116 = arith.constant 0 : i32
      %dma_start3A_117 = tpu.memref_slice %arg6[%dma_start3A_115, %dma_start3A_116, %multiple_of3A] : memref<2x8x1000000xf32, #tpu.memory_space<hbm>> -> memref<2x8x16xf32, #tpu.memory_space<hbm>>
      tpu.enqueue_dma source(%dma_start3A_117 : memref<2x8x16xf32, #tpu.memory_space<hbm>>) target(%dma_start3A_114 : memref<2x8x16xf32, #tpu.memory_space<vmem>>) target_semaphore(%arg26 : memref<!tpu.dma_semaphore, #tpu.memory_space<semaphore_mem>>)
      %scan3A_118 = arith.constant 1 : i32
      %scan3A_119 = arith.addi %scan3A_62, %scan3A_118 : i32
      %add3A_120 = arith.constant 0 : i32
      %add3A_121 = arith.addi %add3A_120, %scan3A_119 : i32
      %get3A_122 = arith.index_cast %add3A_121 : i32 to index
      %get3A_123 = memref.load %arg12[%get3A_122] : memref<512xi32, #tpu.memory_space<smem>>
      %shift_right_arithmetic3A_124 = arith.constant 4 : i32
      %shift_right_arithmetic3A_125 = arith.shrsi %get3A_123, %shift_right_arithmetic3A_124 : i32
      %shift_left3A_126 = arith.constant 4 : i32
      %shift_left3A_127 = arith.shli %shift_right_arithmetic3A_125, %shift_left3A_126 : i32
      %multiple_of3A_128 = tpu.assume_multiple %shift_left3A_127, 16 : i32
      %mul3A_129 = arith.constant 16 : i32
      %mul3A_130 = arith.muli %scan3A_119, %mul3A_129 : i32
      %dma_start3A_131 = arith.constant 0 : i32
      %dma_start3A_132 = arith.constant 0 : i32
      %dma_start3A_133 = tpu.memref_slice %arg14[%dma_start3A_131, %dma_start3A_132, %mul3A_130] : memref<8x8x128xf32, #tpu.memory_space<vmem>> -> memref<8x8x16xf32, #tpu.memory_space<vmem>>
      %dma_start3A_134 = arith.constant 0 : i32
      %dma_start3A_135 = arith.constant 0 : i32
      %dma_start3A_136 = tpu.memref_slice %arg3[%dma_start3A_134, %dma_start3A_135, %multiple_of3A_128] : memref<8x8x1000000xf32, #tpu.memory_space<hbm>> -> memref<8x8x16xf32, #tpu.memory_space<hbm>>
      %dma_start3A_137 = arith.constant 0 : i32
      %dma_start3A_138 = arith.constant 0 : i32
      %dma_start3A_139 = tpu.memref_slice %arg14[%dma_start3A_137, %dma_start3A_138, %mul3A_130] : memref<8x8x128xf32, #tpu.memory_space<vmem>> -> memref<8x8x16xf32, #tpu.memory_space<vmem>>
      %dma_start3A_140 = arith.constant 0 : i32
      %dma_start3A_141 = arith.constant 0 : i32
      %dma_start3A_142 = tpu.memref_slice %arg3[%dma_start3A_140, %dma_start3A_141, %multiple_of3A_128] : memref<8x8x1000000xf32, #tpu.memory_space<hbm>> -> memref<8x8x16xf32, #tpu.memory_space<hbm>>
      tpu.enqueue_dma source(%dma_start3A_142 : memref<8x8x16xf32, #tpu.memory_space<hbm>>) target(%dma_start3A_139 : memref<8x8x16xf32, #tpu.memory_space<vmem>>) target_semaphore(%arg26 : memref<!tpu.dma_semaphore, #tpu.memory_space<semaphore_mem>>)
      %dma_start3A_143 = arith.constant 0 : i32
      %dma_start3A_144 = arith.constant 0 : i32
      %dma_start3A_145 = tpu.memref_slice %arg15[%dma_start3A_143, %dma_start3A_144, %mul3A_130] : memref<2x8x128xf32, #tpu.memory_space<vmem>> -> memref<2x8x16xf32, #tpu.memory_space<vmem>>
      %dma_start3A_146 = arith.constant 0 : i32
      %dma_start3A_147 = arith.constant 0 : i32
      %dma_start3A_148 = tpu.memref_slice %arg4[%dma_start3A_146, %dma_start3A_147, %multiple_of3A_128] : memref<2x8x1000000xf32, #tpu.memory_space<hbm>> -> memref<2x8x16xf32, #tpu.memory_space<hbm>>
      %dma_start3A_149 = arith.constant 0 : i32
      %dma_start3A_150 = arith.constant 0 : i32
      %dma_start3A_151 = tpu.memref_slice %arg15[%dma_start3A_149, %dma_start3A_150, %mul3A_130] : memref<2x8x128xf32, #tpu.memory_space<vmem>> -> memref<2x8x16xf32, #tpu.memory_space<vmem>>
      %dma_start3A_152 = arith.constant 0 : i32
      %dma_start3A_153 = arith.constant 0 : i32
      %dma_start3A_154 = tpu.memref_slice %arg4[%dma_start3A_152, %dma_start3A_153, %multiple_of3A_128] : memref<2x8x1000000xf32, #tpu.memory_space<hbm>> -> memref<2x8x16xf32, #tpu.memory_space<hbm>>
      tpu.enqueue_dma source(%dma_start3A_154 : memref<2x8x16xf32, #tpu.memory_space<hbm>>) target(%dma_start3A_151 : memref<2x8x16xf32, #tpu.memory_space<vmem>>) target_semaphore(%arg26 : memref<!tpu.dma_semaphore, #tpu.memory_space<semaphore_mem>>)
      %dma_start3A_155 = arith.constant 0 : i32
      %dma_start3A_156 = arith.constant 0 : i32
      %dma_start3A_157 = tpu.memref_slice %arg16[%dma_start3A_155, %dma_start3A_156, %mul3A_130] : memref<8x8x128xf32, #tpu.memory_space<vmem>> -> memref<8x8x16xf32, #tpu.memory_space<vmem>>
      %dma_start3A_158 = arith.constant 0 : i32
      %dma_start3A_159 = arith.constant 0 : i32
      %dma_start3A_160 = tpu.memref_slice %arg5[%dma_start3A_158, %dma_start3A_159, %multiple_of3A_128] : memref<8x8x1000000xf32, #tpu.memory_space<hbm>> -> memref<8x8x16xf32, #tpu.memory_space<hbm>>
      %dma_start3A_161 = arith.constant 0 : i32
      %dma_start3A_162 = arith.constant 0 : i32
      %dma_start3A_163 = tpu.memref_slice %arg16[%dma_start3A_161, %dma_start3A_162, %mul3A_130] : memref<8x8x128xf32, #tpu.memory_space<vmem>> -> memref<8x8x16xf32, #tpu.memory_space<vmem>>
      %dma_start3A_164 = arith.constant 0 : i32
      %dma_start3A_165 = arith.constant 0 : i32
      %dma_start3A_166 = tpu.memref_slice %arg5[%dma_start3A_164, %dma_start3A_165, %multiple_of3A_128] : memref<8x8x1000000xf32, #tpu.memory_space<hbm>> -> memref<8x8x16xf32, #tpu.memory_space<hbm>>
      tpu.enqueue_dma source(%dma_start3A_166 : memref<8x8x16xf32, #tpu.memory_space<hbm>>) target(%dma_start3A_163 : memref<8x8x16xf32, #tpu.memory_space<vmem>>) target_semaphore(%arg26 : memref<!tpu.dma_semaphore, #tpu.memory_space<semaphore_mem>>)
      %dma_start3A_167 = arith.constant 0 : i32
      %dma_start3A_168 = arith.constant 0 : i32
      %dma_start3A_169 = tpu.memref_slice %arg17[%dma_start3A_167, %dma_start3A_168, %mul3A_130] : memref<2x8x128xf32, #tpu.memory_space<vmem>> -> memref<2x8x16xf32, #tpu.memory_space<vmem>>
      %dma_start3A_170 = arith.constant 0 : i32
      %dma_start3A_171 = arith.constant 0 : i32
      %dma_start3A_172 = tpu.memref_slice %arg6[%dma_start3A_170, %dma_start3A_171, %multiple_of3A_128] : memref<2x8x1000000xf32, #tpu.memory_space<hbm>> -> memref<2x8x16xf32, #tpu.memory_space<hbm>>
      %dma_start3A_173 = arith.constant 0 : i32
      %dma_start3A_174 = arith.constant 0 : i32
      %dma_start3A_175 = tpu.memref_slice %arg17[%dma_start3A_173, %dma_start3A_174, %mul3A_130] : memref<2x8x128xf32, #tpu.memory_space<vmem>> -> memref<2x8x16xf32, #tpu.memory_space<vmem>>
      %dma_start3A_176 = arith.constant 0 : i32
      %dma_start3A_177 = arith.constant 0 : i32
      %dma_start3A_178 = tpu.memref_slice %arg6[%dma_start3A_176, %dma_start3A_177, %multiple_of3A_128] : memref<2x8x1000000xf32, #tpu.memory_space<hbm>> -> memref<2x8x16xf32, #tpu.memory_space<hbm>>
      tpu.enqueue_dma source(%dma_start3A_178 : memref<2x8x16xf32, #tpu.memory_space<hbm>>) target(%dma_start3A_175 : memref<2x8x16xf32, #tpu.memory_space<vmem>>) target_semaphore(%arg26 : memref<!tpu.dma_semaphore, #tpu.memory_space<semaphore_mem>>)
    }
    %scan3A_9 = arith.constant 8 : i32
    %scan3A_10 = arith.constant 0 : i32
    %scan3A_11 = arith.constant 0 : i32
    %scan3A_12 = arith.constant 32 : i32
    %scan3A_13 = arith.addi %scan3A_11, %scan3A_12 : i32
    %scan3A_14 = arith.constant 1 : i32
    scf.for %scan3A_62 = %scan3A_11 to %scan3A_13 step %scan3A_14  : i32 {
      %mul3A_63 = arith.constant 2 : i32
      %mul3A_64 = arith.muli %mul3A_63, %scan3A_62 : i32
      %add3A_65 = arith.constant 1 : i32
      %add3A_66 = arith.addi %mul3A_64, %add3A_65 : i32
      %scan3A_67 = arith.constant 0 : i32
      %scan3A_68 = arith.constant 0 : i32
      %scan3A_69 = arith.constant 8 : i32
      %scan3A_70 = arith.addi %scan3A_68, %scan3A_69 : i32
      %scan3A_71 = arith.constant 2 : i32
      scf.for %scan3A_161 = %scan3A_68 to %scan3A_70 step %scan3A_71  : i32 {
        %mul3A_162 = arith.constant 8 : i32
        %mul3A_163 = arith.muli %add3A_66, %mul3A_162 : i32
        %add3A_164 = arith.addi %mul3A_163, %scan3A_161 : i32
        %get3A = arith.index_cast %add3A_164 : i32 to index
        %get3A_165 = memref.load %arg12[%get3A] : memref<512xi32, #tpu.memory_space<smem>>
        %shift_right_arithmetic3A = arith.constant 4 : i32
        %shift_right_arithmetic3A_166 = arith.shrsi %get3A_165, %shift_right_arithmetic3A : i32
        %shift_left3A = arith.constant 4 : i32
        %shift_left3A_167 = arith.shli %shift_right_arithmetic3A_166, %shift_left3A : i32
        %multiple_of3A = tpu.assume_multiple %shift_left3A_167, 16 : i32
        %mul3A_168 = arith.constant 16 : i32
        %mul3A_169 = arith.muli %scan3A_161, %mul3A_168 : i32
        %dma_start3A_170 = arith.constant 0 : i32
        %dma_start3A_171 = arith.constant 0 : i32
        %dma_start3A_172 = tpu.memref_slice %arg18[%dma_start3A_170, %dma_start3A_171, %mul3A_169] : memref<8x8x128xf32, #tpu.memory_space<vmem>> -> memref<8x8x16xf32, #tpu.memory_space<vmem>>
        %dma_start3A_173 = arith.constant 0 : i32
        %dma_start3A_174 = arith.constant 0 : i32
        %dma_start3A_175 = tpu.memref_slice %arg3[%dma_start3A_173, %dma_start3A_174, %multiple_of3A] : memref<8x8x1000000xf32, #tpu.memory_space<hbm>> -> memref<8x8x16xf32, #tpu.memory_space<hbm>>
        %dma_start3A_176 = arith.constant 0 : i32
        %dma_start3A_177 = arith.constant 0 : i32
        %dma_start3A_178 = tpu.memref_slice %arg18[%dma_start3A_176, %dma_start3A_177, %mul3A_169] : memref<8x8x128xf32, #tpu.memory_space<vmem>> -> memref<8x8x16xf32, #tpu.memory_space<vmem>>
        %dma_start3A_179 = arith.constant 0 : i32
        %dma_start3A_180 = arith.constant 0 : i32
        %dma_start3A_181 = tpu.memref_slice %arg3[%dma_start3A_179, %dma_start3A_180, %multiple_of3A] : memref<8x8x1000000xf32, #tpu.memory_space<hbm>> -> memref<8x8x16xf32, #tpu.memory_space<hbm>>
        tpu.enqueue_dma source(%dma_start3A_181 : memref<8x8x16xf32, #tpu.memory_space<hbm>>) target(%dma_start3A_178 : memref<8x8x16xf32, #tpu.memory_space<vmem>>) target_semaphore(%arg27 : memref<!tpu.dma_semaphore, #tpu.memory_space<semaphore_mem>>)
        %dma_start3A_182 = arith.constant 0 : i32
        %dma_start3A_183 = arith.constant 0 : i32
        %dma_start3A_184 = tpu.memref_slice %arg19[%dma_start3A_182, %dma_start3A_183, %mul3A_169] : memref<2x8x128xf32, #tpu.memory_space<vmem>> -> memref<2x8x16xf32, #tpu.memory_space<vmem>>
        %dma_start3A_185 = arith.constant 0 : i32
        %dma_start3A_186 = arith.constant 0 : i32
        %dma_start3A_187 = tpu.memref_slice %arg4[%dma_start3A_185, %dma_start3A_186, %multiple_of3A] : memref<2x8x1000000xf32, #tpu.memory_space<hbm>> -> memref<2x8x16xf32, #tpu.memory_space<hbm>>
        %dma_start3A_188 = arith.constant 0 : i32
        %dma_start3A_189 = arith.constant 0 : i32
        %dma_start3A_190 = tpu.memref_slice %arg19[%dma_start3A_188, %dma_start3A_189, %mul3A_169] : memref<2x8x128xf32, #tpu.memory_space<vmem>> -> memref<2x8x16xf32, #tpu.memory_space<vmem>>
        %dma_start3A_191 = arith.constant 0 : i32
        %dma_start3A_192 = arith.constant 0 : i32
        %dma_start3A_193 = tpu.memref_slice %arg4[%dma_start3A_191, %dma_start3A_192, %multiple_of3A] : memref<2x8x1000000xf32, #tpu.memory_space<hbm>> -> memref<2x8x16xf32, #tpu.memory_space<hbm>>
        tpu.enqueue_dma source(%dma_start3A_193 : memref<2x8x16xf32, #tpu.memory_space<hbm>>) target(%dma_start3A_190 : memref<2x8x16xf32, #tpu.memory_space<vmem>>) target_semaphore(%arg27 : memref<!tpu.dma_semaphore, #tpu.memory_space<semaphore_mem>>)
        %dma_start3A_194 = arith.constant 0 : i32
        %dma_start3A_195 = arith.constant 0 : i32
        %dma_start3A_196 = tpu.memref_slice %arg20[%dma_start3A_194, %dma_start3A_195, %mul3A_169] : memref<8x8x128xf32, #tpu.memory_space<vmem>> -> memref<8x8x16xf32, #tpu.memory_space<vmem>>
        %dma_start3A_197 = arith.constant 0 : i32
        %dma_start3A_198 = arith.constant 0 : i32
        %dma_start3A_199 = tpu.memref_slice %arg5[%dma_start3A_197, %dma_start3A_198, %multiple_of3A] : memref<8x8x1000000xf32, #tpu.memory_space<hbm>> -> memref<8x8x16xf32, #tpu.memory_space<hbm>>
        %dma_start3A_200 = arith.constant 0 : i32
        %dma_start3A_201 = arith.constant 0 : i32
        %dma_start3A_202 = tpu.memref_slice %arg20[%dma_start3A_200, %dma_start3A_201, %mul3A_169] : memref<8x8x128xf32, #tpu.memory_space<vmem>> -> memref<8x8x16xf32, #tpu.memory_space<vmem>>
        %dma_start3A_203 = arith.constant 0 : i32
        %dma_start3A_204 = arith.constant 0 : i32
        %dma_start3A_205 = tpu.memref_slice %arg5[%dma_start3A_203, %dma_start3A_204, %multiple_of3A] : memref<8x8x1000000xf32, #tpu.memory_space<hbm>> -> memref<8x8x16xf32, #tpu.memory_space<hbm>>
        tpu.enqueue_dma source(%dma_start3A_205 : memref<8x8x16xf32, #tpu.memory_space<hbm>>) target(%dma_start3A_202 : memref<8x8x16xf32, #tpu.memory_space<vmem>>) target_semaphore(%arg27 : memref<!tpu.dma_semaphore, #tpu.memory_space<semaphore_mem>>)
        %dma_start3A_206 = arith.constant 0 : i32
        %dma_start3A_207 = arith.constant 0 : i32
        %dma_start3A_208 = tpu.memref_slice %arg21[%dma_start3A_206, %dma_start3A_207, %mul3A_169] : memref<2x8x128xf32, #tpu.memory_space<vmem>> -> memref<2x8x16xf32, #tpu.memory_space<vmem>>
        %dma_start3A_209 = arith.constant 0 : i32
        %dma_start3A_210 = arith.constant 0 : i32
        %dma_start3A_211 = tpu.memref_slice %arg6[%dma_start3A_209, %dma_start3A_210, %multiple_of3A] : memref<2x8x1000000xf32, #tpu.memory_space<hbm>> -> memref<2x8x16xf32, #tpu.memory_space<hbm>>
        %dma_start3A_212 = arith.constant 0 : i32
        %dma_start3A_213 = arith.constant 0 : i32
        %dma_start3A_214 = tpu.memref_slice %arg21[%dma_start3A_212, %dma_start3A_213, %mul3A_169] : memref<2x8x128xf32, #tpu.memory_space<vmem>> -> memref<2x8x16xf32, #tpu.memory_space<vmem>>
        %dma_start3A_215 = arith.constant 0 : i32
        %dma_start3A_216 = arith.constant 0 : i32
        %dma_start3A_217 = tpu.memref_slice %arg6[%dma_start3A_215, %dma_start3A_216, %multiple_of3A] : memref<2x8x1000000xf32, #tpu.memory_space<hbm>> -> memref<2x8x16xf32, #tpu.memory_space<hbm>>
        tpu.enqueue_dma source(%dma_start3A_217 : memref<2x8x16xf32, #tpu.memory_space<hbm>>) target(%dma_start3A_214 : memref<2x8x16xf32, #tpu.memory_space<vmem>>) target_semaphore(%arg27 : memref<!tpu.dma_semaphore, #tpu.memory_space<semaphore_mem>>)
        %scan3A_218 = arith.constant 1 : i32
        %scan3A_219 = arith.addi %scan3A_161, %scan3A_218 : i32
        %mul3A_220 = arith.constant 8 : i32
        %mul3A_221 = arith.muli %add3A_66, %mul3A_220 : i32
        %add3A_222 = arith.addi %mul3A_221, %scan3A_219 : i32
        %get3A_223 = arith.index_cast %add3A_222 : i32 to index
        %get3A_224 = memref.load %arg12[%get3A_223] : memref<512xi32, #tpu.memory_space<smem>>
        %shift_right_arithmetic3A_225 = arith.constant 4 : i32
        %shift_right_arithmetic3A_226 = arith.shrsi %get3A_224, %shift_right_arithmetic3A_225 : i32
        %shift_left3A_227 = arith.constant 4 : i32
        %shift_left3A_228 = arith.shli %shift_right_arithmetic3A_226, %shift_left3A_227 : i32
        %multiple_of3A_229 = tpu.assume_multiple %shift_left3A_228, 16 : i32
        %mul3A_230 = arith.constant 16 : i32
        %mul3A_231 = arith.muli %scan3A_219, %mul3A_230 : i32
        %dma_start3A_232 = arith.constant 0 : i32
        %dma_start3A_233 = arith.constant 0 : i32
        %dma_start3A_234 = tpu.memref_slice %arg18[%dma_start3A_232, %dma_start3A_233, %mul3A_231] : memref<8x8x128xf32, #tpu.memory_space<vmem>> -> memref<8x8x16xf32, #tpu.memory_space<vmem>>
        %dma_start3A_235 = arith.constant 0 : i32
        %dma_start3A_236 = arith.constant 0 : i32
        %dma_start3A_237 = tpu.memref_slice %arg3[%dma_start3A_235, %dma_start3A_236, %multiple_of3A_229] : memref<8x8x1000000xf32, #tpu.memory_space<hbm>> -> memref<8x8x16xf32, #tpu.memory_space<hbm>>
        %dma_start3A_238 = arith.constant 0 : i32
        %dma_start3A_239 = arith.constant 0 : i32
        %dma_start3A_240 = tpu.memref_slice %arg18[%dma_start3A_238, %dma_start3A_239, %mul3A_231] : memref<8x8x128xf32, #tpu.memory_space<vmem>> -> memref<8x8x16xf32, #tpu.memory_space<vmem>>
        %dma_start3A_241 = arith.constant 0 : i32
        %dma_start3A_242 = arith.constant 0 : i32
        %dma_start3A_243 = tpu.memref_slice %arg3[%dma_start3A_241, %dma_start3A_242, %multiple_of3A_229] : memref<8x8x1000000xf32, #tpu.memory_space<hbm>> -> memref<8x8x16xf32, #tpu.memory_space<hbm>>
        tpu.enqueue_dma source(%dma_start3A_243 : memref<8x8x16xf32, #tpu.memory_space<hbm>>) target(%dma_start3A_240 : memref<8x8x16xf32, #tpu.memory_space<vmem>>) target_semaphore(%arg27 : memref<!tpu.dma_semaphore, #tpu.memory_space<semaphore_mem>>)
        %dma_start3A_244 = arith.constant 0 : i32
        %dma_start3A_245 = arith.constant 0 : i32
        %dma_start3A_246 = tpu.memref_slice %arg19[%dma_start3A_244, %dma_start3A_245, %mul3A_231] : memref<2x8x128xf32, #tpu.memory_space<vmem>> -> memref<2x8x16xf32, #tpu.memory_space<vmem>>
        %dma_start3A_247 = arith.constant 0 : i32
        %dma_start3A_248 = arith.constant 0 : i32
        %dma_start3A_249 = tpu.memref_slice %arg4[%dma_start3A_247, %dma_start3A_248, %multiple_of3A_229] : memref<2x8x1000000xf32, #tpu.memory_space<hbm>> -> memref<2x8x16xf32, #tpu.memory_space<hbm>>
        %dma_start3A_250 = arith.constant 0 : i32
        %dma_start3A_251 = arith.constant 0 : i32
        %dma_start3A_252 = tpu.memref_slice %arg19[%dma_start3A_250, %dma_start3A_251, %mul3A_231] : memref<2x8x128xf32, #tpu.memory_space<vmem>> -> memref<2x8x16xf32, #tpu.memory_space<vmem>>
        %dma_start3A_253 = arith.constant 0 : i32
        %dma_start3A_254 = arith.constant 0 : i32
        %dma_start3A_255 = tpu.memref_slice %arg4[%dma_start3A_253, %dma_start3A_254, %multiple_of3A_229] : memref<2x8x1000000xf32, #tpu.memory_space<hbm>> -> memref<2x8x16xf32, #tpu.memory_space<hbm>>
        tpu.enqueue_dma source(%dma_start3A_255 : memref<2x8x16xf32, #tpu.memory_space<hbm>>) target(%dma_start3A_252 : memref<2x8x16xf32, #tpu.memory_space<vmem>>) target_semaphore(%arg27 : memref<!tpu.dma_semaphore, #tpu.memory_space<semaphore_mem>>)
        %dma_start3A_256 = arith.constant 0 : i32
        %dma_start3A_257 = arith.constant 0 : i32
        %dma_start3A_258 = tpu.memref_slice %arg20[%dma_start3A_256, %dma_start3A_257, %mul3A_231] : memref<8x8x128xf32, #tpu.memory_space<vmem>> -> memref<8x8x16xf32, #tpu.memory_space<vmem>>
        %dma_start3A_259 = arith.constant 0 : i32
        %dma_start3A_260 = arith.constant 0 : i32
        %dma_start3A_261 = tpu.memref_slice %arg5[%dma_start3A_259, %dma_start3A_260, %multiple_of3A_229] : memref<8x8x1000000xf32, #tpu.memory_space<hbm>> -> memref<8x8x16xf32, #tpu.memory_space<hbm>>
        %dma_start3A_262 = arith.constant 0 : i32
        %dma_start3A_263 = arith.constant 0 : i32
        %dma_start3A_264 = tpu.memref_slice %arg20[%dma_start3A_262, %dma_start3A_263, %mul3A_231] : memref<8x8x128xf32, #tpu.memory_space<vmem>> -> memref<8x8x16xf32, #tpu.memory_space<vmem>>
        %dma_start3A_265 = arith.constant 0 : i32
        %dma_start3A_266 = arith.constant 0 : i32
        %dma_start3A_267 = tpu.memref_slice %arg5[%dma_start3A_265, %dma_start3A_266, %multiple_of3A_229] : memref<8x8x1000000xf32, #tpu.memory_space<hbm>> -> memref<8x8x16xf32, #tpu.memory_space<hbm>>
        tpu.enqueue_dma source(%dma_start3A_267 : memref<8x8x16xf32, #tpu.memory_space<hbm>>) target(%dma_start3A_264 : memref<8x8x16xf32, #tpu.memory_space<vmem>>) target_semaphore(%arg27 : memref<!tpu.dma_semaphore, #tpu.memory_space<semaphore_mem>>)
        %dma_start3A_268 = arith.constant 0 : i32
        %dma_start3A_269 = arith.constant 0 : i32
        %dma_start3A_270 = tpu.memref_slice %arg21[%dma_start3A_268, %dma_start3A_269, %mul3A_231] : memref<2x8x128xf32, #tpu.memory_space<vmem>> -> memref<2x8x16xf32, #tpu.memory_space<vmem>>
        %dma_start3A_271 = arith.constant 0 : i32
        %dma_start3A_272 = arith.constant 0 : i32
        %dma_start3A_273 = tpu.memref_slice %arg6[%dma_start3A_271, %dma_start3A_272, %multiple_of3A_229] : memref<2x8x1000000xf32, #tpu.memory_space<hbm>> -> memref<2x8x16xf32, #tpu.memory_space<hbm>>
        %dma_start3A_274 = arith.constant 0 : i32
        %dma_start3A_275 = arith.constant 0 : i32
        %dma_start3A_276 = tpu.memref_slice %arg21[%dma_start3A_274, %dma_start3A_275, %mul3A_231] : memref<2x8x128xf32, #tpu.memory_space<vmem>> -> memref<2x8x16xf32, #tpu.memory_space<vmem>>
        %dma_start3A_277 = arith.constant 0 : i32
        %dma_start3A_278 = arith.constant 0 : i32
        %dma_start3A_279 = tpu.memref_slice %arg6[%dma_start3A_277, %dma_start3A_278, %multiple_of3A_229] : memref<2x8x1000000xf32, #tpu.memory_space<hbm>> -> memref<2x8x16xf32, #tpu.memory_space<hbm>>
        tpu.enqueue_dma source(%dma_start3A_279 : memref<2x8x16xf32, #tpu.memory_space<hbm>>) target(%dma_start3A_276 : memref<2x8x16xf32, #tpu.memory_space<vmem>>) target_semaphore(%arg27 : memref<!tpu.dma_semaphore, #tpu.memory_space<semaphore_mem>>)
      }
      %scan3A_72 = arith.constant 8 : i32
      %dma_wait3A_73 = arith.constant 0 : i32
      %dma_wait3A_74 = arith.constant 0 : i32
      %dma_wait3A_75 = arith.constant 0 : i32
      %dma_wait3A_76 = tpu.memref_slice %arg3[%dma_wait3A_73, %dma_wait3A_74, %dma_wait3A_75] : memref<8x8x1000000xf32, #tpu.memory_space<hbm>> -> memref<8x8x128xf32, #tpu.memory_space<hbm>>
      %dma_wait3A_77 = arith.constant 0 : i32
      %dma_wait3A_78 = arith.constant 0 : i32
      %dma_wait3A_79 = arith.constant 0 : i32
      %dma_wait3A_80 = tpu.memref_slice %arg3[%dma_wait3A_77, %dma_wait3A_78, %dma_wait3A_79] : memref<8x8x1000000xf32, #tpu.memory_space<hbm>> -> memref<8x8x128xf32, #tpu.memory_space<hbm>>
      tpu.wait_dma2 semaphore(%arg26 : memref<!tpu.dma_semaphore, #tpu.memory_space<semaphore_mem>>) src(%dma_wait3A_80 : memref<8x8x128xf32, #tpu.memory_space<hbm>>) dst(%arg14 : memref<8x8x128xf32, #tpu.memory_space<vmem>>)
      %dma_wait3A_81 = arith.constant 0 : i32
      %dma_wait3A_82 = arith.constant 0 : i32
      %dma_wait3A_83 = arith.constant 0 : i32
      %dma_wait3A_84 = tpu.memref_slice %arg4[%dma_wait3A_81, %dma_wait3A_82, %dma_wait3A_83] : memref<2x8x1000000xf32, #tpu.memory_space<hbm>> -> memref<2x8x128xf32, #tpu.memory_space<hbm>>
      %dma_wait3A_85 = arith.constant 0 : i32
      %dma_wait3A_86 = arith.constant 0 : i32
      %dma_wait3A_87 = arith.constant 0 : i32
      %dma_wait3A_88 = tpu.memref_slice %arg4[%dma_wait3A_85, %dma_wait3A_86, %dma_wait3A_87] : memref<2x8x1000000xf32, #tpu.memory_space<hbm>> -> memref<2x8x128xf32, #tpu.memory_space<hbm>>
      tpu.wait_dma2 semaphore(%arg26 : memref<!tpu.dma_semaphore, #tpu.memory_space<semaphore_mem>>) src(%dma_wait3A_88 : memref<2x8x128xf32, #tpu.memory_space<hbm>>) dst(%arg15 : memref<2x8x128xf32, #tpu.memory_space<vmem>>)
      %dma_wait3A_89 = arith.constant 0 : i32
      %dma_wait3A_90 = arith.constant 0 : i32
      %dma_wait3A_91 = arith.constant 0 : i32
      %dma_wait3A_92 = tpu.memref_slice %arg5[%dma_wait3A_89, %dma_wait3A_90, %dma_wait3A_91] : memref<8x8x1000000xf32, #tpu.memory_space<hbm>> -> memref<8x8x128xf32, #tpu.memory_space<hbm>>
      %dma_wait3A_93 = arith.constant 0 : i32
      %dma_wait3A_94 = arith.constant 0 : i32
      %dma_wait3A_95 = arith.constant 0 : i32
      %dma_wait3A_96 = tpu.memref_slice %arg5[%dma_wait3A_93, %dma_wait3A_94, %dma_wait3A_95] : memref<8x8x1000000xf32, #tpu.memory_space<hbm>> -> memref<8x8x128xf32, #tpu.memory_space<hbm>>
      tpu.wait_dma2 semaphore(%arg26 : memref<!tpu.dma_semaphore, #tpu.memory_space<semaphore_mem>>) src(%dma_wait3A_96 : memref<8x8x128xf32, #tpu.memory_space<hbm>>) dst(%arg16 : memref<8x8x128xf32, #tpu.memory_space<vmem>>)
      %dma_wait3A_97 = arith.constant 0 : i32
      %dma_wait3A_98 = arith.constant 0 : i32
      %dma_wait3A_99 = arith.constant 0 : i32
      %dma_wait3A_100 = tpu.memref_slice %arg6[%dma_wait3A_97, %dma_wait3A_98, %dma_wait3A_99] : memref<2x8x1000000xf32, #tpu.memory_space<hbm>> -> memref<2x8x128xf32, #tpu.memory_space<hbm>>
      %dma_wait3A_101 = arith.constant 0 : i32
      %dma_wait3A_102 = arith.constant 0 : i32
      %dma_wait3A_103 = arith.constant 0 : i32
      %dma_wait3A_104 = tpu.memref_slice %arg6[%dma_wait3A_101, %dma_wait3A_102, %dma_wait3A_103] : memref<2x8x1000000xf32, #tpu.memory_space<hbm>> -> memref<2x8x128xf32, #tpu.memory_space<hbm>>
      tpu.wait_dma2 semaphore(%arg26 : memref<!tpu.dma_semaphore, #tpu.memory_space<semaphore_mem>>) src(%dma_wait3A_104 : memref<2x8x128xf32, #tpu.memory_space<hbm>>) dst(%arg17 : memref<2x8x128xf32, #tpu.memory_space<vmem>>)
      %mul3A_105 = arith.constant 2 : i32
      %mul3A_106 = arith.muli %mul3A_105, %scan3A_62 : i32
      %scan3A_107 = arith.constant 0 : i32
      %scan3A_108 = arith.constant 0 : i32
      %scan3A_109 = arith.constant 8 : i32
      %scan3A_110 = arith.addi %scan3A_108, %scan3A_109 : i32
      %scan3A_111 = arith.constant 1 : i32
      scf.for %scan3A_161 = %scan3A_108 to %scan3A_110 step %scan3A_111  : i32 {
        %mul3A_162 = arith.constant 8 : i32
        %mul3A_163 = arith.muli %mul3A_106, %mul3A_162 : i32
        %add3A_164 = arith.addi %mul3A_163, %scan3A_161 : i32
        %mul3A_165 = arith.constant 0 : i32
        %mul3A_166 = vector.broadcast %mul3A_165 : i32 to vector<16xi32>
        %mul3A_167 = arith.muli %iota3A, %mul3A_166 : vector<16xi32>
        %add3A_168 = vector.broadcast %add3A_164 : i32 to vector<16xi32>
        %add3A_169 = arith.addi %mul3A_167, %add3A_168 : vector<16xi32>
        %gather3A = tpu.vector_load_idx %arg13[%add3A_169] : memref<512xi32, #tpu.memory_space<vmem>>[vector<16xi32>], vector<16xi32>,
        %rem3A_170 = arith.constant 16 : i32
        %rem3A_171 = vector.broadcast %rem3A_170 : i32 to vector<16xi32>
        %rem3A_172 = arith.remsi %gather3A, %rem3A_171 : vector<16xi32>
        %mul3A_173 = arith.constant 16 : i32
        %mul3A_174 = arith.muli %scan3A_161, %mul3A_173 : i32
        %add3A_175 = vector.broadcast %mul3A_174 : i32 to vector<16xi32>
        %add3A_176 = arith.addi %rem3A_172, %add3A_175 : vector<16xi32>
        %jit3A = arith.constant 8 : i32
        %div3A = vector.broadcast %jit3A : i32 to vector<16xi32>
        %div3A_177 = arith.divsi %iota3A, %div3A : vector<16xi32>
        %sign3A = arith.constant 0 : i32
        %sign3A_178 = vector.broadcast %sign3A : i32 to vector<16xi32>
        %sign3A_179 = arith.cmpi sgt, %iota3A, %sign3A_178 : vector<16xi32>
        %sign3A_180 = arith.extui %sign3A_179 : vector<16xi1> to vector<16xi32>
        %sign3A_181 = arith.constant 0 : i32
        %sign3A_182 = vector.broadcast %sign3A_181 : i32 to vector<16xi32>
        %sign3A_183 = arith.cmpi slt, %iota3A, %sign3A_182 : vector<16xi32>
        %sign3A_184 = arith.extui %sign3A_183 : vector<16xi1> to vector<16xi32>
        %sign3A_185 = arith.subi %sign3A_180, %sign3A_184 : vector<16xi32>
        %sign3A_186 = arith.constant 0 : i32
        %sign3A_187 = arith.cmpi sgt, %jit3A, %sign3A_186 : i32
        %sign3A_188 = arith.extui %sign3A_187 : i1 to i32
        %sign3A_189 = arith.constant 0 : i32
        %sign3A_190 = arith.cmpi slt, %jit3A, %sign3A_189 : i32
        %sign3A_191 = arith.extui %sign3A_190 : i1 to i32
        %sign3A_192 = arith.subi %sign3A_188, %sign3A_191 : i32
        %ne3A = vector.broadcast %sign3A_192 : i32 to vector<16xi32>
        %ne3A_193 = arith.cmpi ne, %sign3A_185, %ne3A : vector<16xi32>
        %rem3A_194 = vector.broadcast %jit3A : i32 to vector<16xi32>
        %rem3A_195 = arith.remsi %iota3A, %rem3A_194 : vector<16xi32>
        %ne3A_196 = arith.constant 0 : i32
        %ne3A_197 = vector.broadcast %ne3A_196 : i32 to vector<16xi32>
        %ne3A_198 = arith.cmpi ne, %rem3A_195, %ne3A_197 : vector<16xi32>
        %and3A = arith.andi %ne3A_193, %ne3A_198 : vector<16xi1>
        %sub3A = arith.constant 1 : i32
        %sub3A_199 = vector.broadcast %sub3A : i32 to vector<16xi32>
        %sub3A_200 = arith.subi %div3A_177, %sub3A_199 : vector<16xi32>
        %select_n3A = arith.select %and3A, %sub3A_200, %div3A_177 : vector<16xi1>, vector<16xi32>
        %add3A_201 = arith.constant 0 : i32
        %add3A_202 = vector.broadcast %add3A_201 : i32 to vector<16xi32>
        %add3A_203 = arith.addi %add3A_202, %select_n3A : vector<16xi32>
        %gather3A_204 = tpu.vector_load_idx %arg14[%add3A_203, %rem3A_4, %add3A_176] : memref<8x8x128xf32, #tpu.memory_space<vmem>>[vector<16xi32>, vector<16xi32>, vector<16xi32>], vector<16xf32>,
        %mul3A_205 = arith.constant 0 : i32
        %mul3A_206 = vector.broadcast %mul3A_205 : i32 to vector<16xi32>
        %mul3A_207 = arith.muli %iota3A, %mul3A_206 : vector<16xi32>
        %add3A_208 = vector.broadcast %add3A_164 : i32 to vector<16xi32>
        %add3A_209 = arith.addi %mul3A_207, %add3A_208 : vector<16xi32>
        tpu.vector_store_idx %arg22[%add3A_203, %rem3A_4, %add3A_209], %gather3A_204 : memref<8x8x512xf32, #tpu.memory_space<vmem>>[vector<16xi32>, vector<16xi32>, vector<16xi32>], vector<16xf32>,
        %jit3A_210 = arith.constant 8 : i32
        %div3A_211 = vector.broadcast %jit3A_210 : i32 to vector<16xi32>
        %div3A_212 = arith.divsi %iota3A, %div3A_211 : vector<16xi32>
        %sign3A_213 = arith.constant 0 : i32
        %sign3A_214 = vector.broadcast %sign3A_213 : i32 to vector<16xi32>
        %sign3A_215 = arith.cmpi sgt, %iota3A, %sign3A_214 : vector<16xi32>
        %sign3A_216 = arith.extui %sign3A_215 : vector<16xi1> to vector<16xi32>
        %sign3A_217 = arith.constant 0 : i32
        %sign3A_218 = vector.broadcast %sign3A_217 : i32 to vector<16xi32>
        %sign3A_219 = arith.cmpi slt, %iota3A, %sign3A_218 : vector<16xi32>
        %sign3A_220 = arith.extui %sign3A_219 : vector<16xi1> to vector<16xi32>
        %sign3A_221 = arith.subi %sign3A_216, %sign3A_220 : vector<16xi32>
        %sign3A_222 = arith.constant 0 : i32
        %sign3A_223 = arith.cmpi sgt, %jit3A_210, %sign3A_222 : i32
        %sign3A_224 = arith.extui %sign3A_223 : i1 to i32
        %sign3A_225 = arith.constant 0 : i32
        %sign3A_226 = arith.cmpi slt, %jit3A_210, %sign3A_225 : i32
        %sign3A_227 = arith.extui %sign3A_226 : i1 to i32
        %sign3A_228 = arith.subi %sign3A_224, %sign3A_227 : i32
        %ne3A_229 = vector.broadcast %sign3A_228 : i32 to vector<16xi32>
        %ne3A_230 = arith.cmpi ne, %sign3A_221, %ne3A_229 : vector<16xi32>
        %rem3A_231 = vector.broadcast %jit3A_210 : i32 to vector<16xi32>
        %rem3A_232 = arith.remsi %iota3A, %rem3A_231 : vector<16xi32>
        %ne3A_233 = arith.constant 0 : i32
        %ne3A_234 = vector.broadcast %ne3A_233 : i32 to vector<16xi32>
        %ne3A_235 = arith.cmpi ne, %rem3A_232, %ne3A_234 : vector<16xi32>
        %and3A_236 = arith.andi %ne3A_230, %ne3A_235 : vector<16xi1>
        %sub3A_237 = arith.constant 1 : i32
        %sub3A_238 = vector.broadcast %sub3A_237 : i32 to vector<16xi32>
        %sub3A_239 = arith.subi %div3A_212, %sub3A_238 : vector<16xi32>
        %select_n3A_240 = arith.select %and3A_236, %sub3A_239, %div3A_212 : vector<16xi1>, vector<16xi32>
        %add3A_241 = arith.constant 2 : i32
        %add3A_242 = vector.broadcast %add3A_241 : i32 to vector<16xi32>
        %add3A_243 = arith.addi %add3A_242, %select_n3A_240 : vector<16xi32>
        %gather3A_244 = tpu.vector_load_idx %arg14[%add3A_243, %rem3A_4, %add3A_176] : memref<8x8x128xf32, #tpu.memory_space<vmem>>[vector<16xi32>, vector<16xi32>, vector<16xi32>], vector<16xf32>,
        %mul3A_245 = arith.constant 0 : i32
        %mul3A_246 = vector.broadcast %mul3A_245 : i32 to vector<16xi32>
        %mul3A_247 = arith.muli %iota3A, %mul3A_246 : vector<16xi32>
        %add3A_248 = vector.broadcast %add3A_164 : i32 to vector<16xi32>
        %add3A_249 = arith.addi %mul3A_247, %add3A_248 : vector<16xi32>
        tpu.vector_store_idx %arg22[%add3A_243, %rem3A_4, %add3A_249], %gather3A_244 : memref<8x8x512xf32, #tpu.memory_space<vmem>>[vector<16xi32>, vector<16xi32>, vector<16xi32>], vector<16xf32>,
        %jit3A_250 = arith.constant 8 : i32
        %div3A_251 = vector.broadcast %jit3A_250 : i32 to vector<16xi32>
        %div3A_252 = arith.divsi %iota3A, %div3A_251 : vector<16xi32>
        %sign3A_253 = arith.constant 0 : i32
        %sign3A_254 = vector.broadcast %sign3A_253 : i32 to vector<16xi32>
        %sign3A_255 = arith.cmpi sgt, %iota3A, %sign3A_254 : vector<16xi32>
        %sign3A_256 = arith.extui %sign3A_255 : vector<16xi1> to vector<16xi32>
        %sign3A_257 = arith.constant 0 : i32
        %sign3A_258 = vector.broadcast %sign3A_257 : i32 to vector<16xi32>
        %sign3A_259 = arith.cmpi slt, %iota3A, %sign3A_258 : vector<16xi32>
        %sign3A_260 = arith.extui %sign3A_259 : vector<16xi1> to vector<16xi32>
        %sign3A_261 = arith.subi %sign3A_256, %sign3A_260 : vector<16xi32>
        %sign3A_262 = arith.constant 0 : i32
        %sign3A_263 = arith.cmpi sgt, %jit3A_250, %sign3A_262 : i32
        %sign3A_264 = arith.extui %sign3A_263 : i1 to i32
        %sign3A_265 = arith.constant 0 : i32
        %sign3A_266 = arith.cmpi slt, %jit3A_250, %sign3A_265 : i32
        %sign3A_267 = arith.extui %sign3A_266 : i1 to i32
        %sign3A_268 = arith.subi %sign3A_264, %sign3A_267 : i32
        %ne3A_269 = vector.broadcast %sign3A_268 : i32 to vector<16xi32>
        %ne3A_270 = arith.cmpi ne, %sign3A_261, %ne3A_269 : vector<16xi32>
        %rem3A_271 = vector.broadcast %jit3A_250 : i32 to vector<16xi32>
        %rem3A_272 = arith.remsi %iota3A, %rem3A_271 : vector<16xi32>
        %ne3A_273 = arith.constant 0 : i32
        %ne3A_274 = vector.broadcast %ne3A_273 : i32 to vector<16xi32>
        %ne3A_275 = arith.cmpi ne, %rem3A_272, %ne3A_274 : vector<16xi32>
        %and3A_276 = arith.andi %ne3A_270, %ne3A_275 : vector<16xi1>
        %sub3A_277 = arith.constant 1 : i32
        %sub3A_278 = vector.broadcast %sub3A_277 : i32 to vector<16xi32>
        %sub3A_279 = arith.subi %div3A_252, %sub3A_278 : vector<16xi32>
        %select_n3A_280 = arith.select %and3A_276, %sub3A_279, %div3A_252 : vector<16xi1>, vector<16xi32>
        %add3A_281 = arith.constant 4 : i32
        %add3A_282 = vector.broadcast %add3A_281 : i32 to vector<16xi32>
        %add3A_283 = arith.addi %add3A_282, %select_n3A_280 : vector<16xi32>
        %gather3A_284 = tpu.vector_load_idx %arg14[%add3A_283, %rem3A_4, %add3A_176] : memref<8x8x128xf32, #tpu.memory_space<vmem>>[vector<16xi32>, vector<16xi32>, vector<16xi32>], vector<16xf32>,
        %mul3A_285 = arith.constant 0 : i32
        %mul3A_286 = vector.broadcast %mul3A_285 : i32 to vector<16xi32>
        %mul3A_287 = arith.muli %iota3A, %mul3A_286 : vector<16xi32>
        %add3A_288 = vector.broadcast %add3A_164 : i32 to vector<16xi32>
        %add3A_289 = arith.addi %mul3A_287, %add3A_288 : vector<16xi32>
        tpu.vector_store_idx %arg22[%add3A_283, %rem3A_4, %add3A_289], %gather3A_284 : memref<8x8x512xf32, #tpu.memory_space<vmem>>[vector<16xi32>, vector<16xi32>, vector<16xi32>], vector<16xf32>,
        %jit3A_290 = arith.constant 8 : i32
        %div3A_291 = vector.broadcast %jit3A_290 : i32 to vector<16xi32>
        %div3A_292 = arith.divsi %iota3A, %div3A_291 : vector<16xi32>
        %sign3A_293 = arith.constant 0 : i32
        %sign3A_294 = vector.broadcast %sign3A_293 : i32 to vector<16xi32>
        %sign3A_295 = arith.cmpi sgt, %iota3A, %sign3A_294 : vector<16xi32>
        %sign3A_296 = arith.extui %sign3A_295 : vector<16xi1> to vector<16xi32>
        %sign3A_297 = arith.constant 0 : i32
        %sign3A_298 = vector.broadcast %sign3A_297 : i32 to vector<16xi32>
        %sign3A_299 = arith.cmpi slt, %iota3A, %sign3A_298 : vector<16xi32>
        %sign3A_300 = arith.extui %sign3A_299 : vector<16xi1> to vector<16xi32>
        %sign3A_301 = arith.subi %sign3A_296, %sign3A_300 : vector<16xi32>
        %sign3A_302 = arith.constant 0 : i32
        %sign3A_303 = arith.cmpi sgt, %jit3A_290, %sign3A_302 : i32
        %sign3A_304 = arith.extui %sign3A_303 : i1 to i32
        %sign3A_305 = arith.constant 0 : i32
        %sign3A_306 = arith.cmpi slt, %jit3A_290, %sign3A_305 : i32
        %sign3A_307 = arith.extui %sign3A_306 : i1 to i32
        %sign3A_308 = arith.subi %sign3A_304, %sign3A_307 : i32
        %ne3A_309 = vector.broadcast %sign3A_308 : i32 to vector<16xi32>
        %ne3A_310 = arith.cmpi ne, %sign3A_301, %ne3A_309 : vector<16xi32>
        %rem3A_311 = vector.broadcast %jit3A_290 : i32 to vector<16xi32>
        %rem3A_312 = arith.remsi %iota3A, %rem3A_311 : vector<16xi32>
        %ne3A_313 = arith.constant 0 : i32
        %ne3A_314 = vector.broadcast %ne3A_313 : i32 to vector<16xi32>
        %ne3A_315 = arith.cmpi ne, %rem3A_312, %ne3A_314 : vector<16xi32>
        %and3A_316 = arith.andi %ne3A_310, %ne3A_315 : vector<16xi1>
        %sub3A_317 = arith.constant 1 : i32
        %sub3A_318 = vector.broadcast %sub3A_317 : i32 to vector<16xi32>
        %sub3A_319 = arith.subi %div3A_292, %sub3A_318 : vector<16xi32>
        %select_n3A_320 = arith.select %and3A_316, %sub3A_319, %div3A_292 : vector<16xi1>, vector<16xi32>
        %add3A_321 = arith.constant 6 : i32
        %add3A_322 = vector.broadcast %add3A_321 : i32 to vector<16xi32>
        %add3A_323 = arith.addi %add3A_322, %select_n3A_320 : vector<16xi32>
        %gather3A_324 = tpu.vector_load_idx %arg14[%add3A_323, %rem3A_4, %add3A_176] : memref<8x8x128xf32, #tpu.memory_space<vmem>>[vector<16xi32>, vector<16xi32>, vector<16xi32>], vector<16xf32>,
        %mul3A_325 = arith.constant 0 : i32
        %mul3A_326 = vector.broadcast %mul3A_325 : i32 to vector<16xi32>
        %mul3A_327 = arith.muli %iota3A, %mul3A_326 : vector<16xi32>
        %add3A_328 = vector.broadcast %add3A_164 : i32 to vector<16xi32>
        %add3A_329 = arith.addi %mul3A_327, %add3A_328 : vector<16xi32>
        tpu.vector_store_idx %arg22[%add3A_323, %rem3A_4, %add3A_329], %gather3A_324 : memref<8x8x512xf32, #tpu.memory_space<vmem>>[vector<16xi32>, vector<16xi32>, vector<16xi32>], vector<16xf32>,
        %jit3A_330 = arith.constant 8 : i32
        %div3A_331 = vector.broadcast %jit3A_330 : i32 to vector<16xi32>
        %div3A_332 = arith.divsi %iota3A, %div3A_331 : vector<16xi32>
        %sign3A_333 = arith.constant 0 : i32
        %sign3A_334 = vector.broadcast %sign3A_333 : i32 to vector<16xi32>
        %sign3A_335 = arith.cmpi sgt, %iota3A, %sign3A_334 : vector<16xi32>
        %sign3A_336 = arith.extui %sign3A_335 : vector<16xi1> to vector<16xi32>
        %sign3A_337 = arith.constant 0 : i32
        %sign3A_338 = vector.broadcast %sign3A_337 : i32 to vector<16xi32>
        %sign3A_339 = arith.cmpi slt, %iota3A, %sign3A_338 : vector<16xi32>
        %sign3A_340 = arith.extui %sign3A_339 : vector<16xi1> to vector<16xi32>
        %sign3A_341 = arith.subi %sign3A_336, %sign3A_340 : vector<16xi32>
        %sign3A_342 = arith.constant 0 : i32
        %sign3A_343 = arith.cmpi sgt, %jit3A_330, %sign3A_342 : i32
        %sign3A_344 = arith.extui %sign3A_343 : i1 to i32
        %sign3A_345 = arith.constant 0 : i32
        %sign3A_346 = arith.cmpi slt, %jit3A_330, %sign3A_345 : i32
        %sign3A_347 = arith.extui %sign3A_346 : i1 to i32
        %sign3A_348 = arith.subi %sign3A_344, %sign3A_347 : i32
        %ne3A_349 = vector.broadcast %sign3A_348 : i32 to vector<16xi32>
        %ne3A_350 = arith.cmpi ne, %sign3A_341, %ne3A_349 : vector<16xi32>
        %rem3A_351 = vector.broadcast %jit3A_330 : i32 to vector<16xi32>
        %rem3A_352 = arith.remsi %iota3A, %rem3A_351 : vector<16xi32>
        %ne3A_353 = arith.constant 0 : i32
        %ne3A_354 = vector.broadcast %ne3A_353 : i32 to vector<16xi32>
        %ne3A_355 = arith.cmpi ne, %rem3A_352, %ne3A_354 : vector<16xi32>
        %and3A_356 = arith.andi %ne3A_350, %ne3A_355 : vector<16xi1>
        %sub3A_357 = arith.constant 1 : i32
        %sub3A_358 = vector.broadcast %sub3A_357 : i32 to vector<16xi32>
        %sub3A_359 = arith.subi %div3A_332, %sub3A_358 : vector<16xi32>
        %select_n3A_360 = arith.select %and3A_356, %sub3A_359, %div3A_332 : vector<16xi1>, vector<16xi32>
        %add3A_361 = arith.constant 0 : i32
        %add3A_362 = vector.broadcast %add3A_361 : i32 to vector<16xi32>
        %add3A_363 = arith.addi %add3A_362, %select_n3A_360 : vector<16xi32>
        %gather3A_364 = tpu.vector_load_idx %arg15[%add3A_363, %rem3A_4, %add3A_176] : memref<2x8x128xf32, #tpu.memory_space<vmem>>[vector<16xi32>, vector<16xi32>, vector<16xi32>], vector<16xf32>,
        %mul3A_365 = arith.constant 0 : i32
        %mul3A_366 = vector.broadcast %mul3A_365 : i32 to vector<16xi32>
        %mul3A_367 = arith.muli %iota3A, %mul3A_366 : vector<16xi32>
        %add3A_368 = vector.broadcast %add3A_164 : i32 to vector<16xi32>
        %add3A_369 = arith.addi %mul3A_367, %add3A_368 : vector<16xi32>
        tpu.vector_store_idx %arg23[%add3A_363, %rem3A_4, %add3A_369], %gather3A_364 : memref<2x8x512xf32, #tpu.memory_space<vmem>>[vector<16xi32>, vector<16xi32>, vector<16xi32>], vector<16xf32>,
        %jit3A_370 = arith.constant 8 : i32
        %div3A_371 = vector.broadcast %jit3A_370 : i32 to vector<16xi32>
        %div3A_372 = arith.divsi %iota3A, %div3A_371 : vector<16xi32>
        %sign3A_373 = arith.constant 0 : i32
        %sign3A_374 = vector.broadcast %sign3A_373 : i32 to vector<16xi32>
        %sign3A_375 = arith.cmpi sgt, %iota3A, %sign3A_374 : vector<16xi32>
        %sign3A_376 = arith.extui %sign3A_375 : vector<16xi1> to vector<16xi32>
        %sign3A_377 = arith.constant 0 : i32
        %sign3A_378 = vector.broadcast %sign3A_377 : i32 to vector<16xi32>
        %sign3A_379 = arith.cmpi slt, %iota3A, %sign3A_378 : vector<16xi32>
        %sign3A_380 = arith.extui %sign3A_379 : vector<16xi1> to vector<16xi32>
        %sign3A_381 = arith.subi %sign3A_376, %sign3A_380 : vector<16xi32>
        %sign3A_382 = arith.constant 0 : i32
        %sign3A_383 = arith.cmpi sgt, %jit3A_370, %sign3A_382 : i32
        %sign3A_384 = arith.extui %sign3A_383 : i1 to i32
        %sign3A_385 = arith.constant 0 : i32
        %sign3A_386 = arith.cmpi slt, %jit3A_370, %sign3A_385 : i32
        %sign3A_387 = arith.extui %sign3A_386 : i1 to i32
        %sign3A_388 = arith.subi %sign3A_384, %sign3A_387 : i32
        %ne3A_389 = vector.broadcast %sign3A_388 : i32 to vector<16xi32>
        %ne3A_390 = arith.cmpi ne, %sign3A_381, %ne3A_389 : vector<16xi32>
        %rem3A_391 = vector.broadcast %jit3A_370 : i32 to vector<16xi32>
        %rem3A_392 = arith.remsi %iota3A, %rem3A_391 : vector<16xi32>
        %ne3A_393 = arith.constant 0 : i32
        %ne3A_394 = vector.broadcast %ne3A_393 : i32 to vector<16xi32>
        %ne3A_395 = arith.cmpi ne, %rem3A_392, %ne3A_394 : vector<16xi32>
        %and3A_396 = arith.andi %ne3A_390, %ne3A_395 : vector<16xi1>
        %sub3A_397 = arith.constant 1 : i32
        %sub3A_398 = vector.broadcast %sub3A_397 : i32 to vector<16xi32>
        %sub3A_399 = arith.subi %div3A_372, %sub3A_398 : vector<16xi32>
        %select_n3A_400 = arith.select %and3A_396, %sub3A_399, %div3A_372 : vector<16xi1>, vector<16xi32>
        %add3A_401 = arith.constant 0 : i32
        %add3A_402 = vector.broadcast %add3A_401 : i32 to vector<16xi32>
        %add3A_403 = arith.addi %add3A_402, %select_n3A_400 : vector<16xi32>
        %gather3A_404 = tpu.vector_load_idx %arg16[%add3A_403, %rem3A_4, %add3A_176] : memref<8x8x128xf32, #tpu.memory_space<vmem>>[vector<16xi32>, vector<16xi32>, vector<16xi32>], vector<16xf32>,
        %mul3A_405 = arith.constant 0 : i32
        %mul3A_406 = vector.broadcast %mul3A_405 : i32 to vector<16xi32>
        %mul3A_407 = arith.muli %iota3A, %mul3A_406 : vector<16xi32>
        %add3A_408 = vector.broadcast %add3A_164 : i32 to vector<16xi32>
        %add3A_409 = arith.addi %mul3A_407, %add3A_408 : vector<16xi32>
        tpu.vector_store_idx %arg24[%add3A_403, %rem3A_4, %add3A_409], %gather3A_404 : memref<8x8x512xf32, #tpu.memory_space<vmem>>[vector<16xi32>, vector<16xi32>, vector<16xi32>], vector<16xf32>,
        %jit3A_410 = arith.constant 8 : i32
        %div3A_411 = vector.broadcast %jit3A_410 : i32 to vector<16xi32>
        %div3A_412 = arith.divsi %iota3A, %div3A_411 : vector<16xi32>
        %sign3A_413 = arith.constant 0 : i32
        %sign3A_414 = vector.broadcast %sign3A_413 : i32 to vector<16xi32>
        %sign3A_415 = arith.cmpi sgt, %iota3A, %sign3A_414 : vector<16xi32>
        %sign3A_416 = arith.extui %sign3A_415 : vector<16xi1> to vector<16xi32>
        %sign3A_417 = arith.constant 0 : i32
        %sign3A_418 = vector.broadcast %sign3A_417 : i32 to vector<16xi32>
        %sign3A_419 = arith.cmpi slt, %iota3A, %sign3A_418 : vector<16xi32>
        %sign3A_420 = arith.extui %sign3A_419 : vector<16xi1> to vector<16xi32>
        %sign3A_421 = arith.subi %sign3A_416, %sign3A_420 : vector<16xi32>
        %sign3A_422 = arith.constant 0 : i32
        %sign3A_423 = arith.cmpi sgt, %jit3A_410, %sign3A_422 : i32
        %sign3A_424 = arith.extui %sign3A_423 : i1 to i32
        %sign3A_425 = arith.constant 0 : i32
        %sign3A_426 = arith.cmpi slt, %jit3A_410, %sign3A_425 : i32
        %sign3A_427 = arith.extui %sign3A_426 : i1 to i32
        %sign3A_428 = arith.subi %sign3A_424, %sign3A_427 : i32
        %ne3A_429 = vector.broadcast %sign3A_428 : i32 to vector<16xi32>
        %ne3A_430 = arith.cmpi ne, %sign3A_421, %ne3A_429 : vector<16xi32>
        %rem3A_431 = vector.broadcast %jit3A_410 : i32 to vector<16xi32>
        %rem3A_432 = arith.remsi %iota3A, %rem3A_431 : vector<16xi32>
        %ne3A_433 = arith.constant 0 : i32
        %ne3A_434 = vector.broadcast %ne3A_433 : i32 to vector<16xi32>
        %ne3A_435 = arith.cmpi ne, %rem3A_432, %ne3A_434 : vector<16xi32>
        %and3A_436 = arith.andi %ne3A_430, %ne3A_435 : vector<16xi1>
        %sub3A_437 = arith.constant 1 : i32
        %sub3A_438 = vector.broadcast %sub3A_437 : i32 to vector<16xi32>
        %sub3A_439 = arith.subi %div3A_412, %sub3A_438 : vector<16xi32>
        %select_n3A_440 = arith.select %and3A_436, %sub3A_439, %div3A_412 : vector<16xi1>, vector<16xi32>
        %add3A_441 = arith.constant 2 : i32
        %add3A_442 = vector.broadcast %add3A_441 : i32 to vector<16xi32>
        %add3A_443 = arith.addi %add3A_442, %select_n3A_440 : vector<16xi32>
        %gather3A_444 = tpu.vector_load_idx %arg16[%add3A_443, %rem3A_4, %add3A_176] : memref<8x8x128xf32, #tpu.memory_space<vmem>>[vector<16xi32>, vector<16xi32>, vector<16xi32>], vector<16xf32>,
        %mul3A_445 = arith.constant 0 : i32
        %mul3A_446 = vector.broadcast %mul3A_445 : i32 to vector<16xi32>
        %mul3A_447 = arith.muli %iota3A, %mul3A_446 : vector<16xi32>
        %add3A_448 = vector.broadcast %add3A_164 : i32 to vector<16xi32>
        %add3A_449 = arith.addi %mul3A_447, %add3A_448 : vector<16xi32>
        tpu.vector_store_idx %arg24[%add3A_443, %rem3A_4, %add3A_449], %gather3A_444 : memref<8x8x512xf32, #tpu.memory_space<vmem>>[vector<16xi32>, vector<16xi32>, vector<16xi32>], vector<16xf32>,
        %jit3A_450 = arith.constant 8 : i32
        %div3A_451 = vector.broadcast %jit3A_450 : i32 to vector<16xi32>
        %div3A_452 = arith.divsi %iota3A, %div3A_451 : vector<16xi32>
        %sign3A_453 = arith.constant 0 : i32
        %sign3A_454 = vector.broadcast %sign3A_453 : i32 to vector<16xi32>
        %sign3A_455 = arith.cmpi sgt, %iota3A, %sign3A_454 : vector<16xi32>
        %sign3A_456 = arith.extui %sign3A_455 : vector<16xi1> to vector<16xi32>
        %sign3A_457 = arith.constant 0 : i32
        %sign3A_458 = vector.broadcast %sign3A_457 : i32 to vector<16xi32>
        %sign3A_459 = arith.cmpi slt, %iota3A, %sign3A_458 : vector<16xi32>
        %sign3A_460 = arith.extui %sign3A_459 : vector<16xi1> to vector<16xi32>
        %sign3A_461 = arith.subi %sign3A_456, %sign3A_460 : vector<16xi32>
        %sign3A_462 = arith.constant 0 : i32
        %sign3A_463 = arith.cmpi sgt, %jit3A_450, %sign3A_462 : i32
        %sign3A_464 = arith.extui %sign3A_463 : i1 to i32
        %sign3A_465 = arith.constant 0 : i32
        %sign3A_466 = arith.cmpi slt, %jit3A_450, %sign3A_465 : i32
        %sign3A_467 = arith.extui %sign3A_466 : i1 to i32
        %sign3A_468 = arith.subi %sign3A_464, %sign3A_467 : i32
        %ne3A_469 = vector.broadcast %sign3A_468 : i32 to vector<16xi32>
        %ne3A_470 = arith.cmpi ne, %sign3A_461, %ne3A_469 : vector<16xi32>
        %rem3A_471 = vector.broadcast %jit3A_450 : i32 to vector<16xi32>
        %rem3A_472 = arith.remsi %iota3A, %rem3A_471 : vector<16xi32>
        %ne3A_473 = arith.constant 0 : i32
        %ne3A_474 = vector.broadcast %ne3A_473 : i32 to vector<16xi32>
        %ne3A_475 = arith.cmpi ne, %rem3A_472, %ne3A_474 : vector<16xi32>
        %and3A_476 = arith.andi %ne3A_470, %ne3A_475 : vector<16xi1>
        %sub3A_477 = arith.constant 1 : i32
        %sub3A_478 = vector.broadcast %sub3A_477 : i32 to vector<16xi32>
        %sub3A_479 = arith.subi %div3A_452, %sub3A_478 : vector<16xi32>
        %select_n3A_480 = arith.select %and3A_476, %sub3A_479, %div3A_452 : vector<16xi1>, vector<16xi32>
        %add3A_481 = arith.constant 4 : i32
        %add3A_482 = vector.broadcast %add3A_481 : i32 to vector<16xi32>
        %add3A_483 = arith.addi %add3A_482, %select_n3A_480 : vector<16xi32>
        %gather3A_484 = tpu.vector_load_idx %arg16[%add3A_483, %rem3A_4, %add3A_176] : memref<8x8x128xf32, #tpu.memory_space<vmem>>[vector<16xi32>, vector<16xi32>, vector<16xi32>], vector<16xf32>,
        %mul3A_485 = arith.constant 0 : i32
        %mul3A_486 = vector.broadcast %mul3A_485 : i32 to vector<16xi32>
        %mul3A_487 = arith.muli %iota3A, %mul3A_486 : vector<16xi32>
        %add3A_488 = vector.broadcast %add3A_164 : i32 to vector<16xi32>
        %add3A_489 = arith.addi %mul3A_487, %add3A_488 : vector<16xi32>
        tpu.vector_store_idx %arg24[%add3A_483, %rem3A_4, %add3A_489], %gather3A_484 : memref<8x8x512xf32, #tpu.memory_space<vmem>>[vector<16xi32>, vector<16xi32>, vector<16xi32>], vector<16xf32>,
        %jit3A_490 = arith.constant 8 : i32
        %div3A_491 = vector.broadcast %jit3A_490 : i32 to vector<16xi32>
        %div3A_492 = arith.divsi %iota3A, %div3A_491 : vector<16xi32>
        %sign3A_493 = arith.constant 0 : i32
        %sign3A_494 = vector.broadcast %sign3A_493 : i32 to vector<16xi32>
        %sign3A_495 = arith.cmpi sgt, %iota3A, %sign3A_494 : vector<16xi32>
        %sign3A_496 = arith.extui %sign3A_495 : vector<16xi1> to vector<16xi32>
        %sign3A_497 = arith.constant 0 : i32
        %sign3A_498 = vector.broadcast %sign3A_497 : i32 to vector<16xi32>
        %sign3A_499 = arith.cmpi slt, %iota3A, %sign3A_498 : vector<16xi32>
        %sign3A_500 = arith.extui %sign3A_499 : vector<16xi1> to vector<16xi32>
        %sign3A_501 = arith.subi %sign3A_496, %sign3A_500 : vector<16xi32>
        %sign3A_502 = arith.constant 0 : i32
        %sign3A_503 = arith.cmpi sgt, %jit3A_490, %sign3A_502 : i32
        %sign3A_504 = arith.extui %sign3A_503 : i1 to i32
        %sign3A_505 = arith.constant 0 : i32
        %sign3A_506 = arith.cmpi slt, %jit3A_490, %sign3A_505 : i32
        %sign3A_507 = arith.extui %sign3A_506 : i1 to i32
        %sign3A_508 = arith.subi %sign3A_504, %sign3A_507 : i32
        %ne3A_509 = vector.broadcast %sign3A_508 : i32 to vector<16xi32>
        %ne3A_510 = arith.cmpi ne, %sign3A_501, %ne3A_509 : vector<16xi32>
        %rem3A_511 = vector.broadcast %jit3A_490 : i32 to vector<16xi32>
        %rem3A_512 = arith.remsi %iota3A, %rem3A_511 : vector<16xi32>
        %ne3A_513 = arith.constant 0 : i32
        %ne3A_514 = vector.broadcast %ne3A_513 : i32 to vector<16xi32>
        %ne3A_515 = arith.cmpi ne, %rem3A_512, %ne3A_514 : vector<16xi32>
        %and3A_516 = arith.andi %ne3A_510, %ne3A_515 : vector<16xi1>
        %sub3A_517 = arith.constant 1 : i32
        %sub3A_518 = vector.broadcast %sub3A_517 : i32 to vector<16xi32>
        %sub3A_519 = arith.subi %div3A_492, %sub3A_518 : vector<16xi32>
        %select_n3A_520 = arith.select %and3A_516, %sub3A_519, %div3A_492 : vector<16xi1>, vector<16xi32>
        %add3A_521 = arith.constant 6 : i32
        %add3A_522 = vector.broadcast %add3A_521 : i32 to vector<16xi32>
        %add3A_523 = arith.addi %add3A_522, %select_n3A_520 : vector<16xi32>
        %gather3A_524 = tpu.vector_load_idx %arg16[%add3A_523, %rem3A_4, %add3A_176] : memref<8x8x128xf32, #tpu.memory_space<vmem>>[vector<16xi32>, vector<16xi32>, vector<16xi32>], vector<16xf32>,
        %mul3A_525 = arith.constant 0 : i32
        %mul3A_526 = vector.broadcast %mul3A_525 : i32 to vector<16xi32>
        %mul3A_527 = arith.muli %iota3A, %mul3A_526 : vector<16xi32>
        %add3A_528 = vector.broadcast %add3A_164 : i32 to vector<16xi32>
        %add3A_529 = arith.addi %mul3A_527, %add3A_528 : vector<16xi32>
        tpu.vector_store_idx %arg24[%add3A_523, %rem3A_4, %add3A_529], %gather3A_524 : memref<8x8x512xf32, #tpu.memory_space<vmem>>[vector<16xi32>, vector<16xi32>, vector<16xi32>], vector<16xf32>,
        %jit3A_530 = arith.constant 8 : i32
        %div3A_531 = vector.broadcast %jit3A_530 : i32 to vector<16xi32>
        %div3A_532 = arith.divsi %iota3A, %div3A_531 : vector<16xi32>
        %sign3A_533 = arith.constant 0 : i32
        %sign3A_534 = vector.broadcast %sign3A_533 : i32 to vector<16xi32>
        %sign3A_535 = arith.cmpi sgt, %iota3A, %sign3A_534 : vector<16xi32>
        %sign3A_536 = arith.extui %sign3A_535 : vector<16xi1> to vector<16xi32>
        %sign3A_537 = arith.constant 0 : i32
        %sign3A_538 = vector.broadcast %sign3A_537 : i32 to vector<16xi32>
        %sign3A_539 = arith.cmpi slt, %iota3A, %sign3A_538 : vector<16xi32>
        %sign3A_540 = arith.extui %sign3A_539 : vector<16xi1> to vector<16xi32>
        %sign3A_541 = arith.subi %sign3A_536, %sign3A_540 : vector<16xi32>
        %sign3A_542 = arith.constant 0 : i32
        %sign3A_543 = arith.cmpi sgt, %jit3A_530, %sign3A_542 : i32
        %sign3A_544 = arith.extui %sign3A_543 : i1 to i32
        %sign3A_545 = arith.constant 0 : i32
        %sign3A_546 = arith.cmpi slt, %jit3A_530, %sign3A_545 : i32
        %sign3A_547 = arith.extui %sign3A_546 : i1 to i32
        %sign3A_548 = arith.subi %sign3A_544, %sign3A_547 : i32
        %ne3A_549 = vector.broadcast %sign3A_548 : i32 to vector<16xi32>
        %ne3A_550 = arith.cmpi ne, %sign3A_541, %ne3A_549 : vector<16xi32>
        %rem3A_551 = vector.broadcast %jit3A_530 : i32 to vector<16xi32>
        %rem3A_552 = arith.remsi %iota3A, %rem3A_551 : vector<16xi32>
        %ne3A_553 = arith.constant 0 : i32
        %ne3A_554 = vector.broadcast %ne3A_553 : i32 to vector<16xi32>
        %ne3A_555 = arith.cmpi ne, %rem3A_552, %ne3A_554 : vector<16xi32>
        %and3A_556 = arith.andi %ne3A_550, %ne3A_555 : vector<16xi1>
        %sub3A_557 = arith.constant 1 : i32
        %sub3A_558 = vector.broadcast %sub3A_557 : i32 to vector<16xi32>
        %sub3A_559 = arith.subi %div3A_532, %sub3A_558 : vector<16xi32>
        %select_n3A_560 = arith.select %and3A_556, %sub3A_559, %div3A_532 : vector<16xi1>, vector<16xi32>
        %add3A_561 = arith.constant 0 : i32
        %add3A_562 = vector.broadcast %add3A_561 : i32 to vector<16xi32>
        %add3A_563 = arith.addi %add3A_562, %select_n3A_560 : vector<16xi32>
        %gather3A_564 = tpu.vector_load_idx %arg17[%add3A_563, %rem3A_4, %add3A_176] : memref<2x8x128xf32, #tpu.memory_space<vmem>>[vector<16xi32>, vector<16xi32>, vector<16xi32>], vector<16xf32>,
        %mul3A_565 = arith.constant 0 : i32
        %mul3A_566 = vector.broadcast %mul3A_565 : i32 to vector<16xi32>
        %mul3A_567 = arith.muli %iota3A, %mul3A_566 : vector<16xi32>
        %add3A_568 = vector.broadcast %add3A_164 : i32 to vector<16xi32>
        %add3A_569 = arith.addi %mul3A_567, %add3A_568 : vector<16xi32>
        tpu.vector_store_idx %arg25[%add3A_563, %rem3A_4, %add3A_569], %gather3A_564 : memref<2x8x512xf32, #tpu.memory_space<vmem>>[vector<16xi32>, vector<16xi32>, vector<16xi32>], vector<16xf32>,
      }
      %scan3A_112 = arith.constant 8 : i32
      %mul3A_113 = arith.constant 2 : i32
      %mul3A_114 = arith.muli %mul3A_113, %scan3A_62 : i32
      %add3A_115 = arith.constant 2 : i32
      %add3A_116 = arith.addi %mul3A_114, %add3A_115 : i32
      %lt3A = arith.constant 64 : i32
      %lt3A_117 = arith.cmpi slt, %add3A_116, %lt3A : i32
      %convert_element_type3A = arith.extui %lt3A_117 : i1 to i32
      %cond3A = arith.constant 0 : i32
      %cond3A_118 = arith.cmpi ne, %convert_element_type3A, %cond3A : i32
      scf.if %cond3A_118 {
        %mul3A_161 = arith.constant 2 : i32
        %mul3A_162 = arith.muli %mul3A_161, %scan3A_62 : i32
        %add3A_163 = arith.constant 2 : i32
        %add3A_164 = arith.addi %mul3A_162, %add3A_163 : i32
        %scan3A_165 = arith.constant 0 : i32
        %scan3A_166 = arith.constant 0 : i32
        %scan3A_167 = arith.constant 8 : i32
        %scan3A_168 = arith.addi %scan3A_166, %scan3A_167 : i32
        %scan3A_169 = arith.constant 2 : i32
        scf.for %scan3A_171 = %scan3A_166 to %scan3A_168 step %scan3A_169  : i32 {
          %mul3A_172 = arith.constant 8 : i32
          %mul3A_173 = arith.muli %add3A_164, %mul3A_172 : i32
          %add3A_174 = arith.addi %mul3A_173, %scan3A_171 : i32
          %get3A = arith.index_cast %add3A_174 : i32 to index
          %get3A_175 = memref.load %arg12[%get3A] : memref<512xi32, #tpu.memory_space<smem>>
          %shift_right_arithmetic3A = arith.constant 4 : i32
          %shift_right_arithmetic3A_176 = arith.shrsi %get3A_175, %shift_right_arithmetic3A : i32
          %shift_left3A = arith.constant 4 : i32
          %shift_left3A_177 = arith.shli %shift_right_arithmetic3A_176, %shift_left3A : i32
          %multiple_of3A = tpu.assume_multiple %shift_left3A_177, 16 : i32
          %mul3A_178 = arith.constant 16 : i32
          %mul3A_179 = arith.muli %scan3A_171, %mul3A_178 : i32
          %dma_start3A_180 = arith.constant 0 : i32
          %dma_start3A_181 = arith.constant 0 : i32
          %dma_start3A_182 = tpu.memref_slice %arg14[%dma_start3A_180, %dma_start3A_181, %mul3A_179] : memref<8x8x128xf32, #tpu.memory_space<vmem>> -> memref<8x8x16xf32, #tpu.memory_space<vmem>>
          %dma_start3A_183 = arith.constant 0 : i32
          %dma_start3A_184 = arith.constant 0 : i32
          %dma_start3A_185 = tpu.memref_slice %arg3[%dma_start3A_183, %dma_start3A_184, %multiple_of3A] : memref<8x8x1000000xf32, #tpu.memory_space<hbm>> -> memref<8x8x16xf32, #tpu.memory_space<hbm>>
          %dma_start3A_186 = arith.constant 0 : i32
          %dma_start3A_187 = arith.constant 0 : i32
          %dma_start3A_188 = tpu.memref_slice %arg14[%dma_start3A_186, %dma_start3A_187, %mul3A_179] : memref<8x8x128xf32, #tpu.memory_space<vmem>> -> memref<8x8x16xf32, #tpu.memory_space<vmem>>
          %dma_start3A_189 = arith.constant 0 : i32
          %dma_start3A_190 = arith.constant 0 : i32
          %dma_start3A_191 = tpu.memref_slice %arg3[%dma_start3A_189, %dma_start3A_190, %multiple_of3A] : memref<8x8x1000000xf32, #tpu.memory_space<hbm>> -> memref<8x8x16xf32, #tpu.memory_space<hbm>>
          tpu.enqueue_dma source(%dma_start3A_191 : memref<8x8x16xf32, #tpu.memory_space<hbm>>) target(%dma_start3A_188 : memref<8x8x16xf32, #tpu.memory_space<vmem>>) target_semaphore(%arg26 : memref<!tpu.dma_semaphore, #tpu.memory_space<semaphore_mem>>)
          %dma_start3A_192 = arith.constant 0 : i32
          %dma_start3A_193 = arith.constant 0 : i32
          %dma_start3A_194 = tpu.memref_slice %arg15[%dma_start3A_192, %dma_start3A_193, %mul3A_179] : memref<2x8x128xf32, #tpu.memory_space<vmem>> -> memref<2x8x16xf32, #tpu.memory_space<vmem>>
          %dma_start3A_195 = arith.constant 0 : i32
          %dma_start3A_196 = arith.constant 0 : i32
          %dma_start3A_197 = tpu.memref_slice %arg4[%dma_start3A_195, %dma_start3A_196, %multiple_of3A] : memref<2x8x1000000xf32, #tpu.memory_space<hbm>> -> memref<2x8x16xf32, #tpu.memory_space<hbm>>
          %dma_start3A_198 = arith.constant 0 : i32
          %dma_start3A_199 = arith.constant 0 : i32
          %dma_start3A_200 = tpu.memref_slice %arg15[%dma_start3A_198, %dma_start3A_199, %mul3A_179] : memref<2x8x128xf32, #tpu.memory_space<vmem>> -> memref<2x8x16xf32, #tpu.memory_space<vmem>>
          %dma_start3A_201 = arith.constant 0 : i32
          %dma_start3A_202 = arith.constant 0 : i32
          %dma_start3A_203 = tpu.memref_slice %arg4[%dma_start3A_201, %dma_start3A_202, %multiple_of3A] : memref<2x8x1000000xf32, #tpu.memory_space<hbm>> -> memref<2x8x16xf32, #tpu.memory_space<hbm>>
          tpu.enqueue_dma source(%dma_start3A_203 : memref<2x8x16xf32, #tpu.memory_space<hbm>>) target(%dma_start3A_200 : memref<2x8x16xf32, #tpu.memory_space<vmem>>) target_semaphore(%arg26 : memref<!tpu.dma_semaphore, #tpu.memory_space<semaphore_mem>>)
          %dma_start3A_204 = arith.constant 0 : i32
          %dma_start3A_205 = arith.constant 0 : i32
          %dma_start3A_206 = tpu.memref_slice %arg16[%dma_start3A_204, %dma_start3A_205, %mul3A_179] : memref<8x8x128xf32, #tpu.memory_space<vmem>> -> memref<8x8x16xf32, #tpu.memory_space<vmem>>
          %dma_start3A_207 = arith.constant 0 : i32
          %dma_start3A_208 = arith.constant 0 : i32
          %dma_start3A_209 = tpu.memref_slice %arg5[%dma_start3A_207, %dma_start3A_208, %multiple_of3A] : memref<8x8x1000000xf32, #tpu.memory_space<hbm>> -> memref<8x8x16xf32, #tpu.memory_space<hbm>>
          %dma_start3A_210 = arith.constant 0 : i32
          %dma_start3A_211 = arith.constant 0 : i32
          %dma_start3A_212 = tpu.memref_slice %arg16[%dma_start3A_210, %dma_start3A_211, %mul3A_179] : memref<8x8x128xf32, #tpu.memory_space<vmem>> -> memref<8x8x16xf32, #tpu.memory_space<vmem>>
          %dma_start3A_213 = arith.constant 0 : i32
          %dma_start3A_214 = arith.constant 0 : i32
          %dma_start3A_215 = tpu.memref_slice %arg5[%dma_start3A_213, %dma_start3A_214, %multiple_of3A] : memref<8x8x1000000xf32, #tpu.memory_space<hbm>> -> memref<8x8x16xf32, #tpu.memory_space<hbm>>
          tpu.enqueue_dma source(%dma_start3A_215 : memref<8x8x16xf32, #tpu.memory_space<hbm>>) target(%dma_start3A_212 : memref<8x8x16xf32, #tpu.memory_space<vmem>>) target_semaphore(%arg26 : memref<!tpu.dma_semaphore, #tpu.memory_space<semaphore_mem>>)
          %dma_start3A_216 = arith.constant 0 : i32
          %dma_start3A_217 = arith.constant 0 : i32
          %dma_start3A_218 = tpu.memref_slice %arg17[%dma_start3A_216, %dma_start3A_217, %mul3A_179] : memref<2x8x128xf32, #tpu.memory_space<vmem>> -> memref<2x8x16xf32, #tpu.memory_space<vmem>>
          %dma_start3A_219 = arith.constant 0 : i32
          %dma_start3A_220 = arith.constant 0 : i32
          %dma_start3A_221 = tpu.memref_slice %arg6[%dma_start3A_219, %dma_start3A_220, %multiple_of3A] : memref<2x8x1000000xf32, #tpu.memory_space<hbm>> -> memref<2x8x16xf32, #tpu.memory_space<hbm>>
          %dma_start3A_222 = arith.constant 0 : i32
          %dma_start3A_223 = arith.constant 0 : i32
          %dma_start3A_224 = tpu.memref_slice %arg17[%dma_start3A_222, %dma_start3A_223, %mul3A_179] : memref<2x8x128xf32, #tpu.memory_space<vmem>> -> memref<2x8x16xf32, #tpu.memory_space<vmem>>
          %dma_start3A_225 = arith.constant 0 : i32
          %dma_start3A_226 = arith.constant 0 : i32
          %dma_start3A_227 = tpu.memref_slice %arg6[%dma_start3A_225, %dma_start3A_226, %multiple_of3A] : memref<2x8x1000000xf32, #tpu.memory_space<hbm>> -> memref<2x8x16xf32, #tpu.memory_space<hbm>>
          tpu.enqueue_dma source(%dma_start3A_227 : memref<2x8x16xf32, #tpu.memory_space<hbm>>) target(%dma_start3A_224 : memref<2x8x16xf32, #tpu.memory_space<vmem>>) target_semaphore(%arg26 : memref<!tpu.dma_semaphore, #tpu.memory_space<semaphore_mem>>)
          %scan3A_228 = arith.constant 1 : i32
          %scan3A_229 = arith.addi %scan3A_171, %scan3A_228 : i32
          %mul3A_230 = arith.constant 8 : i32
          %mul3A_231 = arith.muli %add3A_164, %mul3A_230 : i32
          %add3A_232 = arith.addi %mul3A_231, %scan3A_229 : i32
          %get3A_233 = arith.index_cast %add3A_232 : i32 to index
          %get3A_234 = memref.load %arg12[%get3A_233] : memref<512xi32, #tpu.memory_space<smem>>
          %shift_right_arithmetic3A_235 = arith.constant 4 : i32
          %shift_right_arithmetic3A_236 = arith.shrsi %get3A_234, %shift_right_arithmetic3A_235 : i32
          %shift_left3A_237 = arith.constant 4 : i32
          %shift_left3A_238 = arith.shli %shift_right_arithmetic3A_236, %shift_left3A_237 : i32
          %multiple_of3A_239 = tpu.assume_multiple %shift_left3A_238, 16 : i32
          %mul3A_240 = arith.constant 16 : i32
          %mul3A_241 = arith.muli %scan3A_229, %mul3A_240 : i32
          %dma_start3A_242 = arith.constant 0 : i32
          %dma_start3A_243 = arith.constant 0 : i32
          %dma_start3A_244 = tpu.memref_slice %arg14[%dma_start3A_242, %dma_start3A_243, %mul3A_241] : memref<8x8x128xf32, #tpu.memory_space<vmem>> -> memref<8x8x16xf32, #tpu.memory_space<vmem>>
          %dma_start3A_245 = arith.constant 0 : i32
          %dma_start3A_246 = arith.constant 0 : i32
          %dma_start3A_247 = tpu.memref_slice %arg3[%dma_start3A_245, %dma_start3A_246, %multiple_of3A_239] : memref<8x8x1000000xf32, #tpu.memory_space<hbm>> -> memref<8x8x16xf32, #tpu.memory_space<hbm>>
          %dma_start3A_248 = arith.constant 0 : i32
          %dma_start3A_249 = arith.constant 0 : i32
          %dma_start3A_250 = tpu.memref_slice %arg14[%dma_start3A_248, %dma_start3A_249, %mul3A_241] : memref<8x8x128xf32, #tpu.memory_space<vmem>> -> memref<8x8x16xf32, #tpu.memory_space<vmem>>
          %dma_start3A_251 = arith.constant 0 : i32
          %dma_start3A_252 = arith.constant 0 : i32
          %dma_start3A_253 = tpu.memref_slice %arg3[%dma_start3A_251, %dma_start3A_252, %multiple_of3A_239] : memref<8x8x1000000xf32, #tpu.memory_space<hbm>> -> memref<8x8x16xf32, #tpu.memory_space<hbm>>
          tpu.enqueue_dma source(%dma_start3A_253 : memref<8x8x16xf32, #tpu.memory_space<hbm>>) target(%dma_start3A_250 : memref<8x8x16xf32, #tpu.memory_space<vmem>>) target_semaphore(%arg26 : memref<!tpu.dma_semaphore, #tpu.memory_space<semaphore_mem>>)
          %dma_start3A_254 = arith.constant 0 : i32
          %dma_start3A_255 = arith.constant 0 : i32
          %dma_start3A_256 = tpu.memref_slice %arg15[%dma_start3A_254, %dma_start3A_255, %mul3A_241] : memref<2x8x128xf32, #tpu.memory_space<vmem>> -> memref<2x8x16xf32, #tpu.memory_space<vmem>>
          %dma_start3A_257 = arith.constant 0 : i32
          %dma_start3A_258 = arith.constant 0 : i32
          %dma_start3A_259 = tpu.memref_slice %arg4[%dma_start3A_257, %dma_start3A_258, %multiple_of3A_239] : memref<2x8x1000000xf32, #tpu.memory_space<hbm>> -> memref<2x8x16xf32, #tpu.memory_space<hbm>>
          %dma_start3A_260 = arith.constant 0 : i32
          %dma_start3A_261 = arith.constant 0 : i32
          %dma_start3A_262 = tpu.memref_slice %arg15[%dma_start3A_260, %dma_start3A_261, %mul3A_241] : memref<2x8x128xf32, #tpu.memory_space<vmem>> -> memref<2x8x16xf32, #tpu.memory_space<vmem>>
          %dma_start3A_263 = arith.constant 0 : i32
          %dma_start3A_264 = arith.constant 0 : i32
          %dma_start3A_265 = tpu.memref_slice %arg4[%dma_start3A_263, %dma_start3A_264, %multiple_of3A_239] : memref<2x8x1000000xf32, #tpu.memory_space<hbm>> -> memref<2x8x16xf32, #tpu.memory_space<hbm>>
          tpu.enqueue_dma source(%dma_start3A_265 : memref<2x8x16xf32, #tpu.memory_space<hbm>>) target(%dma_start3A_262 : memref<2x8x16xf32, #tpu.memory_space<vmem>>) target_semaphore(%arg26 : memref<!tpu.dma_semaphore, #tpu.memory_space<semaphore_mem>>)
          %dma_start3A_266 = arith.constant 0 : i32
          %dma_start3A_267 = arith.constant 0 : i32
          %dma_start3A_268 = tpu.memref_slice %arg16[%dma_start3A_266, %dma_start3A_267, %mul3A_241] : memref<8x8x128xf32, #tpu.memory_space<vmem>> -> memref<8x8x16xf32, #tpu.memory_space<vmem>>
          %dma_start3A_269 = arith.constant 0 : i32
          %dma_start3A_270 = arith.constant 0 : i32
          %dma_start3A_271 = tpu.memref_slice %arg5[%dma_start3A_269, %dma_start3A_270, %multiple_of3A_239] : memref<8x8x1000000xf32, #tpu.memory_space<hbm>> -> memref<8x8x16xf32, #tpu.memory_space<hbm>>
          %dma_start3A_272 = arith.constant 0 : i32
          %dma_start3A_273 = arith.constant 0 : i32
          %dma_start3A_274 = tpu.memref_slice %arg16[%dma_start3A_272, %dma_start3A_273, %mul3A_241] : memref<8x8x128xf32, #tpu.memory_space<vmem>> -> memref<8x8x16xf32, #tpu.memory_space<vmem>>
          %dma_start3A_275 = arith.constant 0 : i32
          %dma_start3A_276 = arith.constant 0 : i32
          %dma_start3A_277 = tpu.memref_slice %arg5[%dma_start3A_275, %dma_start3A_276, %multiple_of3A_239] : memref<8x8x1000000xf32, #tpu.memory_space<hbm>> -> memref<8x8x16xf32, #tpu.memory_space<hbm>>
          tpu.enqueue_dma source(%dma_start3A_277 : memref<8x8x16xf32, #tpu.memory_space<hbm>>) target(%dma_start3A_274 : memref<8x8x16xf32, #tpu.memory_space<vmem>>) target_semaphore(%arg26 : memref<!tpu.dma_semaphore, #tpu.memory_space<semaphore_mem>>)
          %dma_start3A_278 = arith.constant 0 : i32
          %dma_start3A_279 = arith.constant 0 : i32
          %dma_start3A_280 = tpu.memref_slice %arg17[%dma_start3A_278, %dma_start3A_279, %mul3A_241] : memref<2x8x128xf32, #tpu.memory_space<vmem>> -> memref<2x8x16xf32, #tpu.memory_space<vmem>>
          %dma_start3A_281 = arith.constant 0 : i32
          %dma_start3A_282 = arith.constant 0 : i32
          %dma_start3A_283 = tpu.memref_slice %arg6[%dma_start3A_281, %dma_start3A_282, %multiple_of3A_239] : memref<2x8x1000000xf32, #tpu.memory_space<hbm>> -> memref<2x8x16xf32, #tpu.memory_space<hbm>>
          %dma_start3A_284 = arith.constant 0 : i32
          %dma_start3A_285 = arith.constant 0 : i32
          %dma_start3A_286 = tpu.memref_slice %arg17[%dma_start3A_284, %dma_start3A_285, %mul3A_241] : memref<2x8x128xf32, #tpu.memory_space<vmem>> -> memref<2x8x16xf32, #tpu.memory_space<vmem>>
          %dma_start3A_287 = arith.constant 0 : i32
          %dma_start3A_288 = arith.constant 0 : i32
          %dma_start3A_289 = tpu.memref_slice %arg6[%dma_start3A_287, %dma_start3A_288, %multiple_of3A_239] : memref<2x8x1000000xf32, #tpu.memory_space<hbm>> -> memref<2x8x16xf32, #tpu.memory_space<hbm>>
          tpu.enqueue_dma source(%dma_start3A_289 : memref<2x8x16xf32, #tpu.memory_space<hbm>>) target(%dma_start3A_286 : memref<2x8x16xf32, #tpu.memory_space<vmem>>) target_semaphore(%arg26 : memref<!tpu.dma_semaphore, #tpu.memory_space<semaphore_mem>>)
        }
        %scan3A_170 = arith.constant 8 : i32
      } else {
      }
      %dma_wait3A_119 = arith.constant 0 : i32
      %dma_wait3A_120 = arith.constant 0 : i32
      %dma_wait3A_121 = arith.constant 0 : i32
      %dma_wait3A_122 = tpu.memref_slice %arg3[%dma_wait3A_119, %dma_wait3A_120, %dma_wait3A_121] : memref<8x8x1000000xf32, #tpu.memory_space<hbm>> -> memref<8x8x128xf32, #tpu.memory_space<hbm>>
      %dma_wait3A_123 = arith.constant 0 : i32
      %dma_wait3A_124 = arith.constant 0 : i32
      %dma_wait3A_125 = arith.constant 0 : i32
      %dma_wait3A_126 = tpu.memref_slice %arg3[%dma_wait3A_123, %dma_wait3A_124, %dma_wait3A_125] : memref<8x8x1000000xf32, #tpu.memory_space<hbm>> -> memref<8x8x128xf32, #tpu.memory_space<hbm>>
      tpu.wait_dma2 semaphore(%arg27 : memref<!tpu.dma_semaphore, #tpu.memory_space<semaphore_mem>>) src(%dma_wait3A_126 : memref<8x8x128xf32, #tpu.memory_space<hbm>>) dst(%arg18 : memref<8x8x128xf32, #tpu.memory_space<vmem>>)
      %dma_wait3A_127 = arith.constant 0 : i32
      %dma_wait3A_128 = arith.constant 0 : i32
      %dma_wait3A_129 = arith.constant 0 : i32
      %dma_wait3A_130 = tpu.memref_slice %arg4[%dma_wait3A_127, %dma_wait3A_128, %dma_wait3A_129] : memref<2x8x1000000xf32, #tpu.memory_space<hbm>> -> memref<2x8x128xf32, #tpu.memory_space<hbm>>
      %dma_wait3A_131 = arith.constant 0 : i32
      %dma_wait3A_132 = arith.constant 0 : i32
      %dma_wait3A_133 = arith.constant 0 : i32
      %dma_wait3A_134 = tpu.memref_slice %arg4[%dma_wait3A_131, %dma_wait3A_132, %dma_wait3A_133] : memref<2x8x1000000xf32, #tpu.memory_space<hbm>> -> memref<2x8x128xf32, #tpu.memory_space<hbm>>
      tpu.wait_dma2 semaphore(%arg27 : memref<!tpu.dma_semaphore, #tpu.memory_space<semaphore_mem>>) src(%dma_wait3A_134 : memref<2x8x128xf32, #tpu.memory_space<hbm>>) dst(%arg19 : memref<2x8x128xf32, #tpu.memory_space<vmem>>)
      %dma_wait3A_135 = arith.constant 0 : i32
      %dma_wait3A_136 = arith.constant 0 : i32
      %dma_wait3A_137 = arith.constant 0 : i32
      %dma_wait3A_138 = tpu.memref_slice %arg5[%dma_wait3A_135, %dma_wait3A_136, %dma_wait3A_137] : memref<8x8x1000000xf32, #tpu.memory_space<hbm>> -> memref<8x8x128xf32, #tpu.memory_space<hbm>>
      %dma_wait3A_139 = arith.constant 0 : i32
      %dma_wait3A_140 = arith.constant 0 : i32
      %dma_wait3A_141 = arith.constant 0 : i32
      %dma_wait3A_142 = tpu.memref_slice %arg5[%dma_wait3A_139, %dma_wait3A_140, %dma_wait3A_141] : memref<8x8x1000000xf32, #tpu.memory_space<hbm>> -> memref<8x8x128xf32, #tpu.memory_space<hbm>>
      tpu.wait_dma2 semaphore(%arg27 : memref<!tpu.dma_semaphore, #tpu.memory_space<semaphore_mem>>) src(%dma_wait3A_142 : memref<8x8x128xf32, #tpu.memory_space<hbm>>) dst(%arg20 : memref<8x8x128xf32, #tpu.memory_space<vmem>>)
      %dma_wait3A_143 = arith.constant 0 : i32
      %dma_wait3A_144 = arith.constant 0 : i32
      %dma_wait3A_145 = arith.constant 0 : i32
      %dma_wait3A_146 = tpu.memref_slice %arg6[%dma_wait3A_143, %dma_wait3A_144, %dma_wait3A_145] : memref<2x8x1000000xf32, #tpu.memory_space<hbm>> -> memref<2x8x128xf32, #tpu.memory_space<hbm>>
      %dma_wait3A_147 = arith.constant 0 : i32
      %dma_wait3A_148 = arith.constant 0 : i32
      %dma_wait3A_149 = arith.constant 0 : i32
      %dma_wait3A_150 = tpu.memref_slice %arg6[%dma_wait3A_147, %dma_wait3A_148, %dma_wait3A_149] : memref<2x8x1000000xf32, #tpu.memory_space<hbm>> -> memref<2x8x128xf32, #tpu.memory_space<hbm>>
      tpu.wait_dma2 semaphore(%arg27 : memref<!tpu.dma_semaphore, #tpu.memory_space<semaphore_mem>>) src(%dma_wait3A_150 : memref<2x8x128xf32, #tpu.memory_space<hbm>>) dst(%arg21 : memref<2x8x128xf32, #tpu.memory_space<vmem>>)
      %mul3A_151 = arith.constant 2 : i32
      %mul3A_152 = arith.muli %mul3A_151, %scan3A_62 : i32
      %add3A_153 = arith.constant 1 : i32
      %add3A_154 = arith.addi %mul3A_152, %add3A_153 : i32
      %scan3A_155 = arith.constant 0 : i32
      %scan3A_156 = arith.constant 0 : i32
      %scan3A_157 = arith.constant 8 : i32
      %scan3A_158 = arith.addi %scan3A_156, %scan3A_157 : i32
      %scan3A_159 = arith.constant 1 : i32
      scf.for %scan3A_161 = %scan3A_156 to %scan3A_158 step %scan3A_159  : i32 {
        %mul3A_162 = arith.constant 8 : i32
        %mul3A_163 = arith.muli %add3A_154, %mul3A_162 : i32
        %add3A_164 = arith.addi %mul3A_163, %scan3A_161 : i32
        %mul3A_165 = arith.constant 0 : i32
        %mul3A_166 = vector.broadcast %mul3A_165 : i32 to vector<16xi32>
        %mul3A_167 = arith.muli %iota3A, %mul3A_166 : vector<16xi32>
        %add3A_168 = vector.broadcast %add3A_164 : i32 to vector<16xi32>
        %add3A_169 = arith.addi %mul3A_167, %add3A_168 : vector<16xi32>
        %gather3A = tpu.vector_load_idx %arg13[%add3A_169] : memref<512xi32, #tpu.memory_space<vmem>>[vector<16xi32>], vector<16xi32>,
        %rem3A_170 = arith.constant 16 : i32
        %rem3A_171 = vector.broadcast %rem3A_170 : i32 to vector<16xi32>
        %rem3A_172 = arith.remsi %gather3A, %rem3A_171 : vector<16xi32>
        %mul3A_173 = arith.constant 16 : i32
        %mul3A_174 = arith.muli %scan3A_161, %mul3A_173 : i32
        %add3A_175 = vector.broadcast %mul3A_174 : i32 to vector<16xi32>
        %add3A_176 = arith.addi %rem3A_172, %add3A_175 : vector<16xi32>
        %jit3A = arith.constant 8 : i32
        %div3A = vector.broadcast %jit3A : i32 to vector<16xi32>
        %div3A_177 = arith.divsi %iota3A, %div3A : vector<16xi32>
        %sign3A = arith.constant 0 : i32
        %sign3A_178 = vector.broadcast %sign3A : i32 to vector<16xi32>
        %sign3A_179 = arith.cmpi sgt, %iota3A, %sign3A_178 : vector<16xi32>
        %sign3A_180 = arith.extui %sign3A_179 : vector<16xi1> to vector<16xi32>
        %sign3A_181 = arith.constant 0 : i32
        %sign3A_182 = vector.broadcast %sign3A_181 : i32 to vector<16xi32>
        %sign3A_183 = arith.cmpi slt, %iota3A, %sign3A_182 : vector<16xi32>
        %sign3A_184 = arith.extui %sign3A_183 : vector<16xi1> to vector<16xi32>
        %sign3A_185 = arith.subi %sign3A_180, %sign3A_184 : vector<16xi32>
        %sign3A_186 = arith.constant 0 : i32
        %sign3A_187 = arith.cmpi sgt, %jit3A, %sign3A_186 : i32
        %sign3A_188 = arith.extui %sign3A_187 : i1 to i32
        %sign3A_189 = arith.constant 0 : i32
        %sign3A_190 = arith.cmpi slt, %jit3A, %sign3A_189 : i32
        %sign3A_191 = arith.extui %sign3A_190 : i1 to i32
        %sign3A_192 = arith.subi %sign3A_188, %sign3A_191 : i32
        %ne3A = vector.broadcast %sign3A_192 : i32 to vector<16xi32>
        %ne3A_193 = arith.cmpi ne, %sign3A_185, %ne3A : vector<16xi32>
        %rem3A_194 = vector.broadcast %jit3A : i32 to vector<16xi32>
        %rem3A_195 = arith.remsi %iota3A, %rem3A_194 : vector<16xi32>
        %ne3A_196 = arith.constant 0 : i32
        %ne3A_197 = vector.broadcast %ne3A_196 : i32 to vector<16xi32>
        %ne3A_198 = arith.cmpi ne, %rem3A_195, %ne3A_197 : vector<16xi32>
        %and3A = arith.andi %ne3A_193, %ne3A_198 : vector<16xi1>
        %sub3A = arith.constant 1 : i32
        %sub3A_199 = vector.broadcast %sub3A : i32 to vector<16xi32>
        %sub3A_200 = arith.subi %div3A_177, %sub3A_199 : vector<16xi32>
        %select_n3A = arith.select %and3A, %sub3A_200, %div3A_177 : vector<16xi1>, vector<16xi32>
        %add3A_201 = arith.constant 0 : i32
        %add3A_202 = vector.broadcast %add3A_201 : i32 to vector<16xi32>
        %add3A_203 = arith.addi %add3A_202, %select_n3A : vector<16xi32>
        %gather3A_204 = tpu.vector_load_idx %arg18[%add3A_203, %rem3A_4, %add3A_176] : memref<8x8x128xf32, #tpu.memory_space<vmem>>[vector<16xi32>, vector<16xi32>, vector<16xi32>], vector<16xf32>,
        %mul3A_205 = arith.constant 0 : i32
        %mul3A_206 = vector.broadcast %mul3A_205 : i32 to vector<16xi32>
        %mul3A_207 = arith.muli %iota3A, %mul3A_206 : vector<16xi32>
        %add3A_208 = vector.broadcast %add3A_164 : i32 to vector<16xi32>
        %add3A_209 = arith.addi %mul3A_207, %add3A_208 : vector<16xi32>
        tpu.vector_store_idx %arg22[%add3A_203, %rem3A_4, %add3A_209], %gather3A_204 : memref<8x8x512xf32, #tpu.memory_space<vmem>>[vector<16xi32>, vector<16xi32>, vector<16xi32>], vector<16xf32>,
        %jit3A_210 = arith.constant 8 : i32
        %div3A_211 = vector.broadcast %jit3A_210 : i32 to vector<16xi32>
        %div3A_212 = arith.divsi %iota3A, %div3A_211 : vector<16xi32>
        %sign3A_213 = arith.constant 0 : i32
        %sign3A_214 = vector.broadcast %sign3A_213 : i32 to vector<16xi32>
        %sign3A_215 = arith.cmpi sgt, %iota3A, %sign3A_214 : vector<16xi32>
        %sign3A_216 = arith.extui %sign3A_215 : vector<16xi1> to vector<16xi32>
        %sign3A_217 = arith.constant 0 : i32
        %sign3A_218 = vector.broadcast %sign3A_217 : i32 to vector<16xi32>
        %sign3A_219 = arith.cmpi slt, %iota3A, %sign3A_218 : vector<16xi32>
        %sign3A_220 = arith.extui %sign3A_219 : vector<16xi1> to vector<16xi32>
        %sign3A_221 = arith.subi %sign3A_216, %sign3A_220 : vector<16xi32>
        %sign3A_222 = arith.constant 0 : i32
        %sign3A_223 = arith.cmpi sgt, %jit3A_210, %sign3A_222 : i32
        %sign3A_224 = arith.extui %sign3A_223 : i1 to i32
        %sign3A_225 = arith.constant 0 : i32
        %sign3A_226 = arith.cmpi slt, %jit3A_210, %sign3A_225 : i32
        %sign3A_227 = arith.extui %sign3A_226 : i1 to i32
        %sign3A_228 = arith.subi %sign3A_224, %sign3A_227 : i32
        %ne3A_229 = vector.broadcast %sign3A_228 : i32 to vector<16xi32>
        %ne3A_230 = arith.cmpi ne, %sign3A_221, %ne3A_229 : vector<16xi32>
        %rem3A_231 = vector.broadcast %jit3A_210 : i32 to vector<16xi32>
        %rem3A_232 = arith.remsi %iota3A, %rem3A_231 : vector<16xi32>
        %ne3A_233 = arith.constant 0 : i32
        %ne3A_234 = vector.broadcast %ne3A_233 : i32 to vector<16xi32>
        %ne3A_235 = arith.cmpi ne, %rem3A_232, %ne3A_234 : vector<16xi32>
        %and3A_236 = arith.andi %ne3A_230, %ne3A_235 : vector<16xi1>
        %sub3A_237 = arith.constant 1 : i32
        %sub3A_238 = vector.broadcast %sub3A_237 : i32 to vector<16xi32>
        %sub3A_239 = arith.subi %div3A_212, %sub3A_238 : vector<16xi32>
        %select_n3A_240 = arith.select %and3A_236, %sub3A_239, %div3A_212 : vector<16xi1>, vector<16xi32>
        %add3A_241 = arith.constant 2 : i32
        %add3A_242 = vector.broadcast %add3A_241 : i32 to vector<16xi32>
        %add3A_243 = arith.addi %add3A_242, %select_n3A_240 : vector<16xi32>
        %gather3A_244 = tpu.vector_load_idx %arg18[%add3A_243, %rem3A_4, %add3A_176] : memref<8x8x128xf32, #tpu.memory_space<vmem>>[vector<16xi32>, vector<16xi32>, vector<16xi32>], vector<16xf32>,
        %mul3A_245 = arith.constant 0 : i32
        %mul3A_246 = vector.broadcast %mul3A_245 : i32 to vector<16xi32>
        %mul3A_247 = arith.muli %iota3A, %mul3A_246 : vector<16xi32>
        %add3A_248 = vector.broadcast %add3A_164 : i32 to vector<16xi32>
        %add3A_249 = arith.addi %mul3A_247, %add3A_248 : vector<16xi32>
        tpu.vector_store_idx %arg22[%add3A_243, %rem3A_4, %add3A_249], %gather3A_244 : memref<8x8x512xf32, #tpu.memory_space<vmem>>[vector<16xi32>, vector<16xi32>, vector<16xi32>], vector<16xf32>,
        %jit3A_250 = arith.constant 8 : i32
        %div3A_251 = vector.broadcast %jit3A_250 : i32 to vector<16xi32>
        %div3A_252 = arith.divsi %iota3A, %div3A_251 : vector<16xi32>
        %sign3A_253 = arith.constant 0 : i32
        %sign3A_254 = vector.broadcast %sign3A_253 : i32 to vector<16xi32>
        %sign3A_255 = arith.cmpi sgt, %iota3A, %sign3A_254 : vector<16xi32>
        %sign3A_256 = arith.extui %sign3A_255 : vector<16xi1> to vector<16xi32>
        %sign3A_257 = arith.constant 0 : i32
        %sign3A_258 = vector.broadcast %sign3A_257 : i32 to vector<16xi32>
        %sign3A_259 = arith.cmpi slt, %iota3A, %sign3A_258 : vector<16xi32>
        %sign3A_260 = arith.extui %sign3A_259 : vector<16xi1> to vector<16xi32>
        %sign3A_261 = arith.subi %sign3A_256, %sign3A_260 : vector<16xi32>
        %sign3A_262 = arith.constant 0 : i32
        %sign3A_263 = arith.cmpi sgt, %jit3A_250, %sign3A_262 : i32
        %sign3A_264 = arith.extui %sign3A_263 : i1 to i32
        %sign3A_265 = arith.constant 0 : i32
        %sign3A_266 = arith.cmpi slt, %jit3A_250, %sign3A_265 : i32
        %sign3A_267 = arith.extui %sign3A_266 : i1 to i32
        %sign3A_268 = arith.subi %sign3A_264, %sign3A_267 : i32
        %ne3A_269 = vector.broadcast %sign3A_268 : i32 to vector<16xi32>
        %ne3A_270 = arith.cmpi ne, %sign3A_261, %ne3A_269 : vector<16xi32>
        %rem3A_271 = vector.broadcast %jit3A_250 : i32 to vector<16xi32>
        %rem3A_272 = arith.remsi %iota3A, %rem3A_271 : vector<16xi32>
        %ne3A_273 = arith.constant 0 : i32
        %ne3A_274 = vector.broadcast %ne3A_273 : i32 to vector<16xi32>
        %ne3A_275 = arith.cmpi ne, %rem3A_272, %ne3A_274 : vector<16xi32>
        %and3A_276 = arith.andi %ne3A_270, %ne3A_275 : vector<16xi1>
        %sub3A_277 = arith.constant 1 : i32
        %sub3A_278 = vector.broadcast %sub3A_277 : i32 to vector<16xi32>
        %sub3A_279 = arith.subi %div3A_252, %sub3A_278 : vector<16xi32>
        %select_n3A_280 = arith.select %and3A_276, %sub3A_279, %div3A_252 : vector<16xi1>, vector<16xi32>
        %add3A_281 = arith.constant 4 : i32
        %add3A_282 = vector.broadcast %add3A_281 : i32 to vector<16xi32>
        %add3A_283 = arith.addi %add3A_282, %select_n3A_280 : vector<16xi32>
        %gather3A_284 = tpu.vector_load_idx %arg18[%add3A_283, %rem3A_4, %add3A_176] : memref<8x8x128xf32, #tpu.memory_space<vmem>>[vector<16xi32>, vector<16xi32>, vector<16xi32>], vector<16xf32>,
        %mul3A_285 = arith.constant 0 : i32
        %mul3A_286 = vector.broadcast %mul3A_285 : i32 to vector<16xi32>
        %mul3A_287 = arith.muli %iota3A, %mul3A_286 : vector<16xi32>
        %add3A_288 = vector.broadcast %add3A_164 : i32 to vector<16xi32>
        %add3A_289 = arith.addi %mul3A_287, %add3A_288 : vector<16xi32>
        tpu.vector_store_idx %arg22[%add3A_283, %rem3A_4, %add3A_289], %gather3A_284 : memref<8x8x512xf32, #tpu.memory_space<vmem>>[vector<16xi32>, vector<16xi32>, vector<16xi32>], vector<16xf32>,
        %jit3A_290 = arith.constant 8 : i32
        %div3A_291 = vector.broadcast %jit3A_290 : i32 to vector<16xi32>
        %div3A_292 = arith.divsi %iota3A, %div3A_291 : vector<16xi32>
        %sign3A_293 = arith.constant 0 : i32
        %sign3A_294 = vector.broadcast %sign3A_293 : i32 to vector<16xi32>
        %sign3A_295 = arith.cmpi sgt, %iota3A, %sign3A_294 : vector<16xi32>
        %sign3A_296 = arith.extui %sign3A_295 : vector<16xi1> to vector<16xi32>
        %sign3A_297 = arith.constant 0 : i32
        %sign3A_298 = vector.broadcast %sign3A_297 : i32 to vector<16xi32>
        %sign3A_299 = arith.cmpi slt, %iota3A, %sign3A_298 : vector<16xi32>
        %sign3A_300 = arith.extui %sign3A_299 : vector<16xi1> to vector<16xi32>
        %sign3A_301 = arith.subi %sign3A_296, %sign3A_300 : vector<16xi32>
        %sign3A_302 = arith.constant 0 : i32
        %sign3A_303 = arith.cmpi sgt, %jit3A_290, %sign3A_302 : i32
        %sign3A_304 = arith.extui %sign3A_303 : i1 to i32
        %sign3A_305 = arith.constant 0 : i32
        %sign3A_306 = arith.cmpi slt, %jit3A_290, %sign3A_305 : i32
        %sign3A_307 = arith.extui %sign3A_306 : i1 to i32
        %sign3A_308 = arith.subi %sign3A_304, %sign3A_307 : i32
        %ne3A_309 = vector.broadcast %sign3A_308 : i32 to vector<16xi32>
        %ne3A_310 = arith.cmpi ne, %sign3A_301, %ne3A_309 : vector<16xi32>
        %rem3A_311 = vector.broadcast %jit3A_290 : i32 to vector<16xi32>
        %rem3A_312 = arith.remsi %iota3A, %rem3A_311 : vector<16xi32>
        %ne3A_313 = arith.constant 0 : i32
        %ne3A_314 = vector.broadcast %ne3A_313 : i32 to vector<16xi32>
        %ne3A_315 = arith.cmpi ne, %rem3A_312, %ne3A_314 : vector<16xi32>
        %and3A_316 = arith.andi %ne3A_310, %ne3A_315 : vector<16xi1>
        %sub3A_317 = arith.constant 1 : i32
        %sub3A_318 = vector.broadcast %sub3A_317 : i32 to vector<16xi32>
        %sub3A_319 = arith.subi %div3A_292, %sub3A_318 : vector<16xi32>
        %select_n3A_320 = arith.select %and3A_316, %sub3A_319, %div3A_292 : vector<16xi1>, vector<16xi32>
        %add3A_321 = arith.constant 6 : i32
        %add3A_322 = vector.broadcast %add3A_321 : i32 to vector<16xi32>
        %add3A_323 = arith.addi %add3A_322, %select_n3A_320 : vector<16xi32>
        %gather3A_324 = tpu.vector_load_idx %arg18[%add3A_323, %rem3A_4, %add3A_176] : memref<8x8x128xf32, #tpu.memory_space<vmem>>[vector<16xi32>, vector<16xi32>, vector<16xi32>], vector<16xf32>,
        %mul3A_325 = arith.constant 0 : i32
        %mul3A_326 = vector.broadcast %mul3A_325 : i32 to vector<16xi32>
        %mul3A_327 = arith.muli %iota3A, %mul3A_326 : vector<16xi32>
        %add3A_328 = vector.broadcast %add3A_164 : i32 to vector<16xi32>
        %add3A_329 = arith.addi %mul3A_327, %add3A_328 : vector<16xi32>
        tpu.vector_store_idx %arg22[%add3A_323, %rem3A_4, %add3A_329], %gather3A_324 : memref<8x8x512xf32, #tpu.memory_space<vmem>>[vector<16xi32>, vector<16xi32>, vector<16xi32>], vector<16xf32>,
        %jit3A_330 = arith.constant 8 : i32
        %div3A_331 = vector.broadcast %jit3A_330 : i32 to vector<16xi32>
        %div3A_332 = arith.divsi %iota3A, %div3A_331 : vector<16xi32>
        %sign3A_333 = arith.constant 0 : i32
        %sign3A_334 = vector.broadcast %sign3A_333 : i32 to vector<16xi32>
        %sign3A_335 = arith.cmpi sgt, %iota3A, %sign3A_334 : vector<16xi32>
        %sign3A_336 = arith.extui %sign3A_335 : vector<16xi1> to vector<16xi32>
        %sign3A_337 = arith.constant 0 : i32
        %sign3A_338 = vector.broadcast %sign3A_337 : i32 to vector<16xi32>
        %sign3A_339 = arith.cmpi slt, %iota3A, %sign3A_338 : vector<16xi32>
        %sign3A_340 = arith.extui %sign3A_339 : vector<16xi1> to vector<16xi32>
        %sign3A_341 = arith.subi %sign3A_336, %sign3A_340 : vector<16xi32>
        %sign3A_342 = arith.constant 0 : i32
        %sign3A_343 = arith.cmpi sgt, %jit3A_330, %sign3A_342 : i32
        %sign3A_344 = arith.extui %sign3A_343 : i1 to i32
        %sign3A_345 = arith.constant 0 : i32
        %sign3A_346 = arith.cmpi slt, %jit3A_330, %sign3A_345 : i32
        %sign3A_347 = arith.extui %sign3A_346 : i1 to i32
        %sign3A_348 = arith.subi %sign3A_344, %sign3A_347 : i32
        %ne3A_349 = vector.broadcast %sign3A_348 : i32 to vector<16xi32>
        %ne3A_350 = arith.cmpi ne, %sign3A_341, %ne3A_349 : vector<16xi32>
        %rem3A_351 = vector.broadcast %jit3A_330 : i32 to vector<16xi32>
        %rem3A_352 = arith.remsi %iota3A, %rem3A_351 : vector<16xi32>
        %ne3A_353 = arith.constant 0 : i32
        %ne3A_354 = vector.broadcast %ne3A_353 : i32 to vector<16xi32>
        %ne3A_355 = arith.cmpi ne, %rem3A_352, %ne3A_354 : vector<16xi32>
        %and3A_356 = arith.andi %ne3A_350, %ne3A_355 : vector<16xi1>
        %sub3A_357 = arith.constant 1 : i32
        %sub3A_358 = vector.broadcast %sub3A_357 : i32 to vector<16xi32>
        %sub3A_359 = arith.subi %div3A_332, %sub3A_358 : vector<16xi32>
        %select_n3A_360 = arith.select %and3A_356, %sub3A_359, %div3A_332 : vector<16xi1>, vector<16xi32>
        %add3A_361 = arith.constant 0 : i32
        %add3A_362 = vector.broadcast %add3A_361 : i32 to vector<16xi32>
        %add3A_363 = arith.addi %add3A_362, %select_n3A_360 : vector<16xi32>
        %gather3A_364 = tpu.vector_load_idx %arg19[%add3A_363, %rem3A_4, %add3A_176] : memref<2x8x128xf32, #tpu.memory_space<vmem>>[vector<16xi32>, vector<16xi32>, vector<16xi32>], vector<16xf32>,
        %mul3A_365 = arith.constant 0 : i32
        %mul3A_366 = vector.broadcast %mul3A_365 : i32 to vector<16xi32>
        %mul3A_367 = arith.muli %iota3A, %mul3A_366 : vector<16xi32>
        %add3A_368 = vector.broadcast %add3A_164 : i32 to vector<16xi32>
        %add3A_369 = arith.addi %mul3A_367, %add3A_368 : vector<16xi32>
        tpu.vector_store_idx %arg23[%add3A_363, %rem3A_4, %add3A_369], %gather3A_364 : memref<2x8x512xf32, #tpu.memory_space<vmem>>[vector<16xi32>, vector<16xi32>, vector<16xi32>], vector<16xf32>,
        %jit3A_370 = arith.constant 8 : i32
        %div3A_371 = vector.broadcast %jit3A_370 : i32 to vector<16xi32>
        %div3A_372 = arith.divsi %iota3A, %div3A_371 : vector<16xi32>
        %sign3A_373 = arith.constant 0 : i32
        %sign3A_374 = vector.broadcast %sign3A_373 : i32 to vector<16xi32>
        %sign3A_375 = arith.cmpi sgt, %iota3A, %sign3A_374 : vector<16xi32>
        %sign3A_376 = arith.extui %sign3A_375 : vector<16xi1> to vector<16xi32>
        %sign3A_377 = arith.constant 0 : i32
        %sign3A_378 = vector.broadcast %sign3A_377 : i32 to vector<16xi32>
        %sign3A_379 = arith.cmpi slt, %iota3A, %sign3A_378 : vector<16xi32>
        %sign3A_380 = arith.extui %sign3A_379 : vector<16xi1> to vector<16xi32>
        %sign3A_381 = arith.subi %sign3A_376, %sign3A_380 : vector<16xi32>
        %sign3A_382 = arith.constant 0 : i32
        %sign3A_383 = arith.cmpi sgt, %jit3A_370, %sign3A_382 : i32
        %sign3A_384 = arith.extui %sign3A_383 : i1 to i32
        %sign3A_385 = arith.constant 0 : i32
        %sign3A_386 = arith.cmpi slt, %jit3A_370, %sign3A_385 : i32
        %sign3A_387 = arith.extui %sign3A_386 : i1 to i32
        %sign3A_388 = arith.subi %sign3A_384, %sign3A_387 : i32
        %ne3A_389 = vector.broadcast %sign3A_388 : i32 to vector<16xi32>
        %ne3A_390 = arith.cmpi ne, %sign3A_381, %ne3A_389 : vector<16xi32>
        %rem3A_391 = vector.broadcast %jit3A_370 : i32 to vector<16xi32>
        %rem3A_392 = arith.remsi %iota3A, %rem3A_391 : vector<16xi32>
        %ne3A_393 = arith.constant 0 : i32
        %ne3A_394 = vector.broadcast %ne3A_393 : i32 to vector<16xi32>
        %ne3A_395 = arith.cmpi ne, %rem3A_392, %ne3A_394 : vector<16xi32>
        %and3A_396 = arith.andi %ne3A_390, %ne3A_395 : vector<16xi1>
        %sub3A_397 = arith.constant 1 : i32
        %sub3A_398 = vector.broadcast %sub3A_397 : i32 to vector<16xi32>
        %sub3A_399 = arith.subi %div3A_372, %sub3A_398 : vector<16xi32>
        %select_n3A_400 = arith.select %and3A_396, %sub3A_399, %div3A_372 : vector<16xi1>, vector<16xi32>
        %add3A_401 = arith.constant 0 : i32
        %add3A_402 = vector.broadcast %add3A_401 : i32 to vector<16xi32>
        %add3A_403 = arith.addi %add3A_402, %select_n3A_400 : vector<16xi32>
        %gather3A_404 = tpu.vector_load_idx %arg20[%add3A_403, %rem3A_4, %add3A_176] : memref<8x8x128xf32, #tpu.memory_space<vmem>>[vector<16xi32>, vector<16xi32>, vector<16xi32>], vector<16xf32>,
        %mul3A_405 = arith.constant 0 : i32
        %mul3A_406 = vector.broadcast %mul3A_405 : i32 to vector<16xi32>
        %mul3A_407 = arith.muli %iota3A, %mul3A_406 : vector<16xi32>
        %add3A_408 = vector.broadcast %add3A_164 : i32 to vector<16xi32>
        %add3A_409 = arith.addi %mul3A_407, %add3A_408 : vector<16xi32>
        tpu.vector_store_idx %arg24[%add3A_403, %rem3A_4, %add3A_409], %gather3A_404 : memref<8x8x512xf32, #tpu.memory_space<vmem>>[vector<16xi32>, vector<16xi32>, vector<16xi32>], vector<16xf32>,
        %jit3A_410 = arith.constant 8 : i32
        %div3A_411 = vector.broadcast %jit3A_410 : i32 to vector<16xi32>
        %div3A_412 = arith.divsi %iota3A, %div3A_411 : vector<16xi32>
        %sign3A_413 = arith.constant 0 : i32
        %sign3A_414 = vector.broadcast %sign3A_413 : i32 to vector<16xi32>
        %sign3A_415 = arith.cmpi sgt, %iota3A, %sign3A_414 : vector<16xi32>
        %sign3A_416 = arith.extui %sign3A_415 : vector<16xi1> to vector<16xi32>
        %sign3A_417 = arith.constant 0 : i32
        %sign3A_418 = vector.broadcast %sign3A_417 : i32 to vector<16xi32>
        %sign3A_419 = arith.cmpi slt, %iota3A, %sign3A_418 : vector<16xi32>
        %sign3A_420 = arith.extui %sign3A_419 : vector<16xi1> to vector<16xi32>
        %sign3A_421 = arith.subi %sign3A_416, %sign3A_420 : vector<16xi32>
        %sign3A_422 = arith.constant 0 : i32
        %sign3A_423 = arith.cmpi sgt, %jit3A_410, %sign3A_422 : i32
        %sign3A_424 = arith.extui %sign3A_423 : i1 to i32
        %sign3A_425 = arith.constant 0 : i32
        %sign3A_426 = arith.cmpi slt, %jit3A_410, %sign3A_425 : i32
        %sign3A_427 = arith.extui %sign3A_426 : i1 to i32
        %sign3A_428 = arith.subi %sign3A_424, %sign3A_427 : i32
        %ne3A_429 = vector.broadcast %sign3A_428 : i32 to vector<16xi32>
        %ne3A_430 = arith.cmpi ne, %sign3A_421, %ne3A_429 : vector<16xi32>
        %rem3A_431 = vector.broadcast %jit3A_410 : i32 to vector<16xi32>
        %rem3A_432 = arith.remsi %iota3A, %rem3A_431 : vector<16xi32>
        %ne3A_433 = arith.constant 0 : i32
        %ne3A_434 = vector.broadcast %ne3A_433 : i32 to vector<16xi32>
        %ne3A_435 = arith.cmpi ne, %rem3A_432, %ne3A_434 : vector<16xi32>
        %and3A_436 = arith.andi %ne3A_430, %ne3A_435 : vector<16xi1>
        %sub3A_437 = arith.constant 1 : i32
        %sub3A_438 = vector.broadcast %sub3A_437 : i32 to vector<16xi32>
        %sub3A_439 = arith.subi %div3A_412, %sub3A_438 : vector<16xi32>
        %select_n3A_440 = arith.select %and3A_436, %sub3A_439, %div3A_412 : vector<16xi1>, vector<16xi32>
        %add3A_441 = arith.constant 2 : i32
        %add3A_442 = vector.broadcast %add3A_441 : i32 to vector<16xi32>
        %add3A_443 = arith.addi %add3A_442, %select_n3A_440 : vector<16xi32>
        %gather3A_444 = tpu.vector_load_idx %arg20[%add3A_443, %rem3A_4, %add3A_176] : memref<8x8x128xf32, #tpu.memory_space<vmem>>[vector<16xi32>, vector<16xi32>, vector<16xi32>], vector<16xf32>,
        %mul3A_445 = arith.constant 0 : i32
        %mul3A_446 = vector.broadcast %mul3A_445 : i32 to vector<16xi32>
        %mul3A_447 = arith.muli %iota3A, %mul3A_446 : vector<16xi32>
        %add3A_448 = vector.broadcast %add3A_164 : i32 to vector<16xi32>
        %add3A_449 = arith.addi %mul3A_447, %add3A_448 : vector<16xi32>
        tpu.vector_store_idx %arg24[%add3A_443, %rem3A_4, %add3A_449], %gather3A_444 : memref<8x8x512xf32, #tpu.memory_space<vmem>>[vector<16xi32>, vector<16xi32>, vector<16xi32>], vector<16xf32>,
        %jit3A_450 = arith.constant 8 : i32
        %div3A_451 = vector.broadcast %jit3A_450 : i32 to vector<16xi32>
        %div3A_452 = arith.divsi %iota3A, %div3A_451 : vector<16xi32>
        %sign3A_453 = arith.constant 0 : i32
        %sign3A_454 = vector.broadcast %sign3A_453 : i32 to vector<16xi32>
        %sign3A_455 = arith.cmpi sgt, %iota3A, %sign3A_454 : vector<16xi32>
        %sign3A_456 = arith.extui %sign3A_455 : vector<16xi1> to vector<16xi32>
        %sign3A_457 = arith.constant 0 : i32
        %sign3A_458 = vector.broadcast %sign3A_457 : i32 to vector<16xi32>
        %sign3A_459 = arith.cmpi slt, %iota3A, %sign3A_458 : vector<16xi32>
        %sign3A_460 = arith.extui %sign3A_459 : vector<16xi1> to vector<16xi32>
        %sign3A_461 = arith.subi %sign3A_456, %sign3A_460 : vector<16xi32>
        %sign3A_462 = arith.constant 0 : i32
        %sign3A_463 = arith.cmpi sgt, %jit3A_450, %sign3A_462 : i32
        %sign3A_464 = arith.extui %sign3A_463 : i1 to i32
        %sign3A_465 = arith.constant 0 : i32
        %sign3A_466 = arith.cmpi slt, %jit3A_450, %sign3A_465 : i32
        %sign3A_467 = arith.extui %sign3A_466 : i1 to i32
        %sign3A_468 = arith.subi %sign3A_464, %sign3A_467 : i32
        %ne3A_469 = vector.broadcast %sign3A_468 : i32 to vector<16xi32>
        %ne3A_470 = arith.cmpi ne, %sign3A_461, %ne3A_469 : vector<16xi32>
        %rem3A_471 = vector.broadcast %jit3A_450 : i32 to vector<16xi32>
        %rem3A_472 = arith.remsi %iota3A, %rem3A_471 : vector<16xi32>
        %ne3A_473 = arith.constant 0 : i32
        %ne3A_474 = vector.broadcast %ne3A_473 : i32 to vector<16xi32>
        %ne3A_475 = arith.cmpi ne, %rem3A_472, %ne3A_474 : vector<16xi32>
        %and3A_476 = arith.andi %ne3A_470, %ne3A_475 : vector<16xi1>
        %sub3A_477 = arith.constant 1 : i32
        %sub3A_478 = vector.broadcast %sub3A_477 : i32 to vector<16xi32>
        %sub3A_479 = arith.subi %div3A_452, %sub3A_478 : vector<16xi32>
        %select_n3A_480 = arith.select %and3A_476, %sub3A_479, %div3A_452 : vector<16xi1>, vector<16xi32>
        %add3A_481 = arith.constant 4 : i32
        %add3A_482 = vector.broadcast %add3A_481 : i32 to vector<16xi32>
        %add3A_483 = arith.addi %add3A_482, %select_n3A_480 : vector<16xi32>
        %gather3A_484 = tpu.vector_load_idx %arg20[%add3A_483, %rem3A_4, %add3A_176] : memref<8x8x128xf32, #tpu.memory_space<vmem>>[vector<16xi32>, vector<16xi32>, vector<16xi32>], vector<16xf32>,
        %mul3A_485 = arith.constant 0 : i32
        %mul3A_486 = vector.broadcast %mul3A_485 : i32 to vector<16xi32>
        %mul3A_487 = arith.muli %iota3A, %mul3A_486 : vector<16xi32>
        %add3A_488 = vector.broadcast %add3A_164 : i32 to vector<16xi32>
        %add3A_489 = arith.addi %mul3A_487, %add3A_488 : vector<16xi32>
        tpu.vector_store_idx %arg24[%add3A_483, %rem3A_4, %add3A_489], %gather3A_484 : memref<8x8x512xf32, #tpu.memory_space<vmem>>[vector<16xi32>, vector<16xi32>, vector<16xi32>], vector<16xf32>,
        %jit3A_490 = arith.constant 8 : i32
        %div3A_491 = vector.broadcast %jit3A_490 : i32 to vector<16xi32>
        %div3A_492 = arith.divsi %iota3A, %div3A_491 : vector<16xi32>
        %sign3A_493 = arith.constant 0 : i32
        %sign3A_494 = vector.broadcast %sign3A_493 : i32 to vector<16xi32>
        %sign3A_495 = arith.cmpi sgt, %iota3A, %sign3A_494 : vector<16xi32>
        %sign3A_496 = arith.extui %sign3A_495 : vector<16xi1> to vector<16xi32>
        %sign3A_497 = arith.constant 0 : i32
        %sign3A_498 = vector.broadcast %sign3A_497 : i32 to vector<16xi32>
        %sign3A_499 = arith.cmpi slt, %iota3A, %sign3A_498 : vector<16xi32>
        %sign3A_500 = arith.extui %sign3A_499 : vector<16xi1> to vector<16xi32>
        %sign3A_501 = arith.subi %sign3A_496, %sign3A_500 : vector<16xi32>
        %sign3A_502 = arith.constant 0 : i32
        %sign3A_503 = arith.cmpi sgt, %jit3A_490, %sign3A_502 : i32
        %sign3A_504 = arith.extui %sign3A_503 : i1 to i32
        %sign3A_505 = arith.constant 0 : i32
        %sign3A_506 = arith.cmpi slt, %jit3A_490, %sign3A_505 : i32
        %sign3A_507 = arith.extui %sign3A_506 : i1 to i32
        %sign3A_508 = arith.subi %sign3A_504, %sign3A_507 : i32
        %ne3A_509 = vector.broadcast %sign3A_508 : i32 to vector<16xi32>
        %ne3A_510 = arith.cmpi ne, %sign3A_501, %ne3A_509 : vector<16xi32>
        %rem3A_511 = vector.broadcast %jit3A_490 : i32 to vector<16xi32>
        %rem3A_512 = arith.remsi %iota3A, %rem3A_511 : vector<16xi32>
        %ne3A_513 = arith.constant 0 : i32
        %ne3A_514 = vector.broadcast %ne3A_513 : i32 to vector<16xi32>
        %ne3A_515 = arith.cmpi ne, %rem3A_512, %ne3A_514 : vector<16xi32>
        %and3A_516 = arith.andi %ne3A_510, %ne3A_515 : vector<16xi1>
        %sub3A_517 = arith.constant 1 : i32
        %sub3A_518 = vector.broadcast %sub3A_517 : i32 to vector<16xi32>
        %sub3A_519 = arith.subi %div3A_492, %sub3A_518 : vector<16xi32>
        %select_n3A_520 = arith.select %and3A_516, %sub3A_519, %div3A_492 : vector<16xi1>, vector<16xi32>
        %add3A_521 = arith.constant 6 : i32
        %add3A_522 = vector.broadcast %add3A_521 : i32 to vector<16xi32>
        %add3A_523 = arith.addi %add3A_522, %select_n3A_520 : vector<16xi32>
        %gather3A_524 = tpu.vector_load_idx %arg20[%add3A_523, %rem3A_4, %add3A_176] : memref<8x8x128xf32, #tpu.memory_space<vmem>>[vector<16xi32>, vector<16xi32>, vector<16xi32>], vector<16xf32>,
        %mul3A_525 = arith.constant 0 : i32
        %mul3A_526 = vector.broadcast %mul3A_525 : i32 to vector<16xi32>
        %mul3A_527 = arith.muli %iota3A, %mul3A_526 : vector<16xi32>
        %add3A_528 = vector.broadcast %add3A_164 : i32 to vector<16xi32>
        %add3A_529 = arith.addi %mul3A_527, %add3A_528 : vector<16xi32>
        tpu.vector_store_idx %arg24[%add3A_523, %rem3A_4, %add3A_529], %gather3A_524 : memref<8x8x512xf32, #tpu.memory_space<vmem>>[vector<16xi32>, vector<16xi32>, vector<16xi32>], vector<16xf32>,
        %jit3A_530 = arith.constant 8 : i32
        %div3A_531 = vector.broadcast %jit3A_530 : i32 to vector<16xi32>
        %div3A_532 = arith.divsi %iota3A, %div3A_531 : vector<16xi32>
        %sign3A_533 = arith.constant 0 : i32
        %sign3A_534 = vector.broadcast %sign3A_533 : i32 to vector<16xi32>
        %sign3A_535 = arith.cmpi sgt, %iota3A, %sign3A_534 : vector<16xi32>
        %sign3A_536 = arith.extui %sign3A_535 : vector<16xi1> to vector<16xi32>
        %sign3A_537 = arith.constant 0 : i32
        %sign3A_538 = vector.broadcast %sign3A_537 : i32 to vector<16xi32>
        %sign3A_539 = arith.cmpi slt, %iota3A, %sign3A_538 : vector<16xi32>
        %sign3A_540 = arith.extui %sign3A_539 : vector<16xi1> to vector<16xi32>
        %sign3A_541 = arith.subi %sign3A_536, %sign3A_540 : vector<16xi32>
        %sign3A_542 = arith.constant 0 : i32
        %sign3A_543 = arith.cmpi sgt, %jit3A_530, %sign3A_542 : i32
        %sign3A_544 = arith.extui %sign3A_543 : i1 to i32
        %sign3A_545 = arith.constant 0 : i32
        %sign3A_546 = arith.cmpi slt, %jit3A_530, %sign3A_545 : i32
        %sign3A_547 = arith.extui %sign3A_546 : i1 to i32
        %sign3A_548 = arith.subi %sign3A_544, %sign3A_547 : i32
        %ne3A_549 = vector.broadcast %sign3A_548 : i32 to vector<16xi32>
        %ne3A_550 = arith.cmpi ne, %sign3A_541, %ne3A_549 : vector<16xi32>
        %rem3A_551 = vector.broadcast %jit3A_530 : i32 to vector<16xi32>
        %rem3A_552 = arith.remsi %iota3A, %rem3A_551 : vector<16xi32>
        %ne3A_553 = arith.constant 0 : i32
        %ne3A_554 = vector.broadcast %ne3A_553 : i32 to vector<16xi32>
        %ne3A_555 = arith.cmpi ne, %rem3A_552, %ne3A_554 : vector<16xi32>
        %and3A_556 = arith.andi %ne3A_550, %ne3A_555 : vector<16xi1>
        %sub3A_557 = arith.constant 1 : i32
        %sub3A_558 = vector.broadcast %sub3A_557 : i32 to vector<16xi32>
        %sub3A_559 = arith.subi %div3A_532, %sub3A_558 : vector<16xi32>
        %select_n3A_560 = arith.select %and3A_556, %sub3A_559, %div3A_532 : vector<16xi1>, vector<16xi32>
        %add3A_561 = arith.constant 0 : i32
        %add3A_562 = vector.broadcast %add3A_561 : i32 to vector<16xi32>
        %add3A_563 = arith.addi %add3A_562, %select_n3A_560 : vector<16xi32>
        %gather3A_564 = tpu.vector_load_idx %arg21[%add3A_563, %rem3A_4, %add3A_176] : memref<2x8x128xf32, #tpu.memory_space<vmem>>[vector<16xi32>, vector<16xi32>, vector<16xi32>], vector<16xf32>,
        %mul3A_565 = arith.constant 0 : i32
        %mul3A_566 = vector.broadcast %mul3A_565 : i32 to vector<16xi32>
        %mul3A_567 = arith.muli %iota3A, %mul3A_566 : vector<16xi32>
        %add3A_568 = vector.broadcast %add3A_164 : i32 to vector<16xi32>
        %add3A_569 = arith.addi %mul3A_567, %add3A_568 : vector<16xi32>
        tpu.vector_store_idx %arg25[%add3A_563, %rem3A_4, %add3A_569], %gather3A_564 : memref<2x8x512xf32, #tpu.memory_space<vmem>>[vector<16xi32>, vector<16xi32>, vector<16xi32>], vector<16xf32>,
      }
      %scan3A_160 = arith.constant 8 : i32
    }
    %scan3A_15 = arith.constant 32 : i32
    %dma_start3A = arith.constant 0 : i32
    %dma_start3A_16 = arith.constant 0 : i32
    %dma_start3A_17 = tpu.memref_slice %arg7[%dma_start3A, %dma_start3A_16, %mul3A_2] : memref<8x8x16384xf32, #tpu.memory_space<hbm>> -> memref<8x8x512xf32, #tpu.memory_space<hbm>>
    %dma_start3A_18 = arith.constant 0 : i32
    %dma_start3A_19 = arith.constant 0 : i32
    %dma_start3A_20 = tpu.memref_slice %arg7[%dma_start3A_18, %dma_start3A_19, %mul3A_2] : memref<8x8x16384xf32, #tpu.memory_space<hbm>> -> memref<8x8x512xf32, #tpu.memory_space<hbm>>
    tpu.enqueue_dma source(%arg22 : memref<8x8x512xf32, #tpu.memory_space<vmem>>) target(%dma_start3A_20 : memref<8x8x512xf32, #tpu.memory_space<hbm>>) target_semaphore(%arg28 : memref<!tpu.dma_semaphore, #tpu.memory_space<semaphore_mem>>)
    %dma_start3A_21 = arith.constant 0 : i32
    %dma_start3A_22 = arith.constant 0 : i32
    %dma_start3A_23 = tpu.memref_slice %arg8[%dma_start3A_21, %dma_start3A_22, %mul3A_2] : memref<2x8x16384xf32, #tpu.memory_space<hbm>> -> memref<2x8x512xf32, #tpu.memory_space<hbm>>
    %dma_start3A_24 = arith.constant 0 : i32
    %dma_start3A_25 = arith.constant 0 : i32
    %dma_start3A_26 = tpu.memref_slice %arg8[%dma_start3A_24, %dma_start3A_25, %mul3A_2] : memref<2x8x16384xf32, #tpu.memory_space<hbm>> -> memref<2x8x512xf32, #tpu.memory_space<hbm>>
    tpu.enqueue_dma source(%arg23 : memref<2x8x512xf32, #tpu.memory_space<vmem>>) target(%dma_start3A_26 : memref<2x8x512xf32, #tpu.memory_space<hbm>>) target_semaphore(%arg28 : memref<!tpu.dma_semaphore, #tpu.memory_space<semaphore_mem>>)
    %dma_start3A_27 = arith.constant 0 : i32
    %dma_start3A_28 = arith.constant 0 : i32
    %dma_start3A_29 = tpu.memref_slice %arg9[%dma_start3A_27, %dma_start3A_28, %mul3A_2] : memref<8x8x16384xf32, #tpu.memory_space<hbm>> -> memref<8x8x512xf32, #tpu.memory_space<hbm>>
    %dma_start3A_30 = arith.constant 0 : i32
    %dma_start3A_31 = arith.constant 0 : i32
    %dma_start3A_32 = tpu.memref_slice %arg9[%dma_start3A_30, %dma_start3A_31, %mul3A_2] : memref<8x8x16384xf32, #tpu.memory_space<hbm>> -> memref<8x8x512xf32, #tpu.memory_space<hbm>>
    tpu.enqueue_dma source(%arg24 : memref<8x8x512xf32, #tpu.memory_space<vmem>>) target(%dma_start3A_32 : memref<8x8x512xf32, #tpu.memory_space<hbm>>) target_semaphore(%arg28 : memref<!tpu.dma_semaphore, #tpu.memory_space<semaphore_mem>>)
    %dma_start3A_33 = arith.constant 0 : i32
    %dma_start3A_34 = arith.constant 0 : i32
    %dma_start3A_35 = tpu.memref_slice %arg10[%dma_start3A_33, %dma_start3A_34, %mul3A_2] : memref<2x8x16384xf32, #tpu.memory_space<hbm>> -> memref<2x8x512xf32, #tpu.memory_space<hbm>>
    %dma_start3A_36 = arith.constant 0 : i32
    %dma_start3A_37 = arith.constant 0 : i32
    %dma_start3A_38 = tpu.memref_slice %arg10[%dma_start3A_36, %dma_start3A_37, %mul3A_2] : memref<2x8x16384xf32, #tpu.memory_space<hbm>> -> memref<2x8x512xf32, #tpu.memory_space<hbm>>
    tpu.enqueue_dma source(%arg25 : memref<2x8x512xf32, #tpu.memory_space<vmem>>) target(%dma_start3A_38 : memref<2x8x512xf32, #tpu.memory_space<hbm>>) target_semaphore(%arg28 : memref<!tpu.dma_semaphore, #tpu.memory_space<semaphore_mem>>)
    %dma_wait3A = arith.constant 0 : i32
    %dma_wait3A_39 = arith.constant 0 : i32
    %dma_wait3A_40 = tpu.memref_slice %arg7[%dma_wait3A, %dma_wait3A_39, %mul3A_2] : memref<8x8x16384xf32, #tpu.memory_space<hbm>> -> memref<8x8x512xf32, #tpu.memory_space<hbm>>
    %dma_wait3A_41 = arith.constant 0 : i32
    %dma_wait3A_42 = arith.constant 0 : i32
    %dma_wait3A_43 = tpu.memref_slice %arg7[%dma_wait3A_41, %dma_wait3A_42, %mul3A_2] : memref<8x8x16384xf32, #tpu.memory_space<hbm>> -> memref<8x8x512xf32, #tpu.memory_space<hbm>>
    tpu.wait_dma2 semaphore(%arg28 : memref<!tpu.dma_semaphore, #tpu.memory_space<semaphore_mem>>) src(%arg22 : memref<8x8x512xf32, #tpu.memory_space<vmem>>) dst(%dma_wait3A_43 : memref<8x8x512xf32, #tpu.memory_space<hbm>>)
    %dma_wait3A_44 = arith.constant 0 : i32
    %dma_wait3A_45 = arith.constant 0 : i32
    %dma_wait3A_46 = tpu.memref_slice %arg8[%dma_wait3A_44, %dma_wait3A_45, %mul3A_2] : memref<2x8x16384xf32, #tpu.memory_space<hbm>> -> memref<2x8x512xf32, #tpu.memory_space<hbm>>
    %dma_wait3A_47 = arith.constant 0 : i32
    %dma_wait3A_48 = arith.constant 0 : i32
    %dma_wait3A_49 = tpu.memref_slice %arg8[%dma_wait3A_47, %dma_wait3A_48, %mul3A_2] : memref<2x8x16384xf32, #tpu.memory_space<hbm>> -> memref<2x8x512xf32, #tpu.memory_space<hbm>>
    tpu.wait_dma2 semaphore(%arg28 : memref<!tpu.dma_semaphore, #tpu.memory_space<semaphore_mem>>) src(%arg23 : memref<2x8x512xf32, #tpu.memory_space<vmem>>) dst(%dma_wait3A_49 : memref<2x8x512xf32, #tpu.memory_space<hbm>>)
    %dma_wait3A_50 = arith.constant 0 : i32
    %dma_wait3A_51 = arith.constant 0 : i32
    %dma_wait3A_52 = tpu.memref_slice %arg9[%dma_wait3A_50, %dma_wait3A_51, %mul3A_2] : memref<8x8x16384xf32, #tpu.memory_space<hbm>> -> memref<8x8x512xf32, #tpu.memory_space<hbm>>
    %dma_wait3A_53 = arith.constant 0 : i32
    %dma_wait3A_54 = arith.constant 0 : i32
    %dma_wait3A_55 = tpu.memref_slice %arg9[%dma_wait3A_53, %dma_wait3A_54, %mul3A_2] : memref<8x8x16384xf32, #tpu.memory_space<hbm>> -> memref<8x8x512xf32, #tpu.memory_space<hbm>>
    tpu.wait_dma2 semaphore(%arg28 : memref<!tpu.dma_semaphore, #tpu.memory_space<semaphore_mem>>) src(%arg24 : memref<8x8x512xf32, #tpu.memory_space<vmem>>) dst(%dma_wait3A_55 : memref<8x8x512xf32, #tpu.memory_space<hbm>>)
    %dma_wait3A_56 = arith.constant 0 : i32
    %dma_wait3A_57 = arith.constant 0 : i32
    %dma_wait3A_58 = tpu.memref_slice %arg10[%dma_wait3A_56, %dma_wait3A_57, %mul3A_2] : memref<2x8x16384xf32, #tpu.memory_space<hbm>> -> memref<2x8x512xf32, #tpu.memory_space<hbm>>
    %dma_wait3A_59 = arith.constant 0 : i32
    %dma_wait3A_60 = arith.constant 0 : i32
    %dma_wait3A_61 = tpu.memref_slice %arg10[%dma_wait3A_59, %dma_wait3A_60, %mul3A_2] : memref<2x8x16384xf32, #tpu.memory_space<hbm>> -> memref<2x8x512xf32, #tpu.memory_space<hbm>>
    tpu.wait_dma2 semaphore(%arg28 : memref<!tpu.dma_semaphore, #tpu.memory_space<semaphore_mem>>) src(%arg25 : memref<2x8x512xf32, #tpu.memory_space<vmem>>) dst(%dma_wait3A_61 : memref<2x8x512xf32, #tpu.memory_space<hbm>>)
    return
  }
}

</mosaic_0001>

<sc_bundles>
// kernel: _gather_all.3.cloned.1.call-start
scs
__scs_entry_jumppad:
0x0: {  	(pc) =	sbr.rel $0x88, $3  }
0x1: {  	(tag) =	ssettag $0x0;
	lr =	simm.s32 $0x1  }
0x2: {  	[smem:$0x3F9C] =	sst lr;
	_ =	strace $0xD0000000  }
0x3: {  	_ = 	snop  }
0x4: {  	_ = 	snop  }
0x5: {  	_ = 	snop  }
0x6: {  	_ = 	snop  }
0x7: {  	_ = 	snop  }
__scs_overlays_trampoline_lowered:
0x8: {  	[smem:$0x3FAB] =	sst s0  }
0x9: {  	[smem:$0x3FAC] =	sst s1  }
0xa: {  	[smem:$0x3FAD] =	sst s2  }
0xb: {  	[smem:$0x3FAE] =	sst s3  }
0xc: {  	[smem:$0x3FAF] =	sst s4  }
0xd: {  	[smem:$0x3FB0] =	sst s5  }
0xe: {  	[smem:$0x3FB1] =	sst s6  }
0xf: {  	[smem:$0x3FB2] =	sst s7  }
0x10: {  	[smem:$0x3FB3] =	sst s8  }
0x11: {  	[smem:$0x3FB4] =	sst s9;
	s0 =	simm.s32 @!p0 $0x0  }
0x12: {  	s1 =	sld [smem:$0x3F9A];
	s0 =	simm.s32 @p0 $0x1  }
0x13: {  	[smem:$0x3FB5] =	sst s0;
	s0 =	simm.s32 @!p1 $0x0  }
0x14: {  	s2 =	sld [smem:$0x3F99];
	s0 =	simm.s32 @p1 $0x1  }
0x15: {  	[smem:$0x3FB6] =	sst s0;
	s0 =	simm.s32 @!p2 $0x0  }
0x16: {  	s3 =	sld [smem:$0x3FDB];
	s0 =	simm.s32 @p2 $0x1  }
0x17: {  	s4 =	simm.s32 $0x1BF5;
	[smem:$0x3FB8] =	sst s0  }
0x18: {  	s0 =	sld [smem:$0x3F9B];
	_ =	swait.ge [sflag:s4], $0x0  }
0x19: {  	s7 =	sld [smem:$0x3F9C]  }
0x1a: {  	s8 =	sadd.s32 $0xFFFFE003, lr  }
0x1b: {  	s9 =	sadd.s32 $0xFFFFFEF7, lr;
	s5 =	simm.s32 $0xFFFFFFFF;
	p2 =	slt.u32 s8, $0xFFFFF086  }
0x1c: {  	p1 =	slt.u32 s9, $0xF7A;
	s5 =	simm.s32 @!p2 $0x0  }
0x1d: {  	s5 =	simm.s32 @p1 $0x1;
	p0 =	seq.s32 s7, s2  }
0x1e: {  	s7 =	smul.u32 @!p0 $0xF7A, s2;
	p2 =	seq.s32 @!p0 s5, $0x0  }
0x1f: {  	s9 =	smul.u32 $0xF7A, s1;
	s8 =	simm.s32 @!p0 $0x1BF5;
	p2 =	por !p2, p0  }
0x20: {  	[sflag:s8] =	ssyncset.s32 @!p0 $0xFFFFF086;
	s6 =	sadd.s32 @!p0 s3, s7;
	s7 =	simm.s32 @!p0 $0x108  }
0x21: {  	s3 =	sadd.s32 s3, s9;
	s6 =	sadd.s32 @!p0 $0x88, s6;
	s7 =	simm.s32 @p2 $0x1082  }
0x22: {  	[simem:s7], [sflag:s8] =	dma.local @!p0 [hbm:s6], $0xF7A  }
0x23: {  	s9 =	sor.u32 $0xD0000000, s2;
	s6 =	simm.s32 $0x108;
	_ =	swait.ge @!p0 [sflag:s8], $0x0  }
0x24: {  	s3 =	sadd.s32 $0x88, s3;
	s6 =	simm.s32 @!p1 $0x1082;
	[sflag:s4] =	ssyncset.s32 $0xFFFFF086  }
0x25: {  	[simem:s6], [sflag:s4] =	dma.local [hbm:s3], $0xF7A  }
0x26: {  	[smem:$0x3F9C] =	sst s1;
	(tag) =	ssettag s2;
	_ =	strace s9  }
0x27: {  	s1 =	sld [smem:$0x3FAC]  }
0x28: {  	s2 =	sld [smem:$0x3FAD]  }
0x29: {  	s4 =	sld [smem:$0x3FAF]  }
0x2a: {  	p0 =	seq.s32 s5, $0x0;
	s5 =	sld [smem:$0x3FB0]  }
0x2b: {  	s6 =	sld [smem:$0x3FB1]  }
0x2c: {  	s7 =	sld [smem:$0x3FB2]  }
0x2d: {  	s3 =	simm.s32 $0x108;
	s8 =	sld [smem:$0x3FB3]  }
0x2e: {  	s3 =	simm.s32 @!p0 $0x1082;
	s9 =	sld [smem:$0x3FB4]  }
0x2f: {  	lr =	sadd.s32 s0, s3;
	s0 =	sld [smem:$0x3FAB]  }
0x30: {  	s3 =	sld [smem:$0x3FAE]  }
0x31: {  	[smem:$0x3FB7] =	sst s10  }
0x32: {  	s10 =	sld [smem:$0x3FB5];
	_ =	sdelay $0x3  }
0x33: {  	p0 =	seq.s32 s10, $0x1;
	s10 =	sld [smem:$0x3FB7];
	_ =	sdelay $0x3  }
0x34: {  	[smem:$0x3FB7] =	sst s10  }
0x35: {  	s10 =	sld [smem:$0x3FB6];
	_ =	sdelay $0x3  }
0x36: {  	p1 =	seq.s32 s10, $0x1;
	s10 =	sld [smem:$0x3FB7];
	_ =	sdelay $0x3  }
0x37: {  	[smem:$0x3FB7] =	sst s10  }
0x38: {  	s10 =	sld [smem:$0x3FB8]  }
0x39: {  	_ = 	snop;
	(pc) =	sbr.ind lr, $3  }
0x3a: {  	_ = 	snop  }
0x3b: {  	_ = 	snop  }
0x3c: {  	p2 =	seq.s32 s10, $0x1;
	s10 =	sld [smem:$0x3FB7]  }
0x3d: {  	_ =	shalt  }
0x3e: {  	_ =	shalt  }
0x3f: {  	_ =	shalt  }
0x40: {  	_ =	shalt  }
0x41: {  	_ =	shalt  }
0x42: {  	_ =	shalt  }
0x43: {  	_ =	shalt  }
0x44: {  	_ =	shalt  }
0x45: {  	_ =	shalt  }
0x46: {  	_ =	shalt  }
0x47: {  	_ =	shalt  }
0x48: {  	_ =	shalt  }
0x49: {  	_ =	shalt  }
0x4a: {  	_ =	shalt  }
0x4b: {  	_ =	shalt  }
0x4c: {  	_ =	shalt  }
0x4d: {  	_ =	shalt  }
0x4e: {  	_ =	shalt  }
0x4f: {  	_ =	shalt  }
0x50: {  	_ =	shalt  }
0x51: {  	_ =	shalt  }
0x52: {  	_ =	shalt  }
0x53: {  	_ =	shalt  }
0x54: {  	_ =	shalt  }
0x55: {  	_ =	shalt  }
0x56: {  	_ =	shalt  }
0x57: {  	_ =	shalt  }
0x58: {  	_ =	shalt  }
0x59: {  	_ =	shalt  }
0x5a: {  	_ =	shalt  }
0x5b: {  	_ =	shalt  }
0x5c: {  	_ =	shalt  }
0x5d: {  	_ =	shalt  }
0x5e: {  	_ =	shalt  }
0x5f: {  	_ =	shalt  }
0x60: {  	_ =	shalt  }
0x61: {  	_ =	shalt  }
0x62: {  	_ =	shalt  }
0x63: {  	_ =	shalt  }
0x64: {  	_ =	shalt  }
0x65: {  	_ =	shalt  }
0x66: {  	_ =	shalt  }
0x67: {  	_ =	shalt  }
0x68: {  	_ =	shalt  }
0x69: {  	_ =	shalt  }
0x6a: {  	_ =	shalt  }
0x6b: {  	_ =	shalt  }
0x6c: {  	_ =	shalt  }
0x6d: {  	_ =	shalt  }
0x6e: {  	_ =	shalt  }
0x6f: {  	_ =	shalt  }
0x70: {  	_ =	shalt  }
0x71: {  	_ =	shalt  }
0x72: {  	_ =	shalt  }
0x73: {  	_ =	shalt  }
0x74: {  	_ =	shalt  }
0x75: {  	_ =	shalt  }
0x76: {  	_ =	shalt  }
0x77: {  	_ =	shalt  }
0x78: {  	_ =	shalt  }
0x79: {  	_ =	shalt  }
0x7a: {  	_ =	shalt  }
0x7b: {  	_ =	shalt  }
0x7c: {  	_ =	shalt  }
0x7d: {  	_ =	shalt  }
0x7e: {  	_ =	shalt  }
0x7f: {  	_ =	shalt  }
0x80: {  	_ =	shalt  }
0x81: {  	_ =	shalt  }
0x82: {  	_ =	shalt  }
0x83: {  	_ =	shalt  }
0x84: {  	_ =	shalt  }
0x85: {  	_ =	shalt  }
0x86: {  	_ =	shalt  }
0x87: {  	_ =	shalt  }
.Lfunc_end0:
.L_simem_size_0:
called_computation_lowered:
.L_overlay_start_0:
0x88: {  	s2 =	sld [smem:$0x3FD9]  }
0x89: {  	s3 =	sld [smem:$0x3FFE];
	_ =	sdelay $0x1  }
0x8a: {  	s1 =	srdreg.scid  }
0x8b: {  	s0 =	sand.u32 $0x1, s1  }
0x8c: {  	s15 =	sshll.u32 s0, $0xA;
	s2 =	sadd.s32 s3, s2  }
0x8d: {  	s2 =	sadd.s32 s2, s15  }
0x8e: {  	[smem:$0x3FC3] =	sst s2  }
0x8f: {  	_ = 	snop  }
0x90: {  	s2 =	sld [smem:$0x3FC9]  }
0x91: {  	s16 =	sld [smem:$0x3FC8]  }
0x92: {  	s4 =	sld [smem:$0x3FD0]  }
0x93: {  	s5 =	sld [smem:$0x3FC7]  }
0x94: {  	s6 =	sld [smem:$0x3FC6]  }
0x95: {  	s8 =	simm.s32 $0xA;
	s9 =	simm.s32 $0x10;
	s7 =	sld [smem:$0x3FC5]  }
0x96: {  	[smem:s9], [sflag:s8] =	dma.local [hbm:s4], $0x1  }
0x97: {  	_ =	swait.eq [sflag:s8], $0x1  }
0x98: {  	s17 =	sld [smem:$0x10]  }
0x99: {  	s18 =	sld [smem:$0x11];
	[sflag:s8] =	ssyncset.done $0x0  }
0x9a: {  	s10 =	sld [smem:$0x12];
	[sflag:s8] =	ssyncadd.s32 $0xFFFFFFFF  }
0x9b: {  	s19 =	sld [smem:$0x13];
	(tm) =	ssettm $0x1  }
0x9c: {  	s11 =	sld [smem:$0x3FFB];
	_ =	sdelay $0x3  }
0x9d: {  	_ =	strace s11  }
0x9e: {  	s11 =	sld [smem:$0x3FFC];
	_ =	sdelay $0x3  }
0x9f: {  	_ =	strace s11  }
0xa0: {  	s11 =	sld [smem:$0x3FFD];
	_ =	sdelay $0x3  }
0xa1: {  	_ =	strace s11  }
0xa2: {  	_ =	strace $0x8FFFFFFF  }
0xa3: {  	s20 =	sld [smem:$0x3FDB];
	_ =	sdelay $0x1  }
0xa4: {  	s12 =	simm.s32 $_scs_section_size  }
0xa5: {  	s13 =	simm.s32 $_size__tile_overlayer_lowered;
	s14 =	simm.s32 $_tile_overlayer_lowered  }
0xa6: {  	s23 =	simm.s32 $0x1BFF;
	s22 =	sshll.u32 s14, $0x1;
	s11 =	sadd.s32 s12, s20  }
0xa7: {  	s21 =	sshll.u32 s13, $0x1;
	s15 =	simm.s32 $0x0;
	s13 =	sadd.s32 s22, s11  }
0xa8: {  	[timem:s15], [sflag:s23] =	dma.local [hbm:s13], s21  }
0xa9: {  	_ =	swait.ge [sflag:s23], s21  }
0xaa: {  	s12 =	ssub.s32 $0x0, s21;
	[sflag:s23] =	ssyncset.done $0x0  }
0xab: {  	[sflag:s23] =	ssyncadd.s32 s12;
	_ =	sdelay $0x1  }
0xac: {  	s24 =	simm.s32 $0x1B8B  }
0xad: {  	_ =	swait.ge [sflag:s24], $0x1  }
0xae: {  	[sflag:s24] =	ssyncset.done $0x0  }
0xaf: {  	s25 =	simm.s32 $0x1B8E;
	[sflag:s24] =	ssyncadd.s32 $0xFFFFFFFF  }
0xb0: {  	s26 =	simm.s32 $execute0_lowered;
	[smem:$0x3FD2] =	sst s25  }
0xb1: {  	s12 =	sshll.u32 s26, $0x1;
	_ =	strace $0x80000046;
	[dreg:$0x1] =	wrdreg $0xFFFFFFFF  }
0xb2: {  	s28 =	simm.s32 $_size_execute0_lowered;
	s11 =	sadd.s32 s11, s12;
	[dreg:$0x0] =	wrdreg $0x0  }
0xb3: {  	s12 =	sshll.u32 s28, $0x1;
	[dreg:$0x2] =	wrdreg s11  }
0xb4: {  	[dreg:$0x3] =	wrdreg s12  }
0xb5: {  	[dreg:$0x4] =	wrdreg $0xC0  }
0xb6: {  	_ =	task [dreg:s15], $0x5FFFF  }
0xb7: {  	[dreg:$0x1] =	wrdreg $0xFFFFFFFF  }
0xb8: {  	[dreg:$0x0] =	wrdreg $0x60  }
0xb9: {  	[dreg:$0x2] =	wrdreg s2  }
0xba: {  	[dreg:$0x3] =	wrdreg s16  }
0xbb: {  	[dreg:$0x4] =	wrdreg s5  }
0xbc: {  	[dreg:$0x5] =	wrdreg s6  }
0xbd: {  	[dreg:$0x6] =	wrdreg s7  }
0xbe: {  	[dreg:$0x7] =	wrdreg s17  }
0xbf: {  	[dreg:$0x8] =	wrdreg s18  }
0xc0: {  	[dreg:$0x9] =	wrdreg s10  }
0xc1: {  	[dreg:$0xa] =	wrdreg s19  }
0xc2: {  	[dreg:$0xb] =	wrdreg $0x0  }
0xc3: {  	[dreg:$0xc] =	wrdreg $0x9  }
0xc4: {  	_ =	task.clear_ibuf [dreg:s15], $0xDFFFF;
	_ =	strace $0x90000046  }
0xc5: {  	s29 =	simm.s32 $0x9;
	_ =	strace $0x80000048  }
0xc6: {  	_ =	swait.ge [sflag:s29], $0x1  }
0xc7: {  	[sflag:s29] =	ssyncadd.s32 $0xFFFFFFFF  }
0xc8: {  	_ =	strace $0x90000048  }
0xc9: {  	_ =	sfence  }
0xca: {  	s30 =	sld [smem:$0x0];
	_ =	sdelay $0x2  }
0xcb: {  	s31 =	sshll.u32 s1, $0xD;
	s1 =	sshrl.u32 s1, $0x2  }
0xcc: {  	s3 =	sand.u32 $0x4000, s31;
	s1 =	sadd.s32 s1, s30  }
0xcd: {  	s0 =	sor.u32 s3, s0;
	s1 =	sshll.u32 s1, $0x11  }
0xce: {  	s0 =	sor.u32 s1, s0  }
0xcf: {  	s0 =	sadd.s32 $0x8F2B, s0  }
0xd0: {  	[sflag:s0] =	ssyncadd.remote.s32 $0x1  }
0xd1: {  	_ =	sfence.sel $0xFFFF  }
0xd2: {  	[dreg:$0x0] =	wrdreg $0xFFFFFFFF;
	(pc) =	sbr.abs _section_cstart, $3  }
0xd3: {  	[dreg:$0x1] =	wrdreg $0xFFFFFFFF  }
0xd4: {  	_ =	task.clear_ibuf [dreg:s15], $0x2FFFF;
	_ =	strace $0x9FFFFFFF  }
0xd5: {  	(tm) =	ssettm $0x7FFFFFFF  }
tec
execute0_lowered:
.L_overlay_start_1:
0x0: {  	(tag) =	ssettag $0x1  }
0x1: {  	s4 =	rddreg [dreg:$0x0]  }
0x2: {  	v0 =	vimm.s32 $0x1380;
	vm14 =	vcmask $0x300;
	vm13 =	vcmask $0x704;
	s0 =	rddreg [dreg:$0x1]  }
0x3: {  	vm12 =	vcmask $0xB08;
	vm11 =	vcmask $0xF0C;
	vm10 =	vcmask $0x1310;
	s1 =	rddreg [dreg:$0x2]  }
0x4: {  	vm9 =	vcmask $0x1714;
	vm8 =	vcmask $0x1B18;
	s2 =	rddreg [dreg:$0x3];
	vm7 =	vcmask $0x1F1C  }
0x5: {  	s3 =	rddreg [dreg:$0x4];
	vm6 =	vcmask $0x2320;
	vm5 =	vcmask $0x2724;
	vm4 =	vcmask $0x2B28  }
0x6: {  	s5 =	rddreg [dreg:$0x5];
	vm3 =	vcmask $0x2F2C;
	v1 =	vlaneseq.u32;
	vm2 =	vcmask $0x3330  }
0x7: {  	s7 =	rddreg [dreg:$0x6];
	vm1 =	vcmask $0x3734;
	vm0 =	vcmask $0x3B38;
	v3 =	vimm.s32 $0x3380  }
0x8: {  	s8 =	rddreg [dreg:$0x7];
	v4 =	vimm.s32 $0x5380;
	v5 =	vimm.s32 $0x7380;
	v0 =	vsel vm14, $0x0, v0  }
0x9: {  	s9 =	rddreg [dreg:$0x8];
	v3 =	vsel vm14, $0x2000, v3;
	v4 =	vsel vm14, $0x4000, v4;
	v5 =	vsel vm14, $0x6000, v5  }
0xa: {  	s10 =	rddreg [dreg:$0x9];
	v0 =	vsel vm13, $0x80, v0;
	v3 =	vsel vm13, $0x2080, v3;
	v4 =	vsel vm13, $0x4080, v4  }
0xb: {  	s6 =	srdreg.scid;
	s16 =	stileid.u32;
	v5 =	vsel vm13, $0x6080, v5;
	v0 =	vsel vm12, $0x100, v0;
	v3 =	vsel vm12, $0x2100, v3  }
0xc: {  	s28 =	simm.s32 $0xA600;
	s29 =	simm.s32 $0x2600;
	s30 =	simm.s32 $0x12600;
	v4 =	vsel vm12, $0x4100, v4;
	v5 =	vsel vm12, $0x6100, v5;
	v0 =	vsel vm11, $0x180, v0  }
0xd: {  	s31 =	simm.s32 $0x2E00;
	s11 =	sand.u32 $0x1, s6;
	s13 =	sshll.u32 s16, $0x1;
	v3 =	vsel vm11, $0x2180, v3;
	v4 =	vsel vm11, $0x4180, v4;
	v5 =	vsel vm11, $0x6180, v5  }
0xe: {  	s6 =	simm.s32 $0x0;
	s12 =	ssub.s32 $0x2, s11;
	s11 =	sor.u32 s11, s13;
	v0 =	vsel vm10, $0x200, v0;
	v3 =	vsel vm10, $0x2200, v3;
	v4 =	vsel vm10, $0x4200, v4  }
0xf: {  	s25 =	sshll.u32 s16, $0x6;
	[smem:$0x7FF] =	sst s6;
	s26 =	sshll.u32 s11, $0x6;
	v5 =	vsel vm10, $0x6200, v5;
	v0 =	vsel vm9, $0x280, v0;
	v3 =	vsel vm9, $0x2280, v3  }
0x10: {  	s14 =	sshrl.u32 s12, $0x1;
	s13 =	sshll.u32 s11, $0x9;
	s4 =	sadd.s32 s4, s26;
	v4 =	vsel vm9, $0x4280, v4;
	v5 =	vsel vm9, $0x6280, v5;
	v0 =	vsel vm8, $0x300, v0  }
0x11: {  	_ =	strace $0x80000047;
	s17 =	sadd.s32 s5, s13;
	[dreg:$0xb] =	wrdreg s4;
	v3 =	vsel vm8, $0x2300, v3;
	v4 =	vsel vm8, $0x4300, v4;
	v5 =	vsel vm8, $0x6300, v5  }
0x12: {  	s11 =	sshll.u32 s11, $0x7;
	s18 =	sadd.s32 s7, s13;
	[dreg:$0xd] =	wrdreg s17;
	v0 =	vsel vm7, $0x380, v0;
	v3 =	vsel vm7, $0x2380, v3;
	v4 =	vsel vm7, $0x4380, v4  }
0x13: {  	s12 =	ssub.s32 s12, s14;
	s19 =	sadd.s32 s8, s13;
	[dreg:$0xe] =	wrdreg s18;
	v5 =	vsel vm7, $0x6380, v5;
	v0 =	vsel vm6, $0x1000, v0;
	v3 =	vsel vm6, $0x3000, v3  }
0x14: {  	s15 =	sand.u32 $0x3000, s13;
	s20 =	sadd.s32 s9, s13;
	[dreg:$0xf] =	wrdreg s19;
	v4 =	vsel vm6, $0x5000, v4;
	v5 =	vsel vm6, $0x7000, v5;
	v0 =	vsel vm5, $0x1080, v0  }
0x15: {  	s14 =	sand.u32 $0x380, s11;
	[dreg:$0x10] =	wrdreg s20;
	s21 =	smax.u32 s12, $0x1;
	v3 =	vsel vm5, $0x3080, v3;
	v4 =	vsel vm5, $0x5080, v4;
	v5 =	vsel vm5, $0x7080, v5  }
0x16: {  	s10 =	sadd.s32 s15, s10;
	s4 =	sor.u32 $0x1C04, s25;
	[dreg:$0x11] =	wrdreg s21;
	v0 =	vsel vm4, $0x1100, v0;
	v3 =	vsel vm4, $0x3100, v3;
	v4 =	vsel vm4, $0x5100, v4  }
0x17: {  	s5 =	simm.s32 $0x4E00;
	s10 =	sadd.s32 s14, s10;
	[dreg:$0x15] =	wrdreg s4;
	v5 =	vsel vm4, $0x7100, v5;
	v2 =	vsel vm3, $0x1180, v0;
	v0 =	vmul.u32 $0x80, v1  }
0x18: {  	s9 =	simm.s32 $0x7E00;
	s22 =	sadd.s32 $0x400, s10;
	[dreg:$0xc] =	wrdreg s10;
	v3 =	vsel vm3, $0x3180, v3;
	v4 =	vsel vm3, $0x5180, v4;
	v5 =	vsel vm3, $0x7180, v5  }
0x19: {  	s11 =	simm.s32 $0x0;
	s23 =	sadd.s32 $0x800, s10;
	[dreg:$0x12] =	wrdreg s22;
	v1 =	vsel vm2, $0x1200, v2;
	v3 =	vsel vm2, $0x3200, v3;
	v6 =	vsel vm2, $0x5200, v4  }
0x1a: {  	s17 =	simm.s32 $0x400;
	s24 =	sadd.s32 $0xC00, s10;
	[dreg:$0x13] =	wrdreg s23;
	v5 =	vsel vm2, $0x7200, v5;
	v1 =	vsel vm1, $0x1280, v1;
	v2 =	vor.u32 $0x800, v0  }
0x1b: {  	s25 =	simm.s32 $0x5600;
	s26 =	sshrl.u32 s10, $0x3;
	[dreg:$0x14] =	wrdreg s24;
	v3 =	vsel vm1, $0x3280, v3;
	v4 =	vor.u32 $0x1000, v0;
	v6 =	vsel vm1, $0x5280, v6  }
0x1c: {  	s4 =	simm.s32 $0x14600;
	s10 =	simm.s32 $0x9E00;
	[dreg:$0x16] =	wrdreg s26;
	v7 =	vsel vm1, $0x7280, v5;
	v1 =	vsel vm0, $0x1300, v1;
	v3 =	vsel vm0, $0x3300, v3  }
0x1d: {  	s26 =	simm.s32 $0x600;
	s23 =	simm.s32 $0x1C600;
	s22 =	simm.s32 $0x7600;
	v5 =	vsel vm0, $0x5300, v6;
	v6 =	vor.u32 $0x1800, v0;
	v7 =	vsel vm0, $0x7300, v7  }
.LBB2_1:
0x1e: {  	[dreg:$0x17] =	wrdreg s11  }
0x1f: {  	s7 =	rddreg [dreg:$0xb];
	s8 =	simm.s32 $0x4  }
0x20: {  	[tilespmem:s17], [sflag:$0x4] =	stream.linear.gather [hbm4b:s7+s6], $0x200, $0x38;
	[tilespmem:$0x1E600] =	vst v63  }
0x21: {  	s13 =	simm.s32 $0x1;
	_ =	swait.ge [sflag:s8], $0x200  }
0x22: {  	s14 =	simm.s32 $0x80;
	[sflag:s8] =	ssyncset.done $0x0;
	s19 =	rddreg [dreg:$0x15]  }
0x23: {  	s15 =	simm.s32 $0x10;
	s12 =	rddreg [dreg:$0x16];
	[sflag:s8] =	ssyncadd.s32 $0xFFFFFE00  }
0x24: {  	[spmem:s12@s14], [sflag:s19] =	dma.strided [hbm:s7@s15], $0x40, s13, $0x10   }
0x25: {  	_ =	swait.ge [sflag:s8], $0x40  }
0x26: {  	[sflag:s8] =	ssyncset.done $0x0  }
0x27: {  	s20 =	rddreg [dreg:$0xc];
	[sflag:s8] =	ssyncadd.s32 $0xFFFFFFC0  }
0x28: {  	[smem:s6], [sflag:$0x4] =	stream.linear.gather [spmem:s20], $0x80, $0x38;
	[tilespmem:$0x1E600] =	vst v63  }
0x29: {  	s7 =	rddreg [dreg:$0x12]  }
0x2a: {  	[smem:s14], [sflag:$0x4] =	stream.linear.gather [spmem:s7], $0x80, $0x38;
	[tilespmem:$0x1E600] =	vst v63  }
0x2b: {  	s21 =	simm.s32 $0x100;
	s7 =	rddreg [dreg:$0x13]  }
0x2c: {  	[smem:s21], [sflag:$0x4] =	stream.linear.gather [spmem:s7], $0x80, $0x38;
	[tilespmem:$0x1E600] =	vst v63  }
0x2d: {  	s24 =	simm.s32 $0x180;
	s7 =	rddreg [dreg:$0x14]  }
0x2e: {  	[smem:s24], [sflag:$0x4] =	stream.linear.gather [spmem:s7], $0x80, $0x38;
	[tilespmem:$0x1E600] =	vst v63  }
0x2f: {  	_ =	swait.ge [sflag:s8], $0x200  }
0x30: {  	s11 =	simm.s32 $0x0;
	[sflag:s8] =	ssyncset.done $0x0  }
0x31: {  	s7 =	simm.s32 $0x600;
	[sflag:s8] =	ssyncadd.s32 $0xFFFFFE00;
	s8 =	simm.s32 $0x2E00  }
.LBB2_2:
0x32: {  	s12 =	sld [smem:s11+$0x0];
	_ =	sdelay $0x2  }
0x33: {  	s13 =	sshll.u32 s12, $0x3  }
0x34: {  	s12 =	sand.u32 $0x70, s12;
	s13 =	sand.u32 $0xFFFFFC00, s13  }
0x35: {  	s12 =	sor.u32 s12, s13  }
0x36: {  	s13 =	sshrl.u32 s12, $0x3  }
0x37: {  	s19 =	sadd.s32 $0x0, s7;
	s14 =	sadd.s32 s0, s13  }
0x38: {  	[tilespmem:s19], [sflag:$0x1] =	stream.linear.gather [hbm4b:s14+s6], $0x10, $0x38;
	[tilespmem:$0x1E600] =	vst v63  }
0x39: {  	s15 =	sadd.s32 $0x80, s19;
	s20 =	sadd.s32 $0x100, s19;
	s16 =	sadd.s32 $0x10, s14  }
0x3a: {  	[tilespmem:s15], [sflag:$0x1] =	stream.linear.gather [hbm4b:s16+s6], $0x10, $0x38;
	[tilespmem:$0x1E600] =	vst v63  }
0x3b: {  	s24 =	sadd.s32 $0x180, s19;
	s12 =	sshll.u32 s11, $0x4;
	s18 =	sadd.s32 $0x20, s14  }
0x3c: {  	[tilespmem:s20], [sflag:$0x1] =	stream.linear.gather [hbm4b:s18+s6], $0x10, $0x38;
	[tilespmem:$0x1E600] =	vst v63  }
0x3d: {  	s21 =	sadd.s32 $0x30, s14;
	s15 =	sadd.s32 $0x40, s14;
	s16 =	sadd.s32 $0x200, s19  }
0x3e: {  	[tilespmem:s24], [sflag:$0x1] =	stream.linear.gather [hbm4b:s21+s6], $0x10, $0x38;
	[tilespmem:$0x1E600] =	vst v63  }
0x3f: {  	s18 =	sadd.s32 $0x50, s14;
	s20 =	sadd.s32 $0x280, s19;
	s21 =	sadd.s32 $0x60, s14  }
0x40: {  	[tilespmem:s16], [sflag:$0x1] =	stream.linear.gather [hbm4b:s15+s6], $0x10, $0x38;
	[tilespmem:$0x1E600] =	vst v63  }
0x41: {  	s24 =	sadd.s32 $0x300, s19;
	s19 =	sadd.s32 $0x380, s19;
	s15 =	simm.s32 $0x400  }
0x42: {  	[tilespmem:s20], [sflag:$0x1] =	stream.linear.gather [hbm4b:s18+s6], $0x10, $0x38;
	[tilespmem:$0x1E600] =	vst v63  }
0x43: {  	s16 =	simm.s32 $0x2000;
	s18 =	sadd.s32 $0x70, s14;
	s14 =	sadd.s32 $0xF4280, s14  }
0x44: {  	[tilespmem:s24], [sflag:$0x1] =	stream.linear.gather [hbm4b:s21+s6], $0x10, $0x38;
	[tilespmem:$0x1E600] =	vst v63  }
.LBB2_3:
0x45: {  	[tilespmem:s19], [sflag:$0x1] =	stream.linear.gather [hbm4b:s18+s6], $0x10, $0x38;
	[tilespmem:$0x1E600] =	vst v63  }
0x46: {  	s18 =	smov.u32 s16  }
0x47: {  	s20 =	sadd.s32 $0x1000, s16;
	s19 =	sadd.s32 s15, s7;
	s15 =	sshra.s32 s18, $0x2  }
0x48: {  	[tilespmem:s19], [sflag:$0x1] =	stream.linear.gather [hbm4b:s14+s6], $0x10, $0x38;
	[tilespmem:$0x1E600] =	vst v63  }
0x49: {  	p0 =	sne.s32 s16, $0x7000;
	s16 =	sadd.s32 $0x10, s14;
	s18 =	sadd.s32 $0x80, s19  }
0x4a: {  	[tilespmem:s18], [sflag:$0x1] =	stream.linear.gather [hbm4b:s16+s6], $0x10, $0x38;
	[tilespmem:$0x1E600] =	vst v63  }
0x4b: {  	s16 =	sadd.s32 $0x20, s14;
	s18 =	sadd.s32 $0x100, s19  }
0x4c: {  	[tilespmem:s18], [sflag:$0x1] =	stream.linear.gather [hbm4b:s16+s6], $0x10, $0x38;
	[tilespmem:$0x1E600] =	vst v63  }
0x4d: {  	s16 =	sadd.s32 $0x30, s14;
	s18 =	sadd.s32 $0x180, s19  }
0x4e: {  	[tilespmem:s18], [sflag:$0x1] =	stream.linear.gather [hbm4b:s16+s6], $0x10, $0x38;
	[tilespmem:$0x1E600] =	vst v63  }
0x4f: {  	s16 =	sadd.s32 $0x40, s14;
	s18 =	sadd.s32 $0x200, s19  }
0x50: {  	[tilespmem:s18], [sflag:$0x1] =	stream.linear.gather [hbm4b:s16+s6], $0x10, $0x38;
	[tilespmem:$0x1E600] =	vst v63  }
.Ltmp0:
0x51: {  	s16 =	sadd.s32 $0x50, s14;
	s18 =	sadd.s32 $0x280, s19;
	(pc) =	sbr.rel @p0 .LBB2_3-.Ltmp0, $4  }
0x52: {  	[tilespmem:s18], [sflag:$0x1] =	stream.linear.gather [hbm4b:s16+s6], $0x10, $0x38;
	[tilespmem:$0x1E600] =	vst v63  }
0x53: {  	s16 =	sadd.s32 $0x60, s14;
	s18 =	sadd.s32 $0x300, s19;
	s19 =	sadd.s32 $0x380, s19  }
0x54: {  	[tilespmem:s18], [sflag:$0x1] =	stream.linear.gather [hbm4b:s16+s6], $0x10, $0x38;
	[tilespmem:$0x1E600] =	vst v63  }
0x55: {  	s18 =	sadd.s32 $0x70, s14;
	s14 =	sadd.s32 $0xF4280, s14;
	s16 =	smov.u32 s20  }
0x56: {  	[tilespmem:s19], [sflag:$0x1] =	stream.linear.gather [hbm4b:s18+s6], $0x10, $0x38;
	[tilespmem:$0x1E600] =	vst v63  }
0x57: {  	s15 =	sadd.s32 s15, s7  }
0x58: {  	[tilespmem:s15], [sflag:$0x1] =	stream.linear.gather [hbm4b:s14+s6], $0x10, $0x38;
	[tilespmem:$0x1E600] =	vst v63  }
0x59: {  	s16 =	sadd.s32 $0x10, s14;
	s20 =	sadd.s32 $0x80, s15  }
0x5a: {  	[tilespmem:s20], [sflag:$0x1] =	stream.linear.gather [hbm4b:s16+s6], $0x10, $0x38;
	[tilespmem:$0x1E600] =	vst v63  }
0x5b: {  	s21 =	sadd.s32 $0x20, s14;
	s24 =	sadd.s32 $0x100, s15  }
0x5c: {  	[tilespmem:s24], [sflag:$0x1] =	stream.linear.gather [hbm4b:s21+s6], $0x10, $0x38;
	[tilespmem:$0x1E600] =	vst v63  }
0x5d: {  	s19 =	sadd.s32 $0x30, s14;
	s20 =	sadd.s32 $0x180, s15  }
0x5e: {  	[tilespmem:s20], [sflag:$0x1] =	stream.linear.gather [hbm4b:s19+s6], $0x10, $0x38;
	[tilespmem:$0x1E600] =	vst v63  }
0x5f: {  	s21 =	sadd.s32 $0x40, s14;
	s24 =	sadd.s32 $0x200, s15  }
0x60: {  	[tilespmem:s24], [sflag:$0x1] =	stream.linear.gather [hbm4b:s21+s6], $0x10, $0x38;
	[tilespmem:$0x1E600] =	vst v63  }
0x61: {  	s19 =	sadd.s32 $0x50, s14;
	s20 =	sadd.s32 $0x280, s15  }
0x62: {  	[tilespmem:s20], [sflag:$0x1] =	stream.linear.gather [hbm4b:s19+s6], $0x10, $0x38;
	[tilespmem:$0x1E600] =	vst v63  }
0x63: {  	s21 =	sadd.s32 $0x60, s14;
	s24 =	sadd.s32 $0x300, s15  }
0x64: {  	[tilespmem:s24], [sflag:$0x1] =	stream.linear.gather [hbm4b:s21+s6], $0x10, $0x38;
	[tilespmem:$0x1E600] =	vst v63  }
0x65: {  	s15 =	sadd.s32 $0x380, s15;
	s19 =	sadd.s32 $0x70, s14  }
0x66: {  	[tilespmem:s15], [sflag:$0x1] =	stream.linear.gather [hbm4b:s19+s6], $0x10, $0x38;
	[tilespmem:$0x1E600] =	vst v63  }
0x67: {  	s16 =	simm.s32 $0x0;
	s20 =	sadd.s32 $0x2600, s12;
	s15 =	sadd.s32 s1, s13  }
0x68: {  	[tilespmem:s20], [sflag:$0x1] =	stream.linear.gather [hbm4b:s15+s16], $0x10, $0x38;
	[tilespmem:$0x1E600] =	vst v63  }
0x69: {  	s24 =	sadd.s32 $0x2680, s12;
	s21 =	sadd.s32 $0x10, s15  }
0x6a: {  	[tilespmem:s24], [sflag:$0x1] =	stream.linear.gather [hbm4b:s21+s16], $0x10, $0x38;
	[tilespmem:$0x1E600] =	vst v63  }
0x6b: {  	s19 =	sadd.s32 $0x20, s15;
	s20 =	sadd.s32 $0x2700, s12  }
0x6c: {  	[tilespmem:s20], [sflag:$0x1] =	stream.linear.gather [hbm4b:s19+s16], $0x10, $0x38;
	[tilespmem:$0x1E600] =	vst v63  }
0x6d: {  	s21 =	sadd.s32 $0x30, s15;
	s24 =	sadd.s32 $0x2780, s12  }
0x6e: {  	[tilespmem:s24], [sflag:$0x1] =	stream.linear.gather [hbm4b:s21+s16], $0x10, $0x38;
	[tilespmem:$0x1E600] =	vst v63  }
0x6f: {  	s19 =	sadd.s32 $0x40, s15;
	s20 =	sadd.s32 $0x2800, s12  }
0x70: {  	[tilespmem:s20], [sflag:$0x1] =	stream.linear.gather [hbm4b:s19+s16], $0x10, $0x38;
	[tilespmem:$0x1E600] =	vst v63  }
0x71: {  	s21 =	sadd.s32 $0x50, s15;
	s24 =	sadd.s32 $0x2880, s12  }
0x72: {  	[tilespmem:s24], [sflag:$0x1] =	stream.linear.gather [hbm4b:s21+s16], $0x10, $0x38;
	[tilespmem:$0x1E600] =	vst v63  }
0x73: {  	s19 =	sadd.s32 $0x60, s15;
	s20 =	sadd.s32 $0x2900, s12  }
0x74: {  	[tilespmem:s20], [sflag:$0x1] =	stream.linear.gather [hbm4b:s19+s16], $0x10, $0x38;
	[tilespmem:$0x1E600] =	vst v63  }
0x75: {  	s21 =	sadd.s32 $0x70, s15;
	s24 =	sadd.s32 $0x2980, s12  }
0x76: {  	[tilespmem:s24], [sflag:$0x1] =	stream.linear.gather [hbm4b:s21+s16], $0x10, $0x38;
	[tilespmem:$0x1E600] =	vst v63  }
0x77: {  	s18 =	sadd.s32 $0x2A00, s12;
	s14 =	sadd.s32 $0xF4280, s15  }
0x78: {  	[tilespmem:s18], [sflag:$0x1] =	stream.linear.gather [hbm4b:s14+s16], $0x10, $0x38;
	[tilespmem:$0x1E600] =	vst v63  }
0x79: {  	s19 =	sadd.s32 $0x10, s14;
	s20 =	sadd.s32 $0x2A80, s12  }
0x7a: {  	[tilespmem:s20], [sflag:$0x1] =	stream.linear.gather [hbm4b:s19+s16], $0x10, $0x38;
	[tilespmem:$0x1E600] =	vst v63  }
0x7b: {  	s21 =	sadd.s32 $0x20, s14;
	s24 =	sadd.s32 $0x2B00, s12  }
0x7c: {  	[tilespmem:s24], [sflag:$0x1] =	stream.linear.gather [hbm4b:s21+s16], $0x10, $0x38;
	[tilespmem:$0x1E600] =	vst v63  }
0x7d: {  	s19 =	sadd.s32 $0x30, s14;
	s20 =	sadd.s32 $0x2B80, s12  }
0x7e: {  	[tilespmem:s20], [sflag:$0x1] =	stream.linear.gather [hbm4b:s19+s16], $0x10, $0x38;
	[tilespmem:$0x1E600] =	vst v63  }
0x7f: {  	s21 =	sadd.s32 $0x40, s14;
	s24 =	sadd.s32 $0x2C00, s12  }
0x80: {  	[tilespmem:s24], [sflag:$0x1] =	stream.linear.gather [hbm4b:s21+s16], $0x10, $0x38;
	[tilespmem:$0x1E600] =	vst v63  }
0x81: {  	s18 =	sadd.s32 $0x50, s14;
	s19 =	sadd.s32 $0x2C80, s12  }
0x82: {  	[tilespmem:s19], [sflag:$0x1] =	stream.linear.gather [hbm4b:s18+s16], $0x10, $0x38;
	[tilespmem:$0x1E600] =	vst v63  }
0x83: {  	s20 =	sadd.s32 $0x60, s14;
	s21 =	sadd.s32 $0x2D00, s12  }
0x84: {  	[tilespmem:s21], [sflag:$0x1] =	stream.linear.gather [hbm4b:s20+s16], $0x10, $0x38;
	[tilespmem:$0x1E600] =	vst v63  }
0x85: {  	s14 =	sadd.s32 $0x70, s14;
	s24 =	sadd.s32 $0x2D80, s12  }
0x86: {  	[tilespmem:s24], [sflag:$0x1] =	stream.linear.gather [hbm4b:s14+s16], $0x10, $0x38;
	[tilespmem:$0x1E600] =	vst v63  }
0x87: {  	s19 =	sadd.s32 $0x0, s8;
	s14 =	sadd.s32 s2, s13  }
0x88: {  	[tilespmem:s19], [sflag:$0x1] =	stream.linear.gather [hbm4b:s14+s6], $0x10, $0x38;
	[tilespmem:$0x1E600] =	vst v63  }
0x89: {  	s20 =	sadd.s32 $0x80, s19;
	s18 =	sadd.s32 $0x10, s14  }
0x8a: {  	[tilespmem:s20], [sflag:$0x1] =	stream.linear.gather [hbm4b:s18+s6], $0x10, $0x38;
	[tilespmem:$0x1E600] =	vst v63  }
0x8b: {  	s15 =	simm.s32 $0x400;
	s24 =	sadd.s32 $0x100, s19;
	s21 =	sadd.s32 $0x20, s14  }
0x8c: {  	[tilespmem:s24], [sflag:$0x1] =	stream.linear.gather [hbm4b:s21+s6], $0x10, $0x38;
	[tilespmem:$0x1E600] =	vst v63  }
0x8d: {  	s16 =	simm.s32 $0x2000;
	s18 =	sadd.s32 $0x30, s14;
	s20 =	sadd.s32 $0x180, s19  }
0x8e: {  	[tilespmem:s20], [sflag:$0x1] =	stream.linear.gather [hbm4b:s18+s6], $0x10, $0x38;
	[tilespmem:$0x1E600] =	vst v63  }
0x8f: {  	s21 =	sadd.s32 $0x40, s14;
	s24 =	sadd.s32 $0x200, s19;
	s18 =	sadd.s32 $0x50, s14  }
0x90: {  	[tilespmem:s24], [sflag:$0x1] =	stream.linear.gather [hbm4b:s21+s6], $0x10, $0x38;
	[tilespmem:$0x1E600] =	vst v63  }
0x91: {  	s20 =	sadd.s32 $0x280, s19;
	s21 =	sadd.s32 $0x60, s14;
	s24 =	sadd.s32 $0x300, s19  }
0x92: {  	[tilespmem:s20], [sflag:$0x1] =	stream.linear.gather [hbm4b:s18+s6], $0x10, $0x38;
	[tilespmem:$0x1E600] =	vst v63  }
0x93: {  	s19 =	sadd.s32 $0x380, s19;
	s18 =	sadd.s32 $0x70, s14;
	s14 =	sadd.s32 $0xF4280, s14  }
0x94: {  	[tilespmem:s24], [sflag:$0x1] =	stream.linear.gather [hbm4b:s21+s6], $0x10, $0x38;
	[tilespmem:$0x1E600] =	vst v63  }
.LBB2_5:
0x95: {  	[tilespmem:s19], [sflag:$0x1] =	stream.linear.gather [hbm4b:s18+s6], $0x10, $0x38;
	[tilespmem:$0x1E600] =	vst v63  }
0x96: {  	s18 =	smov.u32 s16  }
0x97: {  	s20 =	sadd.s32 $0x1000, s16;
	s19 =	sadd.s32 s15, s8;
	s15 =	sshra.s32 s18, $0x2  }
0x98: {  	[tilespmem:s19], [sflag:$0x1] =	stream.linear.gather [hbm4b:s14+s6], $0x10, $0x38;
	[tilespmem:$0x1E600] =	vst v63  }
0x99: {  	p0 =	sne.s32 s16, $0x7000;
	s16 =	sadd.s32 $0x10, s14;
	s18 =	sadd.s32 $0x80, s19  }
0x9a: {  	[tilespmem:s18], [sflag:$0x1] =	stream.linear.gather [hbm4b:s16+s6], $0x10, $0x38;
	[tilespmem:$0x1E600] =	vst v63  }
0x9b: {  	s16 =	sadd.s32 $0x20, s14;
	s18 =	sadd.s32 $0x100, s19  }
0x9c: {  	[tilespmem:s18], [sflag:$0x1] =	stream.linear.gather [hbm4b:s16+s6], $0x10, $0x38;
	[tilespmem:$0x1E600] =	vst v63  }
0x9d: {  	s16 =	sadd.s32 $0x30, s14;
	s18 =	sadd.s32 $0x180, s19  }
0x9e: {  	[tilespmem:s18], [sflag:$0x1] =	stream.linear.gather [hbm4b:s16+s6], $0x10, $0x38;
	[tilespmem:$0x1E600] =	vst v63  }
0x9f: {  	s16 =	sadd.s32 $0x40, s14;
	s18 =	sadd.s32 $0x200, s19  }
0xa0: {  	[tilespmem:s18], [sflag:$0x1] =	stream.linear.gather [hbm4b:s16+s6], $0x10, $0x38;
	[tilespmem:$0x1E600] =	vst v63  }
.Ltmp1:
0xa1: {  	s16 =	sadd.s32 $0x50, s14;
	s18 =	sadd.s32 $0x280, s19;
	(pc) =	sbr.rel @p0 .LBB2_5-.Ltmp1, $4  }
0xa2: {  	[tilespmem:s18], [sflag:$0x1] =	stream.linear.gather [hbm4b:s16+s6], $0x10, $0x38;
	[tilespmem:$0x1E600] =	vst v63  }
0xa3: {  	s16 =	sadd.s32 $0x60, s14;
	s18 =	sadd.s32 $0x300, s19;
	s19 =	sadd.s32 $0x380, s19  }
0xa4: {  	[tilespmem:s18], [sflag:$0x1] =	stream.linear.gather [hbm4b:s16+s6], $0x10, $0x38;
	[tilespmem:$0x1E600] =	vst v63  }
0xa5: {  	s18 =	sadd.s32 $0x70, s14;
	s14 =	sadd.s32 $0xF4280, s14;
	s16 =	smov.u32 s20  }
0xa6: {  	[tilespmem:s19], [sflag:$0x1] =	stream.linear.gather [hbm4b:s18+s6], $0x10, $0x38;
	[tilespmem:$0x1E600] =	vst v63  }
0xa7: {  	s15 =	sadd.s32 s15, s8  }
0xa8: {  	[tilespmem:s15], [sflag:$0x1] =	stream.linear.gather [hbm4b:s14+s6], $0x10, $0x38;
	[tilespmem:$0x1E600] =	vst v63  }
0xa9: {  	s16 =	sadd.s32 $0x10, s14;
	s24 =	sadd.s32 $0x80, s15  }
0xaa: {  	[tilespmem:s24], [sflag:$0x1] =	stream.linear.gather [hbm4b:s16+s6], $0x10, $0x38;
	[tilespmem:$0x1E600] =	vst v63  }
0xab: {  	s19 =	sadd.s32 $0x20, s14;
	s20 =	sadd.s32 $0x100, s15  }
0xac: {  	[tilespmem:s20], [sflag:$0x1] =	stream.linear.gather [hbm4b:s19+s6], $0x10, $0x38;
	[tilespmem:$0x1E600] =	vst v63  }
0xad: {  	s21 =	sadd.s32 $0x30, s14;
	s24 =	sadd.s32 $0x180, s15  }
0xae: {  	[tilespmem:s24], [sflag:$0x1] =	stream.linear.gather [hbm4b:s21+s6], $0x10, $0x38;
	[tilespmem:$0x1E600] =	vst v63  }
0xaf: {  	s19 =	sadd.s32 $0x40, s14;
	s20 =	sadd.s32 $0x200, s15  }
0xb0: {  	[tilespmem:s20], [sflag:$0x1] =	stream.linear.gather [hbm4b:s19+s6], $0x10, $0x38;
	[tilespmem:$0x1E600] =	vst v63  }
0xb1: {  	s21 =	sadd.s32 $0x50, s14;
	s24 =	sadd.s32 $0x280, s15  }
0xb2: {  	[tilespmem:s24], [sflag:$0x1] =	stream.linear.gather [hbm4b:s21+s6], $0x10, $0x38;
	[tilespmem:$0x1E600] =	vst v63  }
0xb3: {  	s19 =	sadd.s32 $0x60, s14;
	s20 =	sadd.s32 $0x300, s15  }
0xb4: {  	[tilespmem:s20], [sflag:$0x1] =	stream.linear.gather [hbm4b:s19+s6], $0x10, $0x38;
	[tilespmem:$0x1E600] =	vst v63  }
0xb5: {  	s15 =	sadd.s32 $0x380, s15;
	s21 =	sadd.s32 $0x70, s14  }
0xb6: {  	[tilespmem:s15], [sflag:$0x1] =	stream.linear.gather [hbm4b:s21+s6], $0x10, $0x38;
	[tilespmem:$0x1E600] =	vst v63  }
0xb7: {  	s13 =	sadd.s32 s3, s13;
	s24 =	sadd.s32 $0x4E00, s12;
	s15 =	simm.s32 $0x0  }
0xb8: {  	[tilespmem:s24], [sflag:$0x1] =	stream.linear.gather [hbm4b:s13+s15], $0x10, $0x38;
	[tilespmem:$0x1E600] =	vst v63  }
0xb9: {  	s18 =	sadd.s32 $0x4E80, s12;
	s16 =	sadd.s32 $0x10, s13  }
0xba: {  	[tilespmem:s18], [sflag:$0x1] =	stream.linear.gather [hbm4b:s16+s15], $0x10, $0x38;
	[tilespmem:$0x1E600] =	vst v63  }
0xbb: {  	s19 =	sadd.s32 $0x20, s13;
	s20 =	sadd.s32 $0x4F00, s12  }
0xbc: {  	[tilespmem:s20], [sflag:$0x1] =	stream.linear.gather [hbm4b:s19+s15], $0x10, $0x38;
	[tilespmem:$0x1E600] =	vst v63  }
0xbd: {  	s21 =	sadd.s32 $0x30, s13;
	s24 =	sadd.s32 $0x4F80, s12  }
0xbe: {  	[tilespmem:s24], [sflag:$0x1] =	stream.linear.gather [hbm4b:s21+s15], $0x10, $0x38;
	[tilespmem:$0x1E600] =	vst v63  }
0xbf: {  	s16 =	sadd.s32 $0x40, s13;
	s18 =	sadd.s32 $0x5000, s12  }
0xc0: {  	[tilespmem:s18], [sflag:$0x1] =	stream.linear.gather [hbm4b:s16+s15], $0x10, $0x38;
	[tilespmem:$0x1E600] =	vst v63  }
0xc1: {  	s19 =	sadd.s32 $0x50, s13;
	s20 =	sadd.s32 $0x5080, s12  }
0xc2: {  	[tilespmem:s20], [sflag:$0x1] =	stream.linear.gather [hbm4b:s19+s15], $0x10, $0x38;
	[tilespmem:$0x1E600] =	vst v63  }
0xc3: {  	s21 =	sadd.s32 $0x60, s13;
	s24 =	sadd.s32 $0x5100, s12  }
0xc4: {  	[tilespmem:s24], [sflag:$0x1] =	stream.linear.gather [hbm4b:s21+s15], $0x10, $0x38;
	[tilespmem:$0x1E600] =	vst v63  }
0xc5: {  	s18 =	sadd.s32 $0x70, s13;
	s19 =	sadd.s32 $0x5180, s12  }
0xc6: {  	[tilespmem:s19], [sflag:$0x1] =	stream.linear.gather [hbm4b:s18+s15], $0x10, $0x38;
	[tilespmem:$0x1E600] =	vst v63  }
0xc7: {  	s13 =	sadd.s32 $0xF4280, s13;
	s20 =	sadd.s32 $0x5200, s12  }
0xc8: {  	[tilespmem:s20], [sflag:$0x1] =	stream.linear.gather [hbm4b:s13+s15], $0x10, $0x38;
	[tilespmem:$0x1E600] =	vst v63  }
0xc9: {  	s21 =	sadd.s32 $0x10, s13;
	s24 =	sadd.s32 $0x5280, s12  }
0xca: {  	[tilespmem:s24], [sflag:$0x1] =	stream.linear.gather [hbm4b:s21+s15], $0x10, $0x38;
	[tilespmem:$0x1E600] =	vst v63  }
0xcb: {  	s16 =	sadd.s32 $0x20, s13;
	s18 =	sadd.s32 $0x5300, s12  }
0xcc: {  	[tilespmem:s18], [sflag:$0x1] =	stream.linear.gather [hbm4b:s16+s15], $0x10, $0x38;
	[tilespmem:$0x1E600] =	vst v63  }
0xcd: {  	s19 =	sadd.s32 $0x30, s13;
	s20 =	sadd.s32 $0x5380, s12  }
0xce: {  	[tilespmem:s20], [sflag:$0x1] =	stream.linear.gather [hbm4b:s19+s15], $0x10, $0x38;
	[tilespmem:$0x1E600] =	vst v63  }
0xcf: {  	s21 =	sadd.s32 $0x40, s13;
	s24 =	sadd.s32 $0x5400, s12  }
0xd0: {  	[tilespmem:s24], [sflag:$0x1] =	stream.linear.gather [hbm4b:s21+s15], $0x10, $0x38;
	[tilespmem:$0x1E600] =	vst v63  }
0xd1: {  	s16 =	sadd.s32 $0x50, s13;
	s18 =	sadd.s32 $0x5480, s12  }
0xd2: {  	[tilespmem:s18], [sflag:$0x1] =	stream.linear.gather [hbm4b:s16+s15], $0x10, $0x38;
	[tilespmem:$0x1E600] =	vst v63  }
0xd3: {  	s19 =	sadd.s32 $0x60, s13;
	s20 =	sadd.s32 $0x5500, s12;
	s21 =	sld [smem:s11+$0x1]  }
0xd4: {  	[tilespmem:s20], [sflag:$0x1] =	stream.linear.gather [hbm4b:s19+s15], $0x10, $0x38;
	[tilespmem:$0x1E600] =	vst v63  }
0xd5: {  	s13 =	sadd.s32 $0x70, s13;
	s24 =	sadd.s32 $0x5580, s12  }
0xd6: {  	[tilespmem:s24], [sflag:$0x1] =	stream.linear.gather [hbm4b:s13+s15], $0x10, $0x38;
	[tilespmem:$0x1E600] =	vst v63  }
0xd7: {  	s15 =	sshll.u32 s21, $0x3  }
0xd8: {  	s14 =	sand.u32 $0x70, s21;
	s13 =	sand.u32 $0xFFFFFC00, s15  }
0xd9: {  	s13 =	sor.u32 s14, s13  }
0xda: {  	s15 =	sshrl.u32 s13, $0x3;
	s13 =	sadd.s32 $0x0, s7  }
0xdb: {  	s20 =	sadd.s32 s0, s15;
	s16 =	sadd.s32 $0x10, s13  }
0xdc: {  	[tilespmem:s16], [sflag:$0x1] =	stream.linear.gather [hbm4b:s20+s6], $0x10, $0x38;
	[tilespmem:$0x1E600] =	vst v63  }
0xdd: {  	s12 =	sor.u32 $0x10, s12;
	s19 =	sadd.s32 $0x90, s13;
	s18 =	sadd.s32 $0x10, s20  }
0xde: {  	[tilespmem:s19], [sflag:$0x1] =	stream.linear.gather [hbm4b:s18+s6], $0x10, $0x38;
	[tilespmem:$0x1E600] =	vst v63  }
0xdf: {  	s14 =	simm.s32 $0x400;
	s24 =	sadd.s32 $0x110, s13;
	s21 =	sadd.s32 $0x20, s20  }
0xe0: {  	[tilespmem:s24], [sflag:$0x1] =	stream.linear.gather [hbm4b:s21+s6], $0x10, $0x38;
	[tilespmem:$0x1E600] =	vst v63  }
0xe1: {  	s16 =	simm.s32 $0x2000;
	s18 =	sadd.s32 $0x30, s20;
	s19 =	sadd.s32 $0x190, s13  }
0xe2: {  	[tilespmem:s19], [sflag:$0x1] =	stream.linear.gather [hbm4b:s18+s6], $0x10, $0x38;
	[tilespmem:$0x1E600] =	vst v63  }
0xe3: {  	s21 =	sadd.s32 $0x40, s20;
	s24 =	sadd.s32 $0x210, s13;
	s18 =	sadd.s32 $0x50, s20  }
0xe4: {  	[tilespmem:s24], [sflag:$0x1] =	stream.linear.gather [hbm4b:s21+s6], $0x10, $0x38;
	[tilespmem:$0x1E600] =	vst v63  }
0xe5: {  	s19 =	sadd.s32 $0x290, s13;
	s21 =	sadd.s32 $0x60, s20;
	s24 =	sadd.s32 $0x310, s13  }
0xe6: {  	[tilespmem:s19], [sflag:$0x1] =	stream.linear.gather [hbm4b:s18+s6], $0x10, $0x38;
	[tilespmem:$0x1E600] =	vst v63  }
0xe7: {  	s18 =	sadd.s32 $0x70, s20;
	s19 =	sadd.s32 $0x390, s13;
	s13 =	sadd.s32 $0xF4280, s20  }
0xe8: {  	[tilespmem:s24], [sflag:$0x1] =	stream.linear.gather [hbm4b:s21+s6], $0x10, $0x38;
	[tilespmem:$0x1E600] =	vst v63  }
.LBB2_7:
0xe9: {  	[tilespmem:s19], [sflag:$0x1] =	stream.linear.gather [hbm4b:s18+s6], $0x10, $0x38;
	[tilespmem:$0x1E600] =	vst v63  }
0xea: {  	s18 =	smov.u32 s16  }
0xeb: {  	s20 =	sadd.s32 $0x1000, s16;
	s19 =	sadd.s32 s14, s7;
	s14 =	sshra.s32 s18, $0x2  }
0xec: {  	p0 =	sne.s32 s16, $0x7000;
	s16 =	sadd.s32 $0x10, s19  }
0xed: {  	[tilespmem:s16], [sflag:$0x1] =	stream.linear.gather [hbm4b:s13+s6], $0x10, $0x38;
	[tilespmem:$0x1E600] =	vst v63  }
0xee: {  	s18 =	sadd.s32 $0x90, s19;
	s16 =	sadd.s32 $0x10, s13  }
0xef: {  	[tilespmem:s18], [sflag:$0x1] =	stream.linear.gather [hbm4b:s16+s6], $0x10, $0x38;
	[tilespmem:$0x1E600] =	vst v63  }
0xf0: {  	s16 =	sadd.s32 $0x20, s13;
	s18 =	sadd.s32 $0x110, s19  }
0xf1: {  	[tilespmem:s18], [sflag:$0x1] =	stream.linear.gather [hbm4b:s16+s6], $0x10, $0x38;
	[tilespmem:$0x1E600] =	vst v63  }
0xf2: {  	s16 =	sadd.s32 $0x30, s13;
	s18 =	sadd.s32 $0x190, s19  }
0xf3: {  	[tilespmem:s18], [sflag:$0x1] =	stream.linear.gather [hbm4b:s16+s6], $0x10, $0x38;
	[tilespmem:$0x1E600] =	vst v63  }
0xf4: {  	s16 =	sadd.s32 $0x40, s13;
	s18 =	sadd.s32 $0x210, s19  }
0xf5: {  	[tilespmem:s18], [sflag:$0x1] =	stream.linear.gather [hbm4b:s16+s6], $0x10, $0x38;
	[tilespmem:$0x1E600] =	vst v63  }
.Ltmp2:
0xf6: {  	s16 =	sadd.s32 $0x50, s13;
	s18 =	sadd.s32 $0x290, s19;
	(pc) =	sbr.rel @p0 .LBB2_7-.Ltmp2, $4  }
0xf7: {  	[tilespmem:s18], [sflag:$0x1] =	stream.linear.gather [hbm4b:s16+s6], $0x10, $0x38;
	[tilespmem:$0x1E600] =	vst v63  }
0xf8: {  	s16 =	sadd.s32 $0x60, s13;
	s18 =	sadd.s32 $0x310, s19;
	s19 =	sadd.s32 $0x390, s19  }
0xf9: {  	[tilespmem:s18], [sflag:$0x1] =	stream.linear.gather [hbm4b:s16+s6], $0x10, $0x38;
	[tilespmem:$0x1E600] =	vst v63  }
0xfa: {  	s18 =	sadd.s32 $0x70, s13;
	s13 =	sadd.s32 $0xF4280, s13;
	s16 =	smov.u32 s20  }
0xfb: {  	[tilespmem:s19], [sflag:$0x1] =	stream.linear.gather [hbm4b:s18+s6], $0x10, $0x38;
	[tilespmem:$0x1E600] =	vst v63  }
0xfc: {  	s14 =	sadd.s32 s14, s7  }
0xfd: {  	s16 =	sadd.s32 $0x10, s14  }
0xfe: {  	[tilespmem:s16], [sflag:$0x1] =	stream.linear.gather [hbm4b:s13+s6], $0x10, $0x38;
	[tilespmem:$0x1E600] =	vst v63  }
0xff: {  	s19 =	sadd.s32 $0x10, s13;
	s20 =	sadd.s32 $0x90, s14  }
0x100: {  	[tilespmem:s20], [sflag:$0x1] =	stream.linear.gather [hbm4b:s19+s6], $0x10, $0x38;
	[tilespmem:$0x1E600] =	vst v63  }
0x101: {  	s21 =	sadd.s32 $0x20, s13;
	s24 =	sadd.s32 $0x110, s14  }
0x102: {  	[tilespmem:s24], [sflag:$0x1] =	stream.linear.gather [hbm4b:s21+s6], $0x10, $0x38;
	[tilespmem:$0x1E600] =	vst v63  }
0x103: {  	s19 =	sadd.s32 $0x30, s13;
	s20 =	sadd.s32 $0x190, s14  }
0x104: {  	[tilespmem:s20], [sflag:$0x1] =	stream.linear.gather [hbm4b:s19+s6], $0x10, $0x38;
	[tilespmem:$0x1E600] =	vst v63  }
0x105: {  	s21 =	sadd.s32 $0x40, s13;
	s24 =	sadd.s32 $0x210, s14  }
0x106: {  	[tilespmem:s24], [sflag:$0x1] =	stream.linear.gather [hbm4b:s21+s6], $0x10, $0x38;
	[tilespmem:$0x1E600] =	vst v63  }
0x107: {  	s19 =	sadd.s32 $0x50, s13;
	s20 =	sadd.s32 $0x290, s14  }
0x108: {  	[tilespmem:s20], [sflag:$0x1] =	stream.linear.gather [hbm4b:s19+s6], $0x10, $0x38;
	[tilespmem:$0x1E600] =	vst v63  }
0x109: {  	s21 =	sadd.s32 $0x60, s13;
	s24 =	sadd.s32 $0x310, s14  }
0x10a: {  	[tilespmem:s24], [sflag:$0x1] =	stream.linear.gather [hbm4b:s21+s6], $0x10, $0x38;
	[tilespmem:$0x1E600] =	vst v63  }
0x10b: {  	s14 =	sadd.s32 $0x390, s14;
	s19 =	sadd.s32 $0x70, s13  }
0x10c: {  	[tilespmem:s14], [sflag:$0x1] =	stream.linear.gather [hbm4b:s19+s6], $0x10, $0x38;
	[tilespmem:$0x1E600] =	vst v63  }
0x10d: {  	s16 =	simm.s32 $0x0;
	s20 =	sadd.s32 $0x2600, s12;
	s14 =	sadd.s32 s1, s15  }
0x10e: {  	[tilespmem:s20], [sflag:$0x1] =	stream.linear.gather [hbm4b:s14+s16], $0x10, $0x38;
	[tilespmem:$0x1E600] =	vst v63  }
0x10f: {  	s24 =	sadd.s32 $0x2680, s12;
	s21 =	sadd.s32 $0x10, s14  }
0x110: {  	[tilespmem:s24], [sflag:$0x1] =	stream.linear.gather [hbm4b:s21+s16], $0x10, $0x38;
	[tilespmem:$0x1E600] =	vst v63  }
0x111: {  	s19 =	sadd.s32 $0x20, s14;
	s20 =	sadd.s32 $0x2700, s12  }
0x112: {  	[tilespmem:s20], [sflag:$0x1] =	stream.linear.gather [hbm4b:s19+s16], $0x10, $0x38;
	[tilespmem:$0x1E600] =	vst v63  }
0x113: {  	s21 =	sadd.s32 $0x30, s14;
	s24 =	sadd.s32 $0x2780, s12  }
0x114: {  	[tilespmem:s24], [sflag:$0x1] =	stream.linear.gather [hbm4b:s21+s16], $0x10, $0x38;
	[tilespmem:$0x1E600] =	vst v63  }
0x115: {  	s19 =	sadd.s32 $0x40, s14;
	s20 =	sadd.s32 $0x2800, s12  }
0x116: {  	[tilespmem:s20], [sflag:$0x1] =	stream.linear.gather [hbm4b:s19+s16], $0x10, $0x38;
	[tilespmem:$0x1E600] =	vst v63  }
0x117: {  	s21 =	sadd.s32 $0x50, s14;
	s24 =	sadd.s32 $0x2880, s12  }
0x118: {  	[tilespmem:s24], [sflag:$0x1] =	stream.linear.gather [hbm4b:s21+s16], $0x10, $0x38;
	[tilespmem:$0x1E600] =	vst v63  }
0x119: {  	s19 =	sadd.s32 $0x60, s14;
	s20 =	sadd.s32 $0x2900, s12  }
0x11a: {  	[tilespmem:s20], [sflag:$0x1] =	stream.linear.gather [hbm4b:s19+s16], $0x10, $0x38;
	[tilespmem:$0x1E600] =	vst v63  }
0x11b: {  	s21 =	sadd.s32 $0x70, s14;
	s24 =	sadd.s32 $0x2980, s12  }
0x11c: {  	[tilespmem:s24], [sflag:$0x1] =	stream.linear.gather [hbm4b:s21+s16], $0x10, $0x38;
	[tilespmem:$0x1E600] =	vst v63  }
0x11d: {  	s18 =	sadd.s32 $0x2A00, s12;
	s13 =	sadd.s32 $0xF4280, s14  }
0x11e: {  	[tilespmem:s18], [sflag:$0x1] =	stream.linear.gather [hbm4b:s13+s16], $0x10, $0x38;
	[tilespmem:$0x1E600] =	vst v63  }
0x11f: {  	s19 =	sadd.s32 $0x10, s13;
	s20 =	sadd.s32 $0x2A80, s12  }
0x120: {  	[tilespmem:s20], [sflag:$0x1] =	stream.linear.gather [hbm4b:s19+s16], $0x10, $0x38;
	[tilespmem:$0x1E600] =	vst v63  }
0x121: {  	s21 =	sadd.s32 $0x20, s13;
	s24 =	sadd.s32 $0x2B00, s12  }
0x122: {  	[tilespmem:s24], [sflag:$0x1] =	stream.linear.gather [hbm4b:s21+s16], $0x10, $0x38;
	[tilespmem:$0x1E600] =	vst v63  }
0x123: {  	s19 =	sadd.s32 $0x30, s13;
	s20 =	sadd.s32 $0x2B80, s12  }
0x124: {  	[tilespmem:s20], [sflag:$0x1] =	stream.linear.gather [hbm4b:s19+s16], $0x10, $0x38;
	[tilespmem:$0x1E600] =	vst v63  }
0x125: {  	s21 =	sadd.s32 $0x40, s13;
	s24 =	sadd.s32 $0x2C00, s12  }
0x126: {  	[tilespmem:s24], [sflag:$0x1] =	stream.linear.gather [hbm4b:s21+s16], $0x10, $0x38;
	[tilespmem:$0x1E600] =	vst v63  }
0x127: {  	s18 =	sadd.s32 $0x50, s13;
	s19 =	sadd.s32 $0x2C80, s12  }
0x128: {  	[tilespmem:s19], [sflag:$0x1] =	stream.linear.gather [hbm4b:s18+s16], $0x10, $0x38;
	[tilespmem:$0x1E600] =	vst v63  }
0x129: {  	s20 =	sadd.s32 $0x60, s13;
	s21 =	sadd.s32 $0x2D00, s12  }
0x12a: {  	[tilespmem:s21], [sflag:$0x1] =	stream.linear.gather [hbm4b:s20+s16], $0x10, $0x38;
	[tilespmem:$0x1E600] =	vst v63  }
0x12b: {  	s13 =	sadd.s32 $0x70, s13;
	s24 =	sadd.s32 $0x2D80, s12  }
0x12c: {  	[tilespmem:s24], [sflag:$0x1] =	stream.linear.gather [hbm4b:s13+s16], $0x10, $0x38;
	[tilespmem:$0x1E600] =	vst v63  }
0x12d: {  	s13 =	sadd.s32 $0x0, s8  }
0x12e: {  	s20 =	sadd.s32 s2, s15;
	s16 =	sadd.s32 $0x10, s13  }
0x12f: {  	[tilespmem:s16], [sflag:$0x1] =	stream.linear.gather [hbm4b:s20+s6], $0x10, $0x38;
	[tilespmem:$0x1E600] =	vst v63  }
0x130: {  	s18 =	sadd.s32 $0x10, s20;
	s19 =	sadd.s32 $0x90, s13  }
0x131: {  	[tilespmem:s19], [sflag:$0x1] =	stream.linear.gather [hbm4b:s18+s6], $0x10, $0x38;
	[tilespmem:$0x1E600] =	vst v63  }
0x132: {  	s14 =	simm.s32 $0x400;
	s21 =	sadd.s32 $0x20, s20;
	s24 =	sadd.s32 $0x110, s13  }
0x133: {  	[tilespmem:s24], [sflag:$0x1] =	stream.linear.gather [hbm4b:s21+s6], $0x10, $0x38;
	[tilespmem:$0x1E600] =	vst v63  }
0x134: {  	s16 =	simm.s32 $0x2000;
	s18 =	sadd.s32 $0x30, s20;
	s19 =	sadd.s32 $0x190, s13  }
0x135: {  	[tilespmem:s19], [sflag:$0x1] =	stream.linear.gather [hbm4b:s18+s6], $0x10, $0x38;
	[tilespmem:$0x1E600] =	vst v63  }
0x136: {  	s21 =	sadd.s32 $0x40, s20;
	s24 =	sadd.s32 $0x210, s13;
	s18 =	sadd.s32 $0x50, s20  }
0x137: {  	[tilespmem:s24], [sflag:$0x1] =	stream.linear.gather [hbm4b:s21+s6], $0x10, $0x38;
	[tilespmem:$0x1E600] =	vst v63  }
0x138: {  	s19 =	sadd.s32 $0x290, s13;
	s21 =	sadd.s32 $0x60, s20;
	s24 =	sadd.s32 $0x310, s13  }
0x139: {  	[tilespmem:s19], [sflag:$0x1] =	stream.linear.gather [hbm4b:s18+s6], $0x10, $0x38;
	[tilespmem:$0x1E600] =	vst v63  }
0x13a: {  	s18 =	sadd.s32 $0x70, s20;
	s19 =	sadd.s32 $0x390, s13;
	s13 =	sadd.s32 $0xF4280, s20  }
0x13b: {  	[tilespmem:s24], [sflag:$0x1] =	stream.linear.gather [hbm4b:s21+s6], $0x10, $0x38;
	[tilespmem:$0x1E600] =	vst v63  }
.LBB2_9:
0x13c: {  	[tilespmem:s19], [sflag:$0x1] =	stream.linear.gather [hbm4b:s18+s6], $0x10, $0x38;
	[tilespmem:$0x1E600] =	vst v63  }
0x13d: {  	s18 =	smov.u32 s16  }
0x13e: {  	s20 =	sadd.s32 $0x1000, s16;
	s19 =	sadd.s32 s14, s8;
	s14 =	sshra.s32 s18, $0x2  }
0x13f: {  	p0 =	sne.s32 s16, $0x7000;
	s16 =	sadd.s32 $0x10, s19  }
0x140: {  	[tilespmem:s16], [sflag:$0x1] =	stream.linear.gather [hbm4b:s13+s6], $0x10, $0x38;
	[tilespmem:$0x1E600] =	vst v63  }
0x141: {  	s18 =	sadd.s32 $0x90, s19;
	s16 =	sadd.s32 $0x10, s13  }
0x142: {  	[tilespmem:s18], [sflag:$0x1] =	stream.linear.gather [hbm4b:s16+s6], $0x10, $0x38;
	[tilespmem:$0x1E600] =	vst v63  }
0x143: {  	s16 =	sadd.s32 $0x20, s13;
	s18 =	sadd.s32 $0x110, s19  }
0x144: {  	[tilespmem:s18], [sflag:$0x1] =	stream.linear.gather [hbm4b:s16+s6], $0x10, $0x38;
	[tilespmem:$0x1E600] =	vst v63  }
0x145: {  	s16 =	sadd.s32 $0x30, s13;
	s18 =	sadd.s32 $0x190, s19  }
0x146: {  	[tilespmem:s18], [sflag:$0x1] =	stream.linear.gather [hbm4b:s16+s6], $0x10, $0x38;
	[tilespmem:$0x1E600] =	vst v63  }
0x147: {  	s16 =	sadd.s32 $0x40, s13;
	s18 =	sadd.s32 $0x210, s19  }
0x148: {  	[tilespmem:s18], [sflag:$0x1] =	stream.linear.gather [hbm4b:s16+s6], $0x10, $0x38;
	[tilespmem:$0x1E600] =	vst v63  }
.Ltmp3:
0x149: {  	s16 =	sadd.s32 $0x50, s13;
	s18 =	sadd.s32 $0x290, s19;
	(pc) =	sbr.rel @p0 .LBB2_9-.Ltmp3, $4  }
0x14a: {  	[tilespmem:s18], [sflag:$0x1] =	stream.linear.gather [hbm4b:s16+s6], $0x10, $0x38;
	[tilespmem:$0x1E600] =	vst v63  }
0x14b: {  	s16 =	sadd.s32 $0x60, s13;
	s18 =	sadd.s32 $0x310, s19;
	s19 =	sadd.s32 $0x390, s19  }
0x14c: {  	[tilespmem:s18], [sflag:$0x1] =	stream.linear.gather [hbm4b:s16+s6], $0x10, $0x38;
	[tilespmem:$0x1E600] =	vst v63  }
0x14d: {  	s18 =	sadd.s32 $0x70, s13;
	s13 =	sadd.s32 $0xF4280, s13;
	s16 =	smov.u32 s20  }
0x14e: {  	[tilespmem:s19], [sflag:$0x1] =	stream.linear.gather [hbm4b:s18+s6], $0x10, $0x38;
	[tilespmem:$0x1E600] =	vst v63  }
0x14f: {  	s14 =	sadd.s32 s14, s8  }
0x150: {  	s16 =	sadd.s32 $0x10, s14  }
0x151: {  	[tilespmem:s16], [sflag:$0x1] =	stream.linear.gather [hbm4b:s13+s6], $0x10, $0x38;
	[tilespmem:$0x1E600] =	vst v63  }
0x152: {  	s21 =	sadd.s32 $0x10, s13;
	s24 =	sadd.s32 $0x90, s14  }
0x153: {  	[tilespmem:s24], [sflag:$0x1] =	stream.linear.gather [hbm4b:s21+s6], $0x10, $0x38;
	[tilespmem:$0x1E600] =	vst v63  }
0x154: {  	s19 =	sadd.s32 $0x20, s13;
	s20 =	sadd.s32 $0x110, s14  }
0x155: {  	[tilespmem:s20], [sflag:$0x1] =	stream.linear.gather [hbm4b:s19+s6], $0x10, $0x38;
	[tilespmem:$0x1E600] =	vst v63  }
0x156: {  	s21 =	sadd.s32 $0x30, s13;
	s24 =	sadd.s32 $0x190, s14  }
0x157: {  	[tilespmem:s24], [sflag:$0x1] =	stream.linear.gather [hbm4b:s21+s6], $0x10, $0x38;
	[tilespmem:$0x1E600] =	vst v63  }
0x158: {  	s19 =	sadd.s32 $0x40, s13;
	s20 =	sadd.s32 $0x210, s14  }
0x159: {  	[tilespmem:s20], [sflag:$0x1] =	stream.linear.gather [hbm4b:s19+s6], $0x10, $0x38;
	[tilespmem:$0x1E600] =	vst v63  }
0x15a: {  	s21 =	sadd.s32 $0x50, s13;
	s24 =	sadd.s32 $0x290, s14  }
0x15b: {  	[tilespmem:s24], [sflag:$0x1] =	stream.linear.gather [hbm4b:s21+s6], $0x10, $0x38;
	[tilespmem:$0x1E600] =	vst v63  }
0x15c: {  	s19 =	sadd.s32 $0x60, s13;
	s20 =	sadd.s32 $0x310, s14  }
0x15d: {  	[tilespmem:s20], [sflag:$0x1] =	stream.linear.gather [hbm4b:s19+s6], $0x10, $0x38;
	[tilespmem:$0x1E600] =	vst v63  }
0x15e: {  	s14 =	sadd.s32 $0x390, s14;
	s21 =	sadd.s32 $0x70, s13  }
0x15f: {  	[tilespmem:s14], [sflag:$0x1] =	stream.linear.gather [hbm4b:s21+s6], $0x10, $0x38;
	[tilespmem:$0x1E600] =	vst v63  }
0x160: {  	s24 =	sadd.s32 $0x4E00, s12;
	s14 =	sadd.s32 s3, s15;
	s15 =	simm.s32 $0x0  }
0x161: {  	[tilespmem:s24], [sflag:$0x1] =	stream.linear.gather [hbm4b:s14+s15], $0x10, $0x38;
	[tilespmem:$0x1E600] =	vst v63  }
0x162: {  	s18 =	sadd.s32 $0x4E80, s12;
	s16 =	sadd.s32 $0x10, s14  }
0x163: {  	[tilespmem:s18], [sflag:$0x1] =	stream.linear.gather [hbm4b:s16+s15], $0x10, $0x38;
	[tilespmem:$0x1E600] =	vst v63  }
0x164: {  	s20 =	sadd.s32 $0x4F00, s12;
	s19 =	sadd.s32 $0x20, s14  }
0x165: {  	[tilespmem:s20], [sflag:$0x1] =	stream.linear.gather [hbm4b:s19+s15], $0x10, $0x38;
	[tilespmem:$0x1E600] =	vst v63  }
0x166: {  	s21 =	sadd.s32 $0x30, s14;
	s24 =	sadd.s32 $0x4F80, s12  }
0x167: {  	[tilespmem:s24], [sflag:$0x1] =	stream.linear.gather [hbm4b:s21+s15], $0x10, $0x38;
	[tilespmem:$0x1E600] =	vst v63  }
0x168: {  	s16 =	sadd.s32 $0x40, s14;
	s18 =	sadd.s32 $0x5000, s12  }
0x169: {  	[tilespmem:s18], [sflag:$0x1] =	stream.linear.gather [hbm4b:s16+s15], $0x10, $0x38;
	[tilespmem:$0x1E600] =	vst v63  }
0x16a: {  	s19 =	sadd.s32 $0x50, s14;
	s20 =	sadd.s32 $0x5080, s12  }
0x16b: {  	[tilespmem:s20], [sflag:$0x1] =	stream.linear.gather [hbm4b:s19+s15], $0x10, $0x38;
	[tilespmem:$0x1E600] =	vst v63  }
0x16c: {  	s21 =	sadd.s32 $0x60, s14;
	s24 =	sadd.s32 $0x5100, s12  }
0x16d: {  	[tilespmem:s24], [sflag:$0x1] =	stream.linear.gather [hbm4b:s21+s15], $0x10, $0x38;
	[tilespmem:$0x1E600] =	vst v63  }
0x16e: {  	s18 =	sadd.s32 $0x70, s14;
	s19 =	sadd.s32 $0x5180, s12  }
0x16f: {  	[tilespmem:s19], [sflag:$0x1] =	stream.linear.gather [hbm4b:s18+s15], $0x10, $0x38;
	[tilespmem:$0x1E600] =	vst v63  }
0x170: {  	s13 =	sadd.s32 $0xF4280, s14;
	s20 =	sadd.s32 $0x5200, s12  }
0x171: {  	[tilespmem:s20], [sflag:$0x1] =	stream.linear.gather [hbm4b:s13+s15], $0x10, $0x38;
	[tilespmem:$0x1E600] =	vst v63  }
0x172: {  	s21 =	sadd.s32 $0x10, s13;
	s24 =	sadd.s32 $0x5280, s12  }
0x173: {  	[tilespmem:s24], [sflag:$0x1] =	stream.linear.gather [hbm4b:s21+s15], $0x10, $0x38;
	[tilespmem:$0x1E600] =	vst v63  }
0x174: {  	s16 =	sadd.s32 $0x20, s13;
	s18 =	sadd.s32 $0x5300, s12  }
0x175: {  	[tilespmem:s18], [sflag:$0x1] =	stream.linear.gather [hbm4b:s16+s15], $0x10, $0x38;
	[tilespmem:$0x1E600] =	vst v63  }
0x176: {  	s19 =	sadd.s32 $0x30, s13;
	s20 =	sadd.s32 $0x5380, s12  }
0x177: {  	[tilespmem:s20], [sflag:$0x1] =	stream.linear.gather [hbm4b:s19+s15], $0x10, $0x38;
	[tilespmem:$0x1E600] =	vst v63  }
0x178: {  	p0 =	slt.u32 s11, $0x6;
	s21 =	sadd.s32 $0x40, s13;
	s24 =	sadd.s32 $0x5400, s12  }
0x179: {  	[tilespmem:s24], [sflag:$0x1] =	stream.linear.gather [hbm4b:s21+s15], $0x10, $0x38;
	[tilespmem:$0x1E600] =	vst v63  }
0x17a: {  	s7 =	sadd.s32 $0x20, s7;
	s16 =	sadd.s32 $0x50, s13;
	s18 =	sadd.s32 $0x5480, s12  }
0x17b: {  	[tilespmem:s18], [sflag:$0x1] =	stream.linear.gather [hbm4b:s16+s15], $0x10, $0x38;
	[tilespmem:$0x1E600] =	vst v63  }
.Ltmp4:
0x17c: {  	s19 =	sadd.s32 $0x60, s13;
	s20 =	sadd.s32 $0x5500, s12;
	(pc) =	sbr.rel @p0 .LBB2_2-.Ltmp4, $4  }
0x17d: {  	[tilespmem:s20], [sflag:$0x1] =	stream.linear.gather [hbm4b:s19+s15], $0x10, $0x38;
	[tilespmem:$0x1E600] =	vst v63  }
0x17e: {  	s13 =	sadd.s32 $0x70, s13;
	s21 =	sadd.s32 $0x5580, s12;
	s24 =	sadd.s32 $0x2, s11  }
0x17f: {  	[tilespmem:s21], [sflag:$0x1] =	stream.linear.gather [hbm4b:s13+s15], $0x10, $0x38;
	[tilespmem:$0x1E600] =	vst v63  }
0x180: {  	s8 =	sadd.s32 $0x20, s8;
	s11 =	smov.u32 s24;
	s13 =	simm.s32 $0x8  }
0x181: {  	s7 =	simm.s32 $0x0  }
.LBB2_12:
0x182: {  	[dreg:$0x19] =	wrdreg s13  }
0x183: {  	[dreg:$0x18] =	wrdreg s15  }
0x184: {  	[dreg:$0x1a] =	wrdreg s7;
	s24 =	sshll.u32 s7, $0x4  }
0x185: {  	s11 =	simm.s32 $0x7E00;
	s12 =	simm.s32 $0x0;
	s7 =	sor.u32 $0x8, s24  }
0x186: {  	[dreg:$0x1b] =	wrdreg s24;
	s8 =	sand.u32 $0x3FFFFFF8, s7;
	s7 =	simm.s32 $0x5600  }
.LBB2_13:
0x187: {  	s13 =	sld [smem:s8+s12];
	_ =	sdelay $0x2  }
0x188: {  	s14 =	sshll.u32 s13, $0x3  }
0x189: {  	s13 =	sand.u32 $0x70, s13;
	s14 =	sand.u32 $0xFFFFFC00, s14  }
0x18a: {  	s13 =	sor.u32 s13, s14  }
0x18b: {  	s13 =	sshrl.u32 s13, $0x3  }
0x18c: {  	s19 =	sadd.s32 $0x0, s7;
	s14 =	sadd.s32 s0, s13  }
0x18d: {  	[tilespmem:s19], [sflag:$0x2] =	stream.linear.gather [hbm4b:s14+s6], $0x10, $0x38;
	[tilespmem:$0x1E600] =	vst v63  }
0x18e: {  	s20 =	sadd.s32 $0x80, s19;
	s18 =	sadd.s32 $0x10, s14  }
0x18f: {  	[tilespmem:s20], [sflag:$0x2] =	stream.linear.gather [hbm4b:s18+s6], $0x10, $0x38;
	[tilespmem:$0x1E600] =	vst v63  }
0x190: {  	s24 =	sadd.s32 $0x100, s19;
	s21 =	sadd.s32 $0x20, s14  }
0x191: {  	[tilespmem:s24], [sflag:$0x2] =	stream.linear.gather [hbm4b:s21+s6], $0x10, $0x38;
	[tilespmem:$0x1E600] =	vst v63  }
0x192: {  	s16 =	sadd.s32 $0x180, s19;
	s15 =	sadd.s32 $0x30, s14  }
0x193: {  	[tilespmem:s16], [sflag:$0x2] =	stream.linear.gather [hbm4b:s15+s6], $0x10, $0x38;
	[tilespmem:$0x1E600] =	vst v63  }
0x194: {  	s18 =	sshll.u32 s12, $0x4;
	s21 =	sadd.s32 $0x40, s14;
	s24 =	sadd.s32 $0x200, s19  }
0x195: {  	[tilespmem:s24], [sflag:$0x2] =	stream.linear.gather [hbm4b:s21+s6], $0x10, $0x38;
	[tilespmem:$0x1E600] =	vst v63  }
0x196: {  	s20 =	sadd.s32 $0x70, s14;
	s15 =	sadd.s32 $0x50, s14;
	s16 =	sadd.s32 $0x280, s19  }
0x197: {  	[tilespmem:s16], [sflag:$0x2] =	stream.linear.gather [hbm4b:s15+s6], $0x10, $0x38;
	[tilespmem:$0x1E600] =	vst v63  }
0x198: {  	s21 =	sadd.s32 $0x60, s14;
	s24 =	sadd.s32 $0x300, s19;
	s19 =	sadd.s32 $0x380, s19  }
0x199: {  	[tilespmem:s24], [sflag:$0x2] =	stream.linear.gather [hbm4b:s21+s6], $0x10, $0x38;
	[tilespmem:$0x1E600] =	vst v63  }
0x19a: {  	s14 =	sadd.s32 $0xF4280, s14;
	s21 =	simm.s32 $0x400;
	s24 =	simm.s32 $0x2000  }
.LBB2_14:
0x19b: {  	[tilespmem:s19], [sflag:$0x2] =	stream.linear.gather [hbm4b:s20+s6], $0x10, $0x38;
	[tilespmem:$0x1E600] =	vst v63  }
0x19c: {  	s19 =	smov.u32 s24  }
0x19d: {  	s16 =	sadd.s32 $0x1000, s24;
	s15 =	sadd.s32 s21, s7;
	s21 =	sshra.s32 s19, $0x2  }
0x19e: {  	[tilespmem:s15], [sflag:$0x2] =	stream.linear.gather [hbm4b:s14+s6], $0x10, $0x38;
	[tilespmem:$0x1E600] =	vst v63  }
0x19f: {  	p0 =	sne.s32 s24, $0x7000;
	s19 =	sadd.s32 $0x10, s14;
	s20 =	sadd.s32 $0x80, s15  }
0x1a0: {  	[tilespmem:s20], [sflag:$0x2] =	stream.linear.gather [hbm4b:s19+s6], $0x10, $0x38;
	[tilespmem:$0x1E600] =	vst v63  }
0x1a1: {  	s19 =	sadd.s32 $0x20, s14;
	s20 =	sadd.s32 $0x100, s15  }
0x1a2: {  	[tilespmem:s20], [sflag:$0x2] =	stream.linear.gather [hbm4b:s19+s6], $0x10, $0x38;
	[tilespmem:$0x1E600] =	vst v63  }
0x1a3: {  	s19 =	sadd.s32 $0x30, s14;
	s20 =	sadd.s32 $0x180, s15  }
0x1a4: {  	[tilespmem:s20], [sflag:$0x2] =	stream.linear.gather [hbm4b:s19+s6], $0x10, $0x38;
	[tilespmem:$0x1E600] =	vst v63  }
0x1a5: {  	s19 =	sadd.s32 $0x40, s14;
	s20 =	sadd.s32 $0x200, s15  }
0x1a6: {  	[tilespmem:s20], [sflag:$0x2] =	stream.linear.gather [hbm4b:s19+s6], $0x10, $0x38;
	[tilespmem:$0x1E600] =	vst v63  }
.Ltmp5:
0x1a7: {  	s19 =	sadd.s32 $0x50, s14;
	s20 =	sadd.s32 $0x280, s15;
	(pc) =	sbr.rel @p0 .LBB2_14-.Ltmp5, $4  }
0x1a8: {  	[tilespmem:s20], [sflag:$0x2] =	stream.linear.gather [hbm4b:s19+s6], $0x10, $0x38;
	[tilespmem:$0x1E600] =	vst v63  }
0x1a9: {  	s24 =	smov.u32 s16;
	s19 =	sadd.s32 $0x60, s14;
	s20 =	sadd.s32 $0x300, s15  }
0x1aa: {  	[tilespmem:s20], [sflag:$0x2] =	stream.linear.gather [hbm4b:s19+s6], $0x10, $0x38;
	[tilespmem:$0x1E600] =	vst v63  }
0x1ab: {  	s20 =	sadd.s32 $0x70, s14;
	s19 =	sadd.s32 $0x380, s15;
	s14 =	sadd.s32 $0xF4280, s14  }
0x1ac: {  	[tilespmem:s19], [sflag:$0x2] =	stream.linear.gather [hbm4b:s20+s6], $0x10, $0x38;
	[tilespmem:$0x1E600] =	vst v63  }
0x1ad: {  	s15 =	sadd.s32 s21, s7  }
0x1ae: {  	[tilespmem:s15], [sflag:$0x2] =	stream.linear.gather [hbm4b:s14+s6], $0x10, $0x38;
	[tilespmem:$0x1E600] =	vst v63  }
0x1af: {  	s16 =	sadd.s32 $0x10, s14;
	s20 =	sadd.s32 $0x80, s15  }
0x1b0: {  	[tilespmem:s20], [sflag:$0x2] =	stream.linear.gather [hbm4b:s16+s6], $0x10, $0x38;
	[tilespmem:$0x1E600] =	vst v63  }
0x1b1: {  	s21 =	sadd.s32 $0x20, s14;
	s24 =	sadd.s32 $0x100, s15  }
0x1b2: {  	[tilespmem:s24], [sflag:$0x2] =	stream.linear.gather [hbm4b:s21+s6], $0x10, $0x38;
	[tilespmem:$0x1E600] =	vst v63  }
0x1b3: {  	s19 =	sadd.s32 $0x30, s14;
	s20 =	sadd.s32 $0x180, s15  }
0x1b4: {  	[tilespmem:s20], [sflag:$0x2] =	stream.linear.gather [hbm4b:s19+s6], $0x10, $0x38;
	[tilespmem:$0x1E600] =	vst v63  }
0x1b5: {  	s21 =	sadd.s32 $0x40, s14;
	s24 =	sadd.s32 $0x200, s15  }
0x1b6: {  	[tilespmem:s24], [sflag:$0x2] =	stream.linear.gather [hbm4b:s21+s6], $0x10, $0x38;
	[tilespmem:$0x1E600] =	vst v63  }
0x1b7: {  	s19 =	sadd.s32 $0x50, s14;
	s20 =	sadd.s32 $0x280, s15  }
0x1b8: {  	[tilespmem:s20], [sflag:$0x2] =	stream.linear.gather [hbm4b:s19+s6], $0x10, $0x38;
	[tilespmem:$0x1E600] =	vst v63  }
0x1b9: {  	s21 =	sadd.s32 $0x60, s14;
	s24 =	sadd.s32 $0x300, s15  }
0x1ba: {  	[tilespmem:s24], [sflag:$0x2] =	stream.linear.gather [hbm4b:s21+s6], $0x10, $0x38;
	[tilespmem:$0x1E600] =	vst v63  }
0x1bb: {  	s15 =	sadd.s32 $0x380, s15;
	s19 =	sadd.s32 $0x70, s14  }
0x1bc: {  	[tilespmem:s15], [sflag:$0x2] =	stream.linear.gather [hbm4b:s19+s6], $0x10, $0x38;
	[tilespmem:$0x1E600] =	vst v63  }
0x1bd: {  	s16 =	simm.s32 $0x0;
	s20 =	sadd.s32 $0x7600, s18;
	s15 =	sadd.s32 s1, s13  }
0x1be: {  	[tilespmem:s20], [sflag:$0x2] =	stream.linear.gather [hbm4b:s15+s16], $0x10, $0x38;
	[tilespmem:$0x1E600] =	vst v63  }
0x1bf: {  	s24 =	sadd.s32 $0x7680, s18;
	s21 =	sadd.s32 $0x10, s15  }
0x1c0: {  	[tilespmem:s24], [sflag:$0x2] =	stream.linear.gather [hbm4b:s21+s16], $0x10, $0x38;
	[tilespmem:$0x1E600] =	vst v63  }
0x1c1: {  	s19 =	sadd.s32 $0x20, s15;
	s20 =	sadd.s32 $0x7700, s18  }
0x1c2: {  	[tilespmem:s20], [sflag:$0x2] =	stream.linear.gather [hbm4b:s19+s16], $0x10, $0x38;
	[tilespmem:$0x1E600] =	vst v63  }
0x1c3: {  	s21 =	sadd.s32 $0x30, s15;
	s24 =	sadd.s32 $0x7780, s18  }
0x1c4: {  	[tilespmem:s24], [sflag:$0x2] =	stream.linear.gather [hbm4b:s21+s16], $0x10, $0x38;
	[tilespmem:$0x1E600] =	vst v63  }
0x1c5: {  	s19 =	sadd.s32 $0x40, s15;
	s20 =	sadd.s32 $0x7800, s18  }
0x1c6: {  	[tilespmem:s20], [sflag:$0x2] =	stream.linear.gather [hbm4b:s19+s16], $0x10, $0x38;
	[tilespmem:$0x1E600] =	vst v63  }
0x1c7: {  	s21 =	sadd.s32 $0x50, s15;
	s24 =	sadd.s32 $0x7880, s18  }
0x1c8: {  	[tilespmem:s24], [sflag:$0x2] =	stream.linear.gather [hbm4b:s21+s16], $0x10, $0x38;
	[tilespmem:$0x1E600] =	vst v63  }
0x1c9: {  	s19 =	sadd.s32 $0x60, s15;
	s20 =	sadd.s32 $0x7900, s18  }
0x1ca: {  	[tilespmem:s20], [sflag:$0x2] =	stream.linear.gather [hbm4b:s19+s16], $0x10, $0x38;
	[tilespmem:$0x1E600] =	vst v63  }
0x1cb: {  	s21 =	sadd.s32 $0x70, s15;
	s24 =	sadd.s32 $0x7980, s18  }
0x1cc: {  	[tilespmem:s24], [sflag:$0x2] =	stream.linear.gather [hbm4b:s21+s16], $0x10, $0x38;
	[tilespmem:$0x1E600] =	vst v63  }
0x1cd: {  	s14 =	sadd.s32 $0xF4280, s15;
	s20 =	sadd.s32 $0x7A00, s18  }
0x1ce: {  	[tilespmem:s20], [sflag:$0x2] =	stream.linear.gather [hbm4b:s14+s16], $0x10, $0x38;
	[tilespmem:$0x1E600] =	vst v63  }
0x1cf: {  	s21 =	sadd.s32 $0x10, s14;
	s24 =	sadd.s32 $0x7A80, s18  }
0x1d0: {  	[tilespmem:s24], [sflag:$0x2] =	stream.linear.gather [hbm4b:s21+s16], $0x10, $0x38;
	[tilespmem:$0x1E600] =	vst v63  }
0x1d1: {  	s19 =	sadd.s32 $0x20, s14;
	s20 =	sadd.s32 $0x7B00, s18  }
0x1d2: {  	[tilespmem:s20], [sflag:$0x2] =	stream.linear.gather [hbm4b:s19+s16], $0x10, $0x38;
	[tilespmem:$0x1E600] =	vst v63  }
0x1d3: {  	s21 =	sadd.s32 $0x30, s14;
	s24 =	sadd.s32 $0x7B80, s18  }
0x1d4: {  	[tilespmem:s24], [sflag:$0x2] =	stream.linear.gather [hbm4b:s21+s16], $0x10, $0x38;
	[tilespmem:$0x1E600] =	vst v63  }
0x1d5: {  	s19 =	sadd.s32 $0x40, s14;
	s20 =	sadd.s32 $0x7C00, s18  }
0x1d6: {  	[tilespmem:s20], [sflag:$0x2] =	stream.linear.gather [hbm4b:s19+s16], $0x10, $0x38;
	[tilespmem:$0x1E600] =	vst v63  }
0x1d7: {  	s21 =	sadd.s32 $0x50, s14;
	s24 =	sadd.s32 $0x7C80, s18  }
0x1d8: {  	[tilespmem:s24], [sflag:$0x2] =	stream.linear.gather [hbm4b:s21+s16], $0x10, $0x38;
	[tilespmem:$0x1E600] =	vst v63  }
0x1d9: {  	s20 =	sadd.s32 $0x60, s14;
	s21 =	sadd.s32 $0x7D00, s18  }
0x1da: {  	[tilespmem:s21], [sflag:$0x2] =	stream.linear.gather [hbm4b:s20+s16], $0x10, $0x38;
	[tilespmem:$0x1E600] =	vst v63  }
0x1db: {  	s14 =	sadd.s32 $0x70, s14;
	s24 =	sadd.s32 $0x7D80, s18  }
0x1dc: {  	[tilespmem:s24], [sflag:$0x2] =	stream.linear.gather [hbm4b:s14+s16], $0x10, $0x38;
	[tilespmem:$0x1E600] =	vst v63  }
0x1dd: {  	s15 =	sadd.s32 $0x0, s11;
	s14 =	sadd.s32 s2, s13  }
0x1de: {  	[tilespmem:s15], [sflag:$0x2] =	stream.linear.gather [hbm4b:s14+s6], $0x10, $0x38;
	[tilespmem:$0x1E600] =	vst v63  }
0x1df: {  	s20 =	sadd.s32 $0x80, s15;
	s19 =	sadd.s32 $0x10, s14  }
0x1e0: {  	[tilespmem:s20], [sflag:$0x2] =	stream.linear.gather [hbm4b:s19+s6], $0x10, $0x38;
	[tilespmem:$0x1E600] =	vst v63  }
0x1e1: {  	s24 =	sadd.s32 $0x100, s15;
	s21 =	sadd.s32 $0x20, s14  }
0x1e2: {  	[tilespmem:s24], [sflag:$0x2] =	stream.linear.gather [hbm4b:s21+s6], $0x10, $0x38;
	[tilespmem:$0x1E600] =	vst v63  }
0x1e3: {  	s19 =	sadd.s32 $0x30, s14;
	s20 =	sadd.s32 $0x180, s15  }
0x1e4: {  	[tilespmem:s20], [sflag:$0x2] =	stream.linear.gather [hbm4b:s19+s6], $0x10, $0x38;
	[tilespmem:$0x1E600] =	vst v63  }
0x1e5: {  	s21 =	sadd.s32 $0x40, s14;
	s24 =	sadd.s32 $0x200, s15  }
0x1e6: {  	[tilespmem:s24], [sflag:$0x2] =	stream.linear.gather [hbm4b:s21+s6], $0x10, $0x38;
	[tilespmem:$0x1E600] =	vst v63  }
0x1e7: {  	s19 =	sadd.s32 $0x50, s14;
	s20 =	sadd.s32 $0x280, s15;
	s21 =	sadd.s32 $0x60, s14  }
0x1e8: {  	[tilespmem:s20], [sflag:$0x2] =	stream.linear.gather [hbm4b:s19+s6], $0x10, $0x38;
	[tilespmem:$0x1E600] =	vst v63  }
0x1e9: {  	s24 =	sadd.s32 $0x300, s15;
	s20 =	sadd.s32 $0x70, s14;
	s19 =	sadd.s32 $0x380, s15  }
0x1ea: {  	[tilespmem:s24], [sflag:$0x2] =	stream.linear.gather [hbm4b:s21+s6], $0x10, $0x38;
	[tilespmem:$0x1E600] =	vst v63  }
0x1eb: {  	s14 =	sadd.s32 $0xF4280, s14;
	s21 =	simm.s32 $0x400;
	s24 =	simm.s32 $0x2000  }
.LBB2_16:
0x1ec: {  	[tilespmem:s19], [sflag:$0x2] =	stream.linear.gather [hbm4b:s20+s6], $0x10, $0x38;
	[tilespmem:$0x1E600] =	vst v63  }
0x1ed: {  	s15 =	smov.u32 s24  }
0x1ee: {  	s16 =	sadd.s32 $0x1000, s24;
	s19 =	sadd.s32 s21, s11;
	s21 =	sshra.s32 s15, $0x2  }
0x1ef: {  	[tilespmem:s19], [sflag:$0x2] =	stream.linear.gather [hbm4b:s14+s6], $0x10, $0x38;
	[tilespmem:$0x1E600] =	vst v63  }
0x1f0: {  	p0 =	sne.s32 s24, $0x7000;
	s15 =	sadd.s32 $0x10, s14;
	s20 =	sadd.s32 $0x80, s19  }
0x1f1: {  	[tilespmem:s20], [sflag:$0x2] =	stream.linear.gather [hbm4b:s15+s6], $0x10, $0x38;
	[tilespmem:$0x1E600] =	vst v63  }
0x1f2: {  	s15 =	sadd.s32 $0x20, s14;
	s20 =	sadd.s32 $0x100, s19  }
0x1f3: {  	[tilespmem:s20], [sflag:$0x2] =	stream.linear.gather [hbm4b:s15+s6], $0x10, $0x38;
	[tilespmem:$0x1E600] =	vst v63  }
0x1f4: {  	s15 =	sadd.s32 $0x30, s14;
	s20 =	sadd.s32 $0x180, s19  }
0x1f5: {  	[tilespmem:s20], [sflag:$0x2] =	stream.linear.gather [hbm4b:s15+s6], $0x10, $0x38;
	[tilespmem:$0x1E600] =	vst v63  }
0x1f6: {  	s15 =	sadd.s32 $0x40, s14;
	s20 =	sadd.s32 $0x200, s19  }
0x1f7: {  	[tilespmem:s20], [sflag:$0x2] =	stream.linear.gather [hbm4b:s15+s6], $0x10, $0x38;
	[tilespmem:$0x1E600] =	vst v63  }
.Ltmp6:
0x1f8: {  	s15 =	sadd.s32 $0x50, s14;
	s20 =	sadd.s32 $0x280, s19;
	(pc) =	sbr.rel @p0 .LBB2_16-.Ltmp6, $4  }
0x1f9: {  	[tilespmem:s20], [sflag:$0x2] =	stream.linear.gather [hbm4b:s15+s6], $0x10, $0x38;
	[tilespmem:$0x1E600] =	vst v63  }
0x1fa: {  	s24 =	smov.u32 s16;
	s15 =	sadd.s32 $0x60, s14;
	s20 =	sadd.s32 $0x300, s19  }
0x1fb: {  	[tilespmem:s20], [sflag:$0x2] =	stream.linear.gather [hbm4b:s15+s6], $0x10, $0x38;
	[tilespmem:$0x1E600] =	vst v63  }
0x1fc: {  	s19 =	sadd.s32 $0x380, s19;
	s20 =	sadd.s32 $0x70, s14;
	s14 =	sadd.s32 $0xF4280, s14  }
0x1fd: {  	[tilespmem:s19], [sflag:$0x2] =	stream.linear.gather [hbm4b:s20+s6], $0x10, $0x38;
	[tilespmem:$0x1E600] =	vst v63  }
0x1fe: {  	s15 =	sadd.s32 s21, s11  }
0x1ff: {  	[tilespmem:s15], [sflag:$0x2] =	stream.linear.gather [hbm4b:s14+s6], $0x10, $0x38;
	[tilespmem:$0x1E600] =	vst v63  }
0x200: {  	s16 =	sadd.s32 $0x10, s14;
	s20 =	sadd.s32 $0x80, s15  }
0x201: {  	[tilespmem:s20], [sflag:$0x2] =	stream.linear.gather [hbm4b:s16+s6], $0x10, $0x38;
	[tilespmem:$0x1E600] =	vst v63  }
0x202: {  	s21 =	sadd.s32 $0x20, s14;
	s24 =	sadd.s32 $0x100, s15  }
0x203: {  	[tilespmem:s24], [sflag:$0x2] =	stream.linear.gather [hbm4b:s21+s6], $0x10, $0x38;
	[tilespmem:$0x1E600] =	vst v63  }
0x204: {  	s19 =	sadd.s32 $0x30, s14;
	s20 =	sadd.s32 $0x180, s15  }
0x205: {  	[tilespmem:s20], [sflag:$0x2] =	stream.linear.gather [hbm4b:s19+s6], $0x10, $0x38;
	[tilespmem:$0x1E600] =	vst v63  }
0x206: {  	s21 =	sadd.s32 $0x40, s14;
	s24 =	sadd.s32 $0x200, s15  }
0x207: {  	[tilespmem:s24], [sflag:$0x2] =	stream.linear.gather [hbm4b:s21+s6], $0x10, $0x38;
	[tilespmem:$0x1E600] =	vst v63  }
0x208: {  	s19 =	sadd.s32 $0x50, s14;
	s20 =	sadd.s32 $0x280, s15  }
0x209: {  	[tilespmem:s20], [sflag:$0x2] =	stream.linear.gather [hbm4b:s19+s6], $0x10, $0x38;
	[tilespmem:$0x1E600] =	vst v63  }
0x20a: {  	s21 =	sadd.s32 $0x60, s14;
	s24 =	sadd.s32 $0x300, s15  }
0x20b: {  	[tilespmem:s24], [sflag:$0x2] =	stream.linear.gather [hbm4b:s21+s6], $0x10, $0x38;
	[tilespmem:$0x1E600] =	vst v63  }
0x20c: {  	s15 =	sadd.s32 $0x380, s15;
	s19 =	sadd.s32 $0x70, s14  }
0x20d: {  	[tilespmem:s15], [sflag:$0x2] =	stream.linear.gather [hbm4b:s19+s6], $0x10, $0x38;
	[tilespmem:$0x1E600] =	vst v63  }
0x20e: {  	s13 =	sadd.s32 s3, s13;
	s20 =	sadd.s32 $0x9E00, s18;
	s15 =	simm.s32 $0x0  }
0x20f: {  	[tilespmem:s20], [sflag:$0x2] =	stream.linear.gather [hbm4b:s13+s15], $0x10, $0x38;
	[tilespmem:$0x1E600] =	vst v63  }
0x210: {  	s21 =	sadd.s32 $0x10, s13;
	s24 =	sadd.s32 $0x9E80, s18  }
0x211: {  	[tilespmem:s24], [sflag:$0x2] =	stream.linear.gather [hbm4b:s21+s15], $0x10, $0x38;
	[tilespmem:$0x1E600] =	vst v63  }
0x212: {  	s19 =	sadd.s32 $0x20, s13;
	s20 =	sadd.s32 $0x9F00, s18  }
0x213: {  	[tilespmem:s20], [sflag:$0x2] =	stream.linear.gather [hbm4b:s19+s15], $0x10, $0x38;
	[tilespmem:$0x1E600] =	vst v63  }
0x214: {  	s21 =	sadd.s32 $0x30, s13;
	s24 =	sadd.s32 $0x9F80, s18  }
0x215: {  	[tilespmem:s24], [sflag:$0x2] =	stream.linear.gather [hbm4b:s21+s15], $0x10, $0x38;
	[tilespmem:$0x1E600] =	vst v63  }
0x216: {  	s19 =	sadd.s32 $0x40, s13;
	s20 =	sadd.s32 $0xA000, s18  }
0x217: {  	[tilespmem:s20], [sflag:$0x2] =	stream.linear.gather [hbm4b:s19+s15], $0x10, $0x38;
	[tilespmem:$0x1E600] =	vst v63  }
0x218: {  	s21 =	sadd.s32 $0x50, s13;
	s24 =	sadd.s32 $0xA080, s18  }
0x219: {  	[tilespmem:s24], [sflag:$0x2] =	stream.linear.gather [hbm4b:s21+s15], $0x10, $0x38;
	[tilespmem:$0x1E600] =	vst v63  }
0x21a: {  	s19 =	sadd.s32 $0x60, s13;
	s20 =	sadd.s32 $0xA100, s18  }
0x21b: {  	[tilespmem:s20], [sflag:$0x2] =	stream.linear.gather [hbm4b:s19+s15], $0x10, $0x38;
	[tilespmem:$0x1E600] =	vst v63  }
0x21c: {  	s21 =	sadd.s32 $0x70, s13;
	s24 =	sadd.s32 $0xA180, s18  }
0x21d: {  	[tilespmem:s24], [sflag:$0x2] =	stream.linear.gather [hbm4b:s21+s15], $0x10, $0x38;
	[tilespmem:$0x1E600] =	vst v63  }
0x21e: {  	s16 =	sadd.s32 $0xA200, s18;
	s13 =	sadd.s32 $0xF4280, s13  }
0x21f: {  	[tilespmem:s16], [sflag:$0x2] =	stream.linear.gather [hbm4b:s13+s15], $0x10, $0x38;
	[tilespmem:$0x1E600] =	vst v63  }
0x220: {  	s19 =	sadd.s32 $0x10, s13;
	s20 =	sadd.s32 $0xA280, s18  }
0x221: {  	[tilespmem:s20], [sflag:$0x2] =	stream.linear.gather [hbm4b:s19+s15], $0x10, $0x38;
	[tilespmem:$0x1E600] =	vst v63  }
0x222: {  	s21 =	sadd.s32 $0x20, s13;
	s24 =	sadd.s32 $0xA300, s18  }
0x223: {  	[tilespmem:s24], [sflag:$0x2] =	stream.linear.gather [hbm4b:s21+s15], $0x10, $0x38;
	[tilespmem:$0x1E600] =	vst v63  }
0x224: {  	s19 =	sadd.s32 $0x30, s13;
	s20 =	sadd.s32 $0xA380, s18  }
0x225: {  	[tilespmem:s20], [sflag:$0x2] =	stream.linear.gather [hbm4b:s19+s15], $0x10, $0x38;
	[tilespmem:$0x1E600] =	vst v63  }
0x226: {  	s14 =	sor.u32 $0x1, s12;
	s21 =	sadd.s32 $0x40, s13;
	s24 =	sadd.s32 $0xA400, s18  }
0x227: {  	[tilespmem:s24], [sflag:$0x2] =	stream.linear.gather [hbm4b:s21+s15], $0x10, $0x38;
	[tilespmem:$0x1E600] =	vst v63  }
0x228: {  	s16 =	sadd.s32 $0x50, s13;
	s19 =	sadd.s32 $0xA480, s18;
	s24 =	sld [smem:s8+s14]  }
0x229: {  	[tilespmem:s19], [sflag:$0x2] =	stream.linear.gather [hbm4b:s16+s15], $0x10, $0x38;
	[tilespmem:$0x1E600] =	vst v63  }
0x22a: {  	s20 =	sadd.s32 $0x60, s13;
	s21 =	sadd.s32 $0xA500, s18  }
0x22b: {  	[tilespmem:s21], [sflag:$0x2] =	stream.linear.gather [hbm4b:s20+s15], $0x10, $0x38;
	[tilespmem:$0x1E600] =	vst v63  }
0x22c: {  	s13 =	sadd.s32 $0x70, s13;
	s19 =	sadd.s32 $0xA580, s18;
	s20 =	sshll.u32 s24, $0x3  }
0x22d: {  	[tilespmem:s19], [sflag:$0x2] =	stream.linear.gather [hbm4b:s13+s15], $0x10, $0x38;
	[tilespmem:$0x1E600] =	vst v63  }
0x22e: {  	s21 =	sand.u32 $0x70, s24;
	s13 =	sand.u32 $0xFFFFFC00, s20  }
0x22f: {  	s13 =	sor.u32 s21, s13  }
0x230: {  	s15 =	sadd.s32 $0x0, s7;
	s13 =	sshrl.u32 s13, $0x3  }
0x231: {  	s24 =	sadd.s32 $0x10, s15;
	s16 =	sadd.s32 s0, s13  }
0x232: {  	[tilespmem:s24], [sflag:$0x2] =	stream.linear.gather [hbm4b:s16+s6], $0x10, $0x38;
	[tilespmem:$0x1E600] =	vst v63  }
0x233: {  	s20 =	sadd.s32 $0x90, s15;
	s19 =	sadd.s32 $0x10, s16  }
0x234: {  	[tilespmem:s20], [sflag:$0x2] =	stream.linear.gather [hbm4b:s19+s6], $0x10, $0x38;
	[tilespmem:$0x1E600] =	vst v63  }
0x235: {  	s21 =	sadd.s32 $0x20, s16;
	s24 =	sadd.s32 $0x110, s15  }
0x236: {  	[tilespmem:s24], [sflag:$0x2] =	stream.linear.gather [hbm4b:s21+s6], $0x10, $0x38;
	[tilespmem:$0x1E600] =	vst v63  }
0x237: {  	s19 =	sadd.s32 $0x30, s16;
	s20 =	sadd.s32 $0x190, s15  }
0x238: {  	[tilespmem:s20], [sflag:$0x2] =	stream.linear.gather [hbm4b:s19+s6], $0x10, $0x38;
	[tilespmem:$0x1E600] =	vst v63  }
0x239: {  	s18 =	sshll.u32 s14, $0x4;
	s21 =	sadd.s32 $0x40, s16;
	s24 =	sadd.s32 $0x210, s15  }
0x23a: {  	[tilespmem:s24], [sflag:$0x2] =	stream.linear.gather [hbm4b:s21+s6], $0x10, $0x38;
	[tilespmem:$0x1E600] =	vst v63  }
0x23b: {  	s14 =	sadd.s32 $0xF4280, s16;
	s19 =	sadd.s32 $0x50, s16;
	s20 =	sadd.s32 $0x290, s15  }
0x23c: {  	[tilespmem:s20], [sflag:$0x2] =	stream.linear.gather [hbm4b:s19+s6], $0x10, $0x38;
	[tilespmem:$0x1E600] =	vst v63  }
0x23d: {  	s21 =	sadd.s32 $0x60, s16;
	s24 =	sadd.s32 $0x310, s15;
	s20 =	sadd.s32 $0x70, s16  }
0x23e: {  	[tilespmem:s24], [sflag:$0x2] =	stream.linear.gather [hbm4b:s21+s6], $0x10, $0x38;
	[tilespmem:$0x1E600] =	vst v63  }
0x23f: {  	s19 =	sadd.s32 $0x390, s15;
	s21 =	simm.s32 $0x400;
	s24 =	simm.s32 $0x2000  }
.LBB2_18:
0x240: {  	[tilespmem:s19], [sflag:$0x2] =	stream.linear.gather [hbm4b:s20+s6], $0x10, $0x38;
	[tilespmem:$0x1E600] =	vst v63  }
0x241: {  	s15 =	smov.u32 s24  }
0x242: {  	s16 =	sadd.s32 $0x1000, s24;
	s19 =	sadd.s32 s21, s7;
	s21 =	sshra.s32 s15, $0x2  }
0x243: {  	p0 =	sne.s32 s24, $0x7000;
	s15 =	sadd.s32 $0x10, s19  }
0x244: {  	[tilespmem:s15], [sflag:$0x2] =	stream.linear.gather [hbm4b:s14+s6], $0x10, $0x38;
	[tilespmem:$0x1E600] =	vst v63  }
0x245: {  	s20 =	sadd.s32 $0x90, s19;
	s15 =	sadd.s32 $0x10, s14  }
0x246: {  	[tilespmem:s20], [sflag:$0x2] =	stream.linear.gather [hbm4b:s15+s6], $0x10, $0x38;
	[tilespmem:$0x1E600] =	vst v63  }
0x247: {  	s15 =	sadd.s32 $0x20, s14;
	s20 =	sadd.s32 $0x110, s19  }
0x248: {  	[tilespmem:s20], [sflag:$0x2] =	stream.linear.gather [hbm4b:s15+s6], $0x10, $0x38;
	[tilespmem:$0x1E600] =	vst v63  }
0x249: {  	s15 =	sadd.s32 $0x30, s14;
	s20 =	sadd.s32 $0x190, s19  }
0x24a: {  	[tilespmem:s20], [sflag:$0x2] =	stream.linear.gather [hbm4b:s15+s6], $0x10, $0x38;
	[tilespmem:$0x1E600] =	vst v63  }
0x24b: {  	s15 =	sadd.s32 $0x40, s14;
	s20 =	sadd.s32 $0x210, s19  }
0x24c: {  	[tilespmem:s20], [sflag:$0x2] =	stream.linear.gather [hbm4b:s15+s6], $0x10, $0x38;
	[tilespmem:$0x1E600] =	vst v63  }
.Ltmp7:
0x24d: {  	s15 =	sadd.s32 $0x50, s14;
	s20 =	sadd.s32 $0x290, s19;
	(pc) =	sbr.rel @p0 .LBB2_18-.Ltmp7, $4  }
0x24e: {  	[tilespmem:s20], [sflag:$0x2] =	stream.linear.gather [hbm4b:s15+s6], $0x10, $0x38;
	[tilespmem:$0x1E600] =	vst v63  }
0x24f: {  	s24 =	smov.u32 s16;
	s15 =	sadd.s32 $0x60, s14;
	s20 =	sadd.s32 $0x310, s19  }
0x250: {  	[tilespmem:s20], [sflag:$0x2] =	stream.linear.gather [hbm4b:s15+s6], $0x10, $0x38;
	[tilespmem:$0x1E600] =	vst v63  }
0x251: {  	s19 =	sadd.s32 $0x390, s19;
	s20 =	sadd.s32 $0x70, s14;
	s14 =	sadd.s32 $0xF4280, s14  }
0x252: {  	[tilespmem:s19], [sflag:$0x2] =	stream.linear.gather [hbm4b:s20+s6], $0x10, $0x38;
	[tilespmem:$0x1E600] =	vst v63  }
0x253: {  	s15 =	sadd.s32 s21, s7  }
0x254: {  	s16 =	sadd.s32 $0x10, s15  }
0x255: {  	[tilespmem:s16], [sflag:$0x2] =	stream.linear.gather [hbm4b:s14+s6], $0x10, $0x38;
	[tilespmem:$0x1E600] =	vst v63  }
0x256: {  	s19 =	sadd.s32 $0x10, s14;
	s20 =	sadd.s32 $0x90, s15  }
0x257: {  	[tilespmem:s20], [sflag:$0x2] =	stream.linear.gather [hbm4b:s19+s6], $0x10, $0x38;
	[tilespmem:$0x1E600] =	vst v63  }
0x258: {  	s21 =	sadd.s32 $0x20, s14;
	s24 =	sadd.s32 $0x110, s15  }
0x259: {  	[tilespmem:s24], [sflag:$0x2] =	stream.linear.gather [hbm4b:s21+s6], $0x10, $0x38;
	[tilespmem:$0x1E600] =	vst v63  }
0x25a: {  	s19 =	sadd.s32 $0x30, s14;
	s20 =	sadd.s32 $0x190, s15  }
0x25b: {  	[tilespmem:s20], [sflag:$0x2] =	stream.linear.gather [hbm4b:s19+s6], $0x10, $0x38;
	[tilespmem:$0x1E600] =	vst v63  }
0x25c: {  	s21 =	sadd.s32 $0x40, s14;
	s24 =	sadd.s32 $0x210, s15  }
0x25d: {  	[tilespmem:s24], [sflag:$0x2] =	stream.linear.gather [hbm4b:s21+s6], $0x10, $0x38;
	[tilespmem:$0x1E600] =	vst v63  }
0x25e: {  	s19 =	sadd.s32 $0x50, s14;
	s20 =	sadd.s32 $0x290, s15  }
0x25f: {  	[tilespmem:s20], [sflag:$0x2] =	stream.linear.gather [hbm4b:s19+s6], $0x10, $0x38;
	[tilespmem:$0x1E600] =	vst v63  }
0x260: {  	s21 =	sadd.s32 $0x60, s14;
	s24 =	sadd.s32 $0x310, s15  }
0x261: {  	[tilespmem:s24], [sflag:$0x2] =	stream.linear.gather [hbm4b:s21+s6], $0x10, $0x38;
	[tilespmem:$0x1E600] =	vst v63  }
0x262: {  	s15 =	sadd.s32 $0x390, s15;
	s19 =	sadd.s32 $0x70, s14  }
0x263: {  	[tilespmem:s15], [sflag:$0x2] =	stream.linear.gather [hbm4b:s19+s6], $0x10, $0x38;
	[tilespmem:$0x1E600] =	vst v63  }
0x264: {  	s16 =	simm.s32 $0x0;
	s20 =	sadd.s32 $0x7600, s18;
	s15 =	sadd.s32 s1, s13  }
0x265: {  	[tilespmem:s20], [sflag:$0x2] =	stream.linear.gather [hbm4b:s15+s16], $0x10, $0x38;
	[tilespmem:$0x1E600] =	vst v63  }
0x266: {  	s24 =	sadd.s32 $0x7680, s18;
	s21 =	sadd.s32 $0x10, s15  }
0x267: {  	[tilespmem:s24], [sflag:$0x2] =	stream.linear.gather [hbm4b:s21+s16], $0x10, $0x38;
	[tilespmem:$0x1E600] =	vst v63  }
0x268: {  	s19 =	sadd.s32 $0x20, s15;
	s20 =	sadd.s32 $0x7700, s18  }
0x269: {  	[tilespmem:s20], [sflag:$0x2] =	stream.linear.gather [hbm4b:s19+s16], $0x10, $0x38;
	[tilespmem:$0x1E600] =	vst v63  }
0x26a: {  	s21 =	sadd.s32 $0x30, s15;
	s24 =	sadd.s32 $0x7780, s18  }
0x26b: {  	[tilespmem:s24], [sflag:$0x2] =	stream.linear.gather [hbm4b:s21+s16], $0x10, $0x38;
	[tilespmem:$0x1E600] =	vst v63  }
0x26c: {  	s19 =	sadd.s32 $0x40, s15;
	s20 =	sadd.s32 $0x7800, s18  }
0x26d: {  	[tilespmem:s20], [sflag:$0x2] =	stream.linear.gather [hbm4b:s19+s16], $0x10, $0x38;
	[tilespmem:$0x1E600] =	vst v63  }
0x26e: {  	s21 =	sadd.s32 $0x50, s15;
	s24 =	sadd.s32 $0x7880, s18  }
0x26f: {  	[tilespmem:s24], [sflag:$0x2] =	stream.linear.gather [hbm4b:s21+s16], $0x10, $0x38;
	[tilespmem:$0x1E600] =	vst v63  }
0x270: {  	s19 =	sadd.s32 $0x60, s15;
	s20 =	sadd.s32 $0x7900, s18  }
0x271: {  	[tilespmem:s20], [sflag:$0x2] =	stream.linear.gather [hbm4b:s19+s16], $0x10, $0x38;
	[tilespmem:$0x1E600] =	vst v63  }
0x272: {  	s21 =	sadd.s32 $0x70, s15;
	s24 =	sadd.s32 $0x7980, s18  }
0x273: {  	[tilespmem:s24], [sflag:$0x2] =	stream.linear.gather [hbm4b:s21+s16], $0x10, $0x38;
	[tilespmem:$0x1E600] =	vst v63  }
0x274: {  	s14 =	sadd.s32 $0xF4280, s15;
	s20 =	sadd.s32 $0x7A00, s18  }
0x275: {  	[tilespmem:s20], [sflag:$0x2] =	stream.linear.gather [hbm4b:s14+s16], $0x10, $0x38;
	[tilespmem:$0x1E600] =	vst v63  }
0x276: {  	s21 =	sadd.s32 $0x10, s14;
	s24 =	sadd.s32 $0x7A80, s18  }
0x277: {  	[tilespmem:s24], [sflag:$0x2] =	stream.linear.gather [hbm4b:s21+s16], $0x10, $0x38;
	[tilespmem:$0x1E600] =	vst v63  }
0x278: {  	s19 =	sadd.s32 $0x20, s14;
	s20 =	sadd.s32 $0x7B00, s18  }
0x279: {  	[tilespmem:s20], [sflag:$0x2] =	stream.linear.gather [hbm4b:s19+s16], $0x10, $0x38;
	[tilespmem:$0x1E600] =	vst v63  }
0x27a: {  	s21 =	sadd.s32 $0x30, s14;
	s24 =	sadd.s32 $0x7B80, s18  }
0x27b: {  	[tilespmem:s24], [sflag:$0x2] =	stream.linear.gather [hbm4b:s21+s16], $0x10, $0x38;
	[tilespmem:$0x1E600] =	vst v63  }
0x27c: {  	s19 =	sadd.s32 $0x40, s14;
	s20 =	sadd.s32 $0x7C00, s18  }
0x27d: {  	[tilespmem:s20], [sflag:$0x2] =	stream.linear.gather [hbm4b:s19+s16], $0x10, $0x38;
	[tilespmem:$0x1E600] =	vst v63  }
0x27e: {  	s21 =	sadd.s32 $0x50, s14;
	s24 =	sadd.s32 $0x7C80, s18  }
0x27f: {  	[tilespmem:s24], [sflag:$0x2] =	stream.linear.gather [hbm4b:s21+s16], $0x10, $0x38;
	[tilespmem:$0x1E600] =	vst v63  }
0x280: {  	s19 =	sadd.s32 $0x60, s14;
	s20 =	sadd.s32 $0x7D00, s18  }
0x281: {  	[tilespmem:s20], [sflag:$0x2] =	stream.linear.gather [hbm4b:s19+s16], $0x10, $0x38;
	[tilespmem:$0x1E600] =	vst v63  }
0x282: {  	s14 =	sadd.s32 $0x70, s14;
	s21 =	sadd.s32 $0x7D80, s18  }
0x283: {  	[tilespmem:s21], [sflag:$0x2] =	stream.linear.gather [hbm4b:s14+s16], $0x10, $0x38;
	[tilespmem:$0x1E600] =	vst v63  }
0x284: {  	s14 =	sadd.s32 $0x0, s11  }
0x285: {  	s15 =	sadd.s32 s2, s13;
	s24 =	sadd.s32 $0x10, s14  }
0x286: {  	[tilespmem:s24], [sflag:$0x2] =	stream.linear.gather [hbm4b:s15+s6], $0x10, $0x38;
	[tilespmem:$0x1E600] =	vst v63  }
0x287: {  	s19 =	sadd.s32 $0x10, s15;
	s20 =	sadd.s32 $0x90, s14  }
0x288: {  	[tilespmem:s20], [sflag:$0x2] =	stream.linear.gather [hbm4b:s19+s6], $0x10, $0x38;
	[tilespmem:$0x1E600] =	vst v63  }
0x289: {  	s21 =	sadd.s32 $0x20, s15;
	s24 =	sadd.s32 $0x110, s14  }
0x28a: {  	[tilespmem:s24], [sflag:$0x2] =	stream.linear.gather [hbm4b:s21+s6], $0x10, $0x38;
	[tilespmem:$0x1E600] =	vst v63  }
0x28b: {  	s19 =	sadd.s32 $0x30, s15;
	s20 =	sadd.s32 $0x190, s14  }
0x28c: {  	[tilespmem:s20], [sflag:$0x2] =	stream.linear.gather [hbm4b:s19+s6], $0x10, $0x38;
	[tilespmem:$0x1E600] =	vst v63  }
0x28d: {  	s21 =	sadd.s32 $0x40, s15;
	s24 =	sadd.s32 $0x210, s14  }
0x28e: {  	[tilespmem:s24], [sflag:$0x2] =	stream.linear.gather [hbm4b:s21+s6], $0x10, $0x38;
	[tilespmem:$0x1E600] =	vst v63  }
0x28f: {  	s19 =	sadd.s32 $0x50, s15;
	s20 =	sadd.s32 $0x290, s14;
	s21 =	sadd.s32 $0x60, s15  }
0x290: {  	[tilespmem:s20], [sflag:$0x2] =	stream.linear.gather [hbm4b:s19+s6], $0x10, $0x38;
	[tilespmem:$0x1E600] =	vst v63  }
0x291: {  	s24 =	sadd.s32 $0x310, s14;
	s20 =	sadd.s32 $0x70, s15;
	s19 =	sadd.s32 $0x390, s14  }
0x292: {  	[tilespmem:s24], [sflag:$0x2] =	stream.linear.gather [hbm4b:s21+s6], $0x10, $0x38;
	[tilespmem:$0x1E600] =	vst v63  }
0x293: {  	s14 =	sadd.s32 $0xF4280, s15;
	s21 =	simm.s32 $0x400;
	s24 =	simm.s32 $0x2000  }
.LBB2_20:
0x294: {  	[tilespmem:s19], [sflag:$0x2] =	stream.linear.gather [hbm4b:s20+s6], $0x10, $0x38;
	[tilespmem:$0x1E600] =	vst v63  }
0x295: {  	s15 =	smov.u32 s24  }
0x296: {  	s16 =	sadd.s32 $0x1000, s24;
	s19 =	sadd.s32 s21, s11;
	s21 =	sshra.s32 s15, $0x2  }
0x297: {  	p0 =	sne.s32 s24, $0x7000;
	s15 =	sadd.s32 $0x10, s19  }
0x298: {  	[tilespmem:s15], [sflag:$0x2] =	stream.linear.gather [hbm4b:s14+s6], $0x10, $0x38;
	[tilespmem:$0x1E600] =	vst v63  }
0x299: {  	s20 =	sadd.s32 $0x90, s19;
	s15 =	sadd.s32 $0x10, s14  }
0x29a: {  	[tilespmem:s20], [sflag:$0x2] =	stream.linear.gather [hbm4b:s15+s6], $0x10, $0x38;
	[tilespmem:$0x1E600] =	vst v63  }
0x29b: {  	s15 =	sadd.s32 $0x20, s14;
	s20 =	sadd.s32 $0x110, s19  }
0x29c: {  	[tilespmem:s20], [sflag:$0x2] =	stream.linear.gather [hbm4b:s15+s6], $0x10, $0x38;
	[tilespmem:$0x1E600] =	vst v63  }
0x29d: {  	s15 =	sadd.s32 $0x30, s14;
	s20 =	sadd.s32 $0x190, s19  }
0x29e: {  	[tilespmem:s20], [sflag:$0x2] =	stream.linear.gather [hbm4b:s15+s6], $0x10, $0x38;
	[tilespmem:$0x1E600] =	vst v63  }
0x29f: {  	s15 =	sadd.s32 $0x40, s14;
	s20 =	sadd.s32 $0x210, s19  }
0x2a0: {  	[tilespmem:s20], [sflag:$0x2] =	stream.linear.gather [hbm4b:s15+s6], $0x10, $0x38;
	[tilespmem:$0x1E600] =	vst v63  }
.Ltmp8:
0x2a1: {  	s15 =	sadd.s32 $0x50, s14;
	s20 =	sadd.s32 $0x290, s19;
	(pc) =	sbr.rel @p0 .LBB2_20-.Ltmp8, $4  }
0x2a2: {  	[tilespmem:s20], [sflag:$0x2] =	stream.linear.gather [hbm4b:s15+s6], $0x10, $0x38;
	[tilespmem:$0x1E600] =	vst v63  }
0x2a3: {  	s24 =	smov.u32 s16;
	s15 =	sadd.s32 $0x60, s14;
	s20 =	sadd.s32 $0x310, s19  }
0x2a4: {  	[tilespmem:s20], [sflag:$0x2] =	stream.linear.gather [hbm4b:s15+s6], $0x10, $0x38;
	[tilespmem:$0x1E600] =	vst v63  }
0x2a5: {  	s19 =	sadd.s32 $0x390, s19;
	s20 =	sadd.s32 $0x70, s14;
	s14 =	sadd.s32 $0xF4280, s14  }
0x2a6: {  	[tilespmem:s19], [sflag:$0x2] =	stream.linear.gather [hbm4b:s20+s6], $0x10, $0x38;
	[tilespmem:$0x1E600] =	vst v63  }
0x2a7: {  	s15 =	sadd.s32 s21, s11  }
0x2a8: {  	s16 =	sadd.s32 $0x10, s15  }
0x2a9: {  	[tilespmem:s16], [sflag:$0x2] =	stream.linear.gather [hbm4b:s14+s6], $0x10, $0x38;
	[tilespmem:$0x1E600] =	vst v63  }
0x2aa: {  	s21 =	sadd.s32 $0x10, s14;
	s24 =	sadd.s32 $0x90, s15  }
0x2ab: {  	[tilespmem:s24], [sflag:$0x2] =	stream.linear.gather [hbm4b:s21+s6], $0x10, $0x38;
	[tilespmem:$0x1E600] =	vst v63  }
0x2ac: {  	s19 =	sadd.s32 $0x20, s14;
	s20 =	sadd.s32 $0x110, s15  }
0x2ad: {  	[tilespmem:s20], [sflag:$0x2] =	stream.linear.gather [hbm4b:s19+s6], $0x10, $0x38;
	[tilespmem:$0x1E600] =	vst v63  }
0x2ae: {  	s21 =	sadd.s32 $0x30, s14;
	s24 =	sadd.s32 $0x190, s15  }
0x2af: {  	[tilespmem:s24], [sflag:$0x2] =	stream.linear.gather [hbm4b:s21+s6], $0x10, $0x38;
	[tilespmem:$0x1E600] =	vst v63  }
0x2b0: {  	s19 =	sadd.s32 $0x40, s14;
	s20 =	sadd.s32 $0x210, s15  }
0x2b1: {  	[tilespmem:s20], [sflag:$0x2] =	stream.linear.gather [hbm4b:s19+s6], $0x10, $0x38;
	[tilespmem:$0x1E600] =	vst v63  }
0x2b2: {  	s21 =	sadd.s32 $0x50, s14;
	s24 =	sadd.s32 $0x290, s15  }
0x2b3: {  	[tilespmem:s24], [sflag:$0x2] =	stream.linear.gather [hbm4b:s21+s6], $0x10, $0x38;
	[tilespmem:$0x1E600] =	vst v63  }
0x2b4: {  	s19 =	sadd.s32 $0x60, s14;
	s20 =	sadd.s32 $0x310, s15  }
0x2b5: {  	[tilespmem:s20], [sflag:$0x2] =	stream.linear.gather [hbm4b:s19+s6], $0x10, $0x38;
	[tilespmem:$0x1E600] =	vst v63  }
0x2b6: {  	s15 =	sadd.s32 $0x390, s15;
	s21 =	sadd.s32 $0x70, s14  }
0x2b7: {  	[tilespmem:s15], [sflag:$0x2] =	stream.linear.gather [hbm4b:s21+s6], $0x10, $0x38;
	[tilespmem:$0x1E600] =	vst v63  }
0x2b8: {  	s13 =	sadd.s32 s3, s13;
	s24 =	sadd.s32 $0x9E00, s18  }
0x2b9: {  	[tilespmem:s24], [sflag:$0x2] =	stream.linear.gather [hbm4b:s13+s6], $0x10, $0x38;
	[tilespmem:$0x1E600] =	vst v63  }
0x2ba: {  	s16 =	sadd.s32 $0x9E80, s18;
	s15 =	sadd.s32 $0x10, s13  }
0x2bb: {  	[tilespmem:s16], [sflag:$0x2] =	stream.linear.gather [hbm4b:s15+s6], $0x10, $0x38;
	[tilespmem:$0x1E600] =	vst v63  }
0x2bc: {  	s19 =	sadd.s32 $0x20, s13;
	s20 =	sadd.s32 $0x9F00, s18  }
0x2bd: {  	[tilespmem:s20], [sflag:$0x2] =	stream.linear.gather [hbm4b:s19+s6], $0x10, $0x38;
	[tilespmem:$0x1E600] =	vst v63  }
0x2be: {  	s21 =	sadd.s32 $0x30, s13;
	s24 =	sadd.s32 $0x9F80, s18  }
0x2bf: {  	[tilespmem:s24], [sflag:$0x2] =	stream.linear.gather [hbm4b:s21+s6], $0x10, $0x38;
	[tilespmem:$0x1E600] =	vst v63  }
0x2c0: {  	s15 =	sadd.s32 $0x40, s13;
	s16 =	sadd.s32 $0xA000, s18  }
0x2c1: {  	[tilespmem:s16], [sflag:$0x2] =	stream.linear.gather [hbm4b:s15+s6], $0x10, $0x38;
	[tilespmem:$0x1E600] =	vst v63  }
0x2c2: {  	s19 =	sadd.s32 $0x50, s13;
	s20 =	sadd.s32 $0xA080, s18  }
0x2c3: {  	[tilespmem:s20], [sflag:$0x2] =	stream.linear.gather [hbm4b:s19+s6], $0x10, $0x38;
	[tilespmem:$0x1E600] =	vst v63  }
0x2c4: {  	s21 =	sadd.s32 $0x60, s13;
	s24 =	sadd.s32 $0xA100, s18  }
0x2c5: {  	[tilespmem:s24], [sflag:$0x2] =	stream.linear.gather [hbm4b:s21+s6], $0x10, $0x38;
	[tilespmem:$0x1E600] =	vst v63  }
0x2c6: {  	s16 =	sadd.s32 $0x70, s13;
	s19 =	sadd.s32 $0xA180, s18  }
0x2c7: {  	[tilespmem:s19], [sflag:$0x2] =	stream.linear.gather [hbm4b:s16+s6], $0x10, $0x38;
	[tilespmem:$0x1E600] =	vst v63  }
0x2c8: {  	s13 =	sadd.s32 $0xF4280, s13;
	s20 =	sadd.s32 $0xA200, s18  }
0x2c9: {  	[tilespmem:s20], [sflag:$0x2] =	stream.linear.gather [hbm4b:s13+s6], $0x10, $0x38;
	[tilespmem:$0x1E600] =	vst v63  }
0x2ca: {  	s21 =	sadd.s32 $0x10, s13;
	s24 =	sadd.s32 $0xA280, s18  }
0x2cb: {  	[tilespmem:s24], [sflag:$0x2] =	stream.linear.gather [hbm4b:s21+s6], $0x10, $0x38;
	[tilespmem:$0x1E600] =	vst v63  }
0x2cc: {  	s15 =	sadd.s32 $0x20, s13;
	s16 =	sadd.s32 $0xA300, s18  }
0x2cd: {  	[tilespmem:s16], [sflag:$0x2] =	stream.linear.gather [hbm4b:s15+s6], $0x10, $0x38;
	[tilespmem:$0x1E600] =	vst v63  }
0x2ce: {  	s19 =	sadd.s32 $0x30, s13;
	s20 =	sadd.s32 $0xA380, s18  }
0x2cf: {  	[tilespmem:s20], [sflag:$0x2] =	stream.linear.gather [hbm4b:s19+s6], $0x10, $0x38;
	[tilespmem:$0x1E600] =	vst v63  }
0x2d0: {  	s21 =	sadd.s32 $0x40, s13;
	s24 =	sadd.s32 $0xA400, s18  }
0x2d1: {  	[tilespmem:s24], [sflag:$0x2] =	stream.linear.gather [hbm4b:s21+s6], $0x10, $0x38;
	[tilespmem:$0x1E600] =	vst v63  }
0x2d2: {  	p0 =	slt.u32 s12, $0x6;
	s15 =	sadd.s32 $0x50, s13;
	s16 =	sadd.s32 $0xA480, s18  }
0x2d3: {  	[tilespmem:s16], [sflag:$0x2] =	stream.linear.gather [hbm4b:s15+s6], $0x10, $0x38;
	[tilespmem:$0x1E600] =	vst v63  }
.Ltmp9:
0x2d4: {  	s7 =	sadd.s32 $0x20, s7;
	s11 =	sadd.s32 $0x20, s11;
	(pc) =	sbr.rel @p0 .LBB2_13-.Ltmp9, $4  }
0x2d5: {  	s19 =	sadd.s32 $0x60, s13;
	s20 =	sadd.s32 $0xA500, s18;
	s24 =	sadd.s32 $0x2, s12  }
0x2d6: {  	[tilespmem:s20], [sflag:$0x2] =	stream.linear.gather [hbm4b:s19+s6], $0x10, $0x38;
	[tilespmem:$0x1E600] =	vst v63  }
0x2d7: {  	s13 =	sadd.s32 $0x70, s13;
	s21 =	sadd.s32 $0xA580, s18;
	s12 =	smov.u32 s24  }
0x2d8: {  	[tilespmem:s21], [sflag:$0x2] =	stream.linear.gather [hbm4b:s13+s6], $0x10, $0x38;
	[tilespmem:$0x1E600] =	vst v63  }
0x2d9: {  	s7 =	simm.s32 $0x1  }
0x2da: {  	_ =	swait.ge [sflag:s7], $0x2000  }
0x2db: {  	[sflag:s7] =	ssyncset.done $0x0  }
0x2dc: {  	[sflag:s7] =	ssyncadd.s32 $0xFFFFE000  }
0x2dd: {  	_ =	swait.ge [sflag:s7], $0x800  }
0x2de: {  	[sflag:s7] =	ssyncset.done $0x0  }
0x2df: {  	[sflag:s7] =	ssyncadd.s32 $0xFFFFF800  }
0x2e0: {  	_ =	swait.ge [sflag:s7], $0x2000  }
0x2e1: {  	s8 =	rddreg [dreg:$0x18]  }
0x2e2: {  	[sflag:s7] =	ssyncset.done $0x0;
	v8 =	vmov s8  }
0x2e3: {  	[sflag:s7] =	ssyncadd.s32 $0xFFFFE000  }
0x2e4: {  	_ =	swait.ge [sflag:s7], $0x800  }
0x2e5: {  	[sflag:s7] =	ssyncset.done $0x0  }
0x2e6: {  	[sflag:s7] =	ssyncadd.s32 $0xFFFFF800  }
0x2e7: {  	v9 =	vld.idx.msk [tilespmem:v8+s17+$0x0], $0xffff;
	_ =	sdelay $0x4  }
0x2e8: {  	v10 =	vshra.s32 v9, $0x1F  }
0x2e9: {  	v10 =	vshrl.u32 v10, $0x1C  }
0x2ea: {  	v10 =	vadd.s32 v10, v9  }
0x2eb: {  	v10 =	vshrl.u32 v10, $0x4  }
0x2ec: {  	v10 =	vshll.u32 v10, $0x4  }
0x2ed: {  	s24 =	simm.s32 $0x0;
	v9 =	vsub.s32 v9, v10  }
0x2ee: {  	v9 =	vadd.s32 s24, v9  }
0x2ef: {  	v11 =	vadd.s32 v0, v9;
	_ =	sdelay $0x1  }
0x2f0: {  	v10 =	vshll.u32 v8, $0x3  }
0x2f1: {  	v8 =	vand.u32 $0x77, v8;
	v10 =	vand.u32 $0xC00, v10  }
0x2f2: {  	v10 =	vor.u32 v8, v10  }
0x2f3: {  	v8 =	vor.u32 v1, v10;
	v12 =	vld.idx.msk [tilespmem:v11+s26+$0x0], $0xffff  }
0x2f4: {  	v13 =	vadd.s32 v2, v9;
	_ =	sdelay $0x3  }
0x2f5: {  	[tilespmem:v8+s28+$0x0] =	vst.idx.msk $0xffff, v12  }
0x2f6: {  	v14 =	vor.u32 v3, v10;
	v12 =	vld.idx.msk [tilespmem:v13+s26+$0x0], $0xffff  }
0x2f7: {  	v15 =	vadd.s32 v4, v9;
	_ =	sdelay $0x3  }
0x2f8: {  	[tilespmem:v14+s28+$0x0] =	vst.idx.msk $0xffff, v12  }
0x2f9: {  	v16 =	vor.u32 v5, v10;
	v12 =	vld.idx.msk [tilespmem:v15+s26+$0x0], $0xffff  }
0x2fa: {  	v9 =	vadd.s32 v6, v9;
	_ =	sdelay $0x3  }
0x2fb: {  	[tilespmem:v16+s28+$0x0] =	vst.idx.msk $0xffff, v12  }
0x2fc: {  	v17 =	vor.u32 v7, v10;
	v12 =	vld.idx.msk [tilespmem:v9+s26+$0x0], $0xffff;
	_ =	sdelay $0x4  }
0x2fd: {  	[tilespmem:v17+s28+$0x0] =	vst.idx.msk $0xffff, v12  }
0x2fe: {  	v10 =	vld.idx.msk [tilespmem:v11+s29+$0x0], $0xffff;
	_ =	sdelay $0x4  }
0x2ff: {  	[tilespmem:v8+s30+$0x0] =	vst.idx.msk $0xffff, v10  }
0x300: {  	v10 =	vld.idx.msk [tilespmem:v11+s31+$0x0], $0xffff;
	_ =	sdelay $0x4  }
0x301: {  	[tilespmem:v8+s4+$0x0] =	vst.idx.msk $0xffff, v10  }
0x302: {  	v10 =	vld.idx.msk [tilespmem:v13+s31+$0x0], $0xffff;
	_ =	sdelay $0x4  }
0x303: {  	[tilespmem:v14+s4+$0x0] =	vst.idx.msk $0xffff, v10  }
0x304: {  	v10 =	vld.idx.msk [tilespmem:v15+s31+$0x0], $0xffff;
	_ =	sdelay $0x4  }
0x305: {  	[tilespmem:v16+s4+$0x0] =	vst.idx.msk $0xffff, v10  }
0x306: {  	v9 =	vld.idx.msk [tilespmem:v9+s31+$0x0], $0xffff;
	_ =	sdelay $0x4  }
0x307: {  	[tilespmem:v17+s4+$0x0] =	vst.idx.msk $0xffff, v9  }
0x308: {  	s8 =	sadd.s32 $0x1, s8;
	v11 =	vld.idx.msk [tilespmem:v11+s5+$0x0], $0xffff  }
0x309: {  	v10 =	vmov s8  }
0x30a: {  	v63 =	vshll.u32 v10, $0x3  }
0x30b: {  	v12 =	vand.u32 $0xC00, v63;
	v9 =	vand.u32 $0x77, v10  }
0x30c: {  	s11 =	simm.s32 $0x20;
	s7 =	simm.s32 $0x10;
	v9 =	vor.u32 v9, v12  }
.LBB2_23:
0x30d: {  	p0 =	sne.s32 s11, $0x70;
	[tilespmem:v8+s23+$0x0] =	vst.idx.msk $0xffff, v11;
	s12 =	smov.u32 s11;
	s11 =	sadd.s32 $0x10, s11  }
0x30e: {  	v8 =	vld.idx.msk [tilespmem:v10+s17+$0x0], $0xffff;
	_ =	sdelay $0x5  }
0x30f: {  	v10 =	vshra.s32 v8, $0x1F  }
0x310: {  	v10 =	vshrl.u32 v10, $0x1C  }
0x311: {  	v10 =	vadd.s32 v10, v8  }
0x312: {  	v10 =	vshrl.u32 v10, $0x4  }
0x313: {  	v10 =	vshll.u32 v10, $0x4  }
0x314: {  	v8 =	vsub.s32 v8, v10  }
0x315: {  	v10 =	vadd.s32 s7, v8;
	s7 =	smov.u32 s12  }
0x316: {  	v11 =	vadd.s32 v0, v10;
	_ =	sdelay $0x4  }
0x317: {  	v12 =	vld.idx.msk [tilespmem:v11+s26+$0x0], $0xffff  }
0x318: {  	v8 =	vor.u32 v1, v9  }
0x319: {  	v13 =	vadd.s32 v2, v10;
	_ =	sdelay $0x3  }
0x31a: {  	[tilespmem:v8+s28+$0x0] =	vst.idx.msk $0xffff, v12  }
0x31b: {  	v12 =	vld.idx.msk [tilespmem:v13+s26+$0x0], $0xffff  }
0x31c: {  	v14 =	vor.u32 v3, v9  }
0x31d: {  	v15 =	vadd.s32 v4, v10;
	_ =	sdelay $0x3  }
0x31e: {  	[tilespmem:v14+s28+$0x0] =	vst.idx.msk $0xffff, v12  }
0x31f: {  	v12 =	vld.idx.msk [tilespmem:v15+s26+$0x0], $0xffff  }
0x320: {  	v16 =	vor.u32 v5, v9  }
0x321: {  	v10 =	vadd.s32 v6, v10;
	_ =	sdelay $0x3  }
0x322: {  	[tilespmem:v16+s28+$0x0] =	vst.idx.msk $0xffff, v12  }
0x323: {  	v12 =	vld.idx.msk [tilespmem:v10+s26+$0x0], $0xffff  }
0x324: {  	v9 =	vor.u32 v7, v9;
	_ =	sdelay $0x4  }
0x325: {  	[tilespmem:v9+s28+$0x0] =	vst.idx.msk $0xffff, v12  }
0x326: {  	v12 =	vld.idx.msk [tilespmem:v11+s29+$0x0], $0xffff;
	_ =	sdelay $0x5  }
0x327: {  	[tilespmem:v8+s30+$0x0] =	vst.idx.msk $0xffff, v12  }
0x328: {  	v12 =	vld.idx.msk [tilespmem:v11+s31+$0x0], $0xffff;
	_ =	sdelay $0x5  }
0x329: {  	[tilespmem:v8+s4+$0x0] =	vst.idx.msk $0xffff, v12  }
0x32a: {  	v12 =	vld.idx.msk [tilespmem:v13+s31+$0x0], $0xffff;
	_ =	sdelay $0x5  }
0x32b: {  	[tilespmem:v14+s4+$0x0] =	vst.idx.msk $0xffff, v12  }
0x32c: {  	v12 =	vld.idx.msk [tilespmem:v15+s31+$0x0], $0xffff;
	_ =	sdelay $0x5  }
0x32d: {  	[tilespmem:v16+s4+$0x0] =	vst.idx.msk $0xffff, v12  }
0x32e: {  	v10 =	vld.idx.msk [tilespmem:v10+s31+$0x0], $0xffff;
	_ =	sdelay $0x5  }
0x32f: {  	[tilespmem:v9+s4+$0x0] =	vst.idx.msk $0xffff, v10  }
0x330: {  	v11 =	vld.idx.msk [tilespmem:v11+s5+$0x0], $0xffff  }
.Ltmp10:
0x331: {  	s8 =	sadd.s32 $0x1, s8;
	(pc) =	sbr.rel @p0 .LBB2_23-.Ltmp10, $4  }
0x332: {  	v10 =	vmov s8  }
0x333: {  	v9 =	vshll.u32 v10, $0x3  }
0x334: {  	v12 =	vand.u32 $0x77, v10;
	v9 =	vand.u32 $0xC00, v9  }
0x335: {  	v9 =	vor.u32 v12, v9  }
0x336: {  	_ =	sdelay $0x3  }
0x337: {  	[tilespmem:v8+s23+$0x0] =	vst.idx.msk $0xffff, v11  }
0x338: {  	v8 =	vld.idx.msk [tilespmem:v10+s17+$0x0], $0xffff;
	_ =	sdelay $0x4  }
0x339: {  	v10 =	vshra.s32 v8, $0x1F  }
0x33a: {  	v10 =	vshrl.u32 v10, $0x1C  }
0x33b: {  	v10 =	vadd.s32 v10, v8  }
0x33c: {  	v10 =	vshrl.u32 v10, $0x4  }
0x33d: {  	v10 =	vshll.u32 v10, $0x4  }
0x33e: {  	v8 =	vsub.s32 v8, v10  }
0x33f: {  	v8 =	vadd.s32 s7, v8  }
0x340: {  	v62 =	vadd.s32 v0, v8;
	_ =	sdelay $0x4  }
0x341: {  	v12 =	vor.u32 v1, v9;
	v11 =	vld.idx.msk [tilespmem:v62+s26+$0x0], $0xffff  }
0x342: {  	v13 =	vadd.s32 v2, v8;
	_ =	sdelay $0x3  }
0x343: {  	[tilespmem:v12+s28+$0x0] =	vst.idx.msk $0xffff, v11  }
0x344: {  	v14 =	vor.u32 v3, v9;
	v11 =	vld.idx.msk [tilespmem:v13+s26+$0x0], $0xffff  }
0x345: {  	v15 =	vadd.s32 v4, v8;
	_ =	sdelay $0x3  }
0x346: {  	[tilespmem:v14+s28+$0x0] =	vst.idx.msk $0xffff, v11  }
0x347: {  	v16 =	vor.u32 v5, v9;
	v11 =	vld.idx.msk [tilespmem:v15+s26+$0x0], $0xffff  }
0x348: {  	v8 =	vadd.s32 v6, v8;
	_ =	sdelay $0x3  }
0x349: {  	[tilespmem:v16+s28+$0x0] =	vst.idx.msk $0xffff, v11  }
0x34a: {  	v63 =	vor.u32 v7, v9;
	v11 =	vld.idx.msk [tilespmem:v8+s26+$0x0], $0xffff;
	_ =	sdelay $0x4  }
0x34b: {  	[tilespmem:v63+s28+$0x0] =	vst.idx.msk $0xffff, v11  }
0x34c: {  	v11 =	vld.idx.msk [tilespmem:v62+s29+$0x0], $0xffff;
	_ =	sdelay $0x4  }
0x34d: {  	[tilespmem:v12+s30+$0x0] =	vst.idx.msk $0xffff, v11  }
0x34e: {  	v11 =	vld.idx.msk [tilespmem:v62+s31+$0x0], $0xffff;
	_ =	sdelay $0x4  }
0x34f: {  	[tilespmem:v12+s4+$0x0] =	vst.idx.msk $0xffff, v11  }
0x350: {  	v11 =	vld.idx.msk [tilespmem:v13+s31+$0x0], $0xffff;
	_ =	sdelay $0x4  }
0x351: {  	[tilespmem:v14+s4+$0x0] =	vst.idx.msk $0xffff, v11  }
0x352: {  	v11 =	vld.idx.msk [tilespmem:v15+s31+$0x0], $0xffff;
	_ =	sdelay $0x4  }
0x353: {  	[tilespmem:v16+s4+$0x0] =	vst.idx.msk $0xffff, v11  }
0x354: {  	v8 =	vld.idx.msk [tilespmem:v8+s31+$0x0], $0xffff;
	_ =	sdelay $0x4  }
0x355: {  	s24 =	rddreg [dreg:$0x1a];
	[tilespmem:v63+s4+$0x0] =	vst.idx.msk $0xffff, v8  }
0x356: {  	p0 =	seq.s32 s24, $0x1F;
	v8 =	vld.idx.msk [tilespmem:v62+s5+$0x0], $0xffff  }
.Ltmp11:
0x357: {  	_ = 	snop;
	(pc) =	sbr.rel @p0 .LBB2_35-.Ltmp11, $2  }
0x358: {  	_ =	sdelay $0x2  }
0x359: {  	[tilespmem:v12+s23+$0x0] =	vst.idx.msk $0xffff, v8  }
0x35a: {  	s7 =	rddreg [dreg:$0x1b]  }
0x35b: {  	s20 =	simm.s32 $0x0;
	s7 =	sand.u32 $0x3FFFFFF0, s7  }
0x35c: {  	s11 =	simm.s32 $0x2E00;
	s8 =	sadd.s32 $0x10, s7;
	s7 =	simm.s32 $0x600  }
.LBB2_26:
0x35d: {  	s12 =	sld [smem:s8+s20];
	_ =	sdelay $0x2  }
0x35e: {  	s13 =	sshll.u32 s12, $0x3  }
0x35f: {  	s12 =	sand.u32 $0x70, s12;
	s13 =	sand.u32 $0xFFFFFC00, s13  }
0x360: {  	s12 =	sor.u32 s12, s13  }
0x361: {  	s13 =	sshrl.u32 s12, $0x3  }
0x362: {  	s15 =	sadd.s32 $0x0, s7;
	s14 =	sadd.s32 s0, s13  }
0x363: {  	[tilespmem:s15], [sflag:$0x1] =	stream.linear.gather [hbm4b:s14+s6], $0x10, $0x38;
	[tilespmem:$0x1E600] =	vst v63  }
0x364: {  	s16 =	sadd.s32 $0x80, s15;
	s19 =	sadd.s32 $0x10, s14  }
0x365: {  	[tilespmem:s16], [sflag:$0x1] =	stream.linear.gather [hbm4b:s19+s6], $0x10, $0x38;
	[tilespmem:$0x1E600] =	vst v63  }
0x366: {  	s24 =	sadd.s32 $0x100, s15;
	s21 =	sadd.s32 $0x20, s14  }
0x367: {  	[tilespmem:s24], [sflag:$0x1] =	stream.linear.gather [hbm4b:s21+s6], $0x10, $0x38;
	[tilespmem:$0x1E600] =	vst v63  }
0x368: {  	s18 =	sadd.s32 $0x30, s14;
	s19 =	sadd.s32 $0x180, s15  }
0x369: {  	[tilespmem:s19], [sflag:$0x1] =	stream.linear.gather [hbm4b:s18+s6], $0x10, $0x38;
	[tilespmem:$0x1E600] =	vst v63  }
0x36a: {  	s12 =	sshll.u32 s20, $0x4;
	s21 =	sadd.s32 $0x40, s14;
	s24 =	sadd.s32 $0x200, s15  }
0x36b: {  	[tilespmem:s24], [sflag:$0x1] =	stream.linear.gather [hbm4b:s21+s6], $0x10, $0x38;
	[tilespmem:$0x1E600] =	vst v63  }
0x36c: {  	s18 =	sadd.s32 $0x50, s14;
	s19 =	sadd.s32 $0x280, s15;
	s21 =	sadd.s32 $0x60, s14  }
0x36d: {  	[tilespmem:s19], [sflag:$0x1] =	stream.linear.gather [hbm4b:s18+s6], $0x10, $0x38;
	[tilespmem:$0x1E600] =	vst v63  }
0x36e: {  	s24 =	sadd.s32 $0x300, s15;
	s18 =	simm.s32 $0x400;
	s19 =	sadd.s32 $0x380, s15  }
0x36f: {  	[tilespmem:s24], [sflag:$0x1] =	stream.linear.gather [hbm4b:s21+s6], $0x10, $0x38;
	[tilespmem:$0x1E600] =	vst v63  }
0x370: {  	s21 =	simm.s32 $0x2000;
	s24 =	sadd.s32 $0x70, s14;
	s14 =	sadd.s32 $0xF4280, s14  }
.LBB2_27:
0x371: {  	[tilespmem:s19], [sflag:$0x1] =	stream.linear.gather [hbm4b:s24+s6], $0x10, $0x38;
	[tilespmem:$0x1E600] =	vst v63  }
0x372: {  	s15 =	smov.u32 s21  }
0x373: {  	s16 =	sadd.s32 $0x1000, s21;
	s19 =	sadd.s32 s18, s7;
	s18 =	sshra.s32 s15, $0x2  }
0x374: {  	[tilespmem:s19], [sflag:$0x1] =	stream.linear.gather [hbm4b:s14+s6], $0x10, $0x38;
	[tilespmem:$0x1E600] =	vst v63  }
0x375: {  	p0 =	sne.s32 s21, $0x7000;
	s15 =	sadd.s32 $0x10, s14;
	s21 =	sadd.s32 $0x80, s19  }
0x376: {  	[tilespmem:s21], [sflag:$0x1] =	stream.linear.gather [hbm4b:s15+s6], $0x10, $0x38;
	[tilespmem:$0x1E600] =	vst v63  }
0x377: {  	s15 =	sadd.s32 $0x20, s14;
	s21 =	sadd.s32 $0x100, s19  }
0x378: {  	[tilespmem:s21], [sflag:$0x1] =	stream.linear.gather [hbm4b:s15+s6], $0x10, $0x38;
	[tilespmem:$0x1E600] =	vst v63  }
0x379: {  	s15 =	sadd.s32 $0x30, s14;
	s21 =	sadd.s32 $0x180, s19  }
0x37a: {  	[tilespmem:s21], [sflag:$0x1] =	stream.linear.gather [hbm4b:s15+s6], $0x10, $0x38;
	[tilespmem:$0x1E600] =	vst v63  }
0x37b: {  	s15 =	sadd.s32 $0x40, s14;
	s21 =	sadd.s32 $0x200, s19  }
0x37c: {  	[tilespmem:s21], [sflag:$0x1] =	stream.linear.gather [hbm4b:s15+s6], $0x10, $0x38;
	[tilespmem:$0x1E600] =	vst v63  }
.Ltmp12:
0x37d: {  	s15 =	sadd.s32 $0x50, s14;
	s21 =	sadd.s32 $0x280, s19;
	(pc) =	sbr.rel @p0 .LBB2_27-.Ltmp12, $4  }
0x37e: {  	[tilespmem:s21], [sflag:$0x1] =	stream.linear.gather [hbm4b:s15+s6], $0x10, $0x38;
	[tilespmem:$0x1E600] =	vst v63  }
0x37f: {  	s24 =	sadd.s32 $0x70, s14;
	s15 =	sadd.s32 $0x60, s14;
	s21 =	sadd.s32 $0x300, s19  }
0x380: {  	[tilespmem:s21], [sflag:$0x1] =	stream.linear.gather [hbm4b:s15+s6], $0x10, $0x38;
	[tilespmem:$0x1E600] =	vst v63  }
0x381: {  	s19 =	sadd.s32 $0x380, s19;
	s14 =	sadd.s32 $0xF4280, s14;
	s21 =	smov.u32 s16  }
0x382: {  	[tilespmem:s19], [sflag:$0x1] =	stream.linear.gather [hbm4b:s24+s6], $0x10, $0x38;
	[tilespmem:$0x1E600] =	vst v63  }
0x383: {  	s15 =	sadd.s32 s18, s7  }
0x384: {  	[tilespmem:s15], [sflag:$0x1] =	stream.linear.gather [hbm4b:s14+s6], $0x10, $0x38;
	[tilespmem:$0x1E600] =	vst v63  }
0x385: {  	s16 =	sadd.s32 $0x10, s14;
	s18 =	sadd.s32 $0x80, s15  }
0x386: {  	[tilespmem:s18], [sflag:$0x1] =	stream.linear.gather [hbm4b:s16+s6], $0x10, $0x38;
	[tilespmem:$0x1E600] =	vst v63  }
0x387: {  	s21 =	sadd.s32 $0x20, s14;
	s24 =	sadd.s32 $0x100, s15  }
0x388: {  	[tilespmem:s24], [sflag:$0x1] =	stream.linear.gather [hbm4b:s21+s6], $0x10, $0x38;
	[tilespmem:$0x1E600] =	vst v63  }
0x389: {  	s19 =	sadd.s32 $0x180, s15;
	s18 =	sadd.s32 $0x30, s14  }
0x38a: {  	[tilespmem:s19], [sflag:$0x1] =	stream.linear.gather [hbm4b:s18+s6], $0x10, $0x38;
	[tilespmem:$0x1E600] =	vst v63  }
0x38b: {  	s21 =	sadd.s32 $0x40, s14;
	s24 =	sadd.s32 $0x200, s15  }
0x38c: {  	[tilespmem:s24], [sflag:$0x1] =	stream.linear.gather [hbm4b:s21+s6], $0x10, $0x38;
	[tilespmem:$0x1E600] =	vst v63  }
0x38d: {  	s18 =	sadd.s32 $0x50, s14;
	s19 =	sadd.s32 $0x280, s15  }
0x38e: {  	[tilespmem:s19], [sflag:$0x1] =	stream.linear.gather [hbm4b:s18+s6], $0x10, $0x38;
	[tilespmem:$0x1E600] =	vst v63  }
0x38f: {  	s21 =	sadd.s32 $0x60, s14;
	s24 =	sadd.s32 $0x300, s15  }
0x390: {  	[tilespmem:s24], [sflag:$0x1] =	stream.linear.gather [hbm4b:s21+s6], $0x10, $0x38;
	[tilespmem:$0x1E600] =	vst v63  }
0x391: {  	s15 =	sadd.s32 $0x380, s15;
	s18 =	sadd.s32 $0x70, s14  }
0x392: {  	[tilespmem:s15], [sflag:$0x1] =	stream.linear.gather [hbm4b:s18+s6], $0x10, $0x38;
	[tilespmem:$0x1E600] =	vst v63  }
0x393: {  	s16 =	simm.s32 $0x0;
	s19 =	sadd.s32 $0x2600, s12;
	s15 =	sadd.s32 s1, s13  }
0x394: {  	[tilespmem:s19], [sflag:$0x1] =	stream.linear.gather [hbm4b:s15+s16], $0x10, $0x38;
	[tilespmem:$0x1E600] =	vst v63  }
0x395: {  	s24 =	sadd.s32 $0x2680, s12;
	s21 =	sadd.s32 $0x10, s15  }
0x396: {  	[tilespmem:s24], [sflag:$0x1] =	stream.linear.gather [hbm4b:s21+s16], $0x10, $0x38;
	[tilespmem:$0x1E600] =	vst v63  }
0x397: {  	s18 =	sadd.s32 $0x20, s15;
	s19 =	sadd.s32 $0x2700, s12  }
0x398: {  	[tilespmem:s19], [sflag:$0x1] =	stream.linear.gather [hbm4b:s18+s16], $0x10, $0x38;
	[tilespmem:$0x1E600] =	vst v63  }
0x399: {  	s21 =	sadd.s32 $0x30, s15;
	s24 =	sadd.s32 $0x2780, s12  }
0x39a: {  	[tilespmem:s24], [sflag:$0x1] =	stream.linear.gather [hbm4b:s21+s16], $0x10, $0x38;
	[tilespmem:$0x1E600] =	vst v63  }
0x39b: {  	s18 =	sadd.s32 $0x40, s15;
	s19 =	sadd.s32 $0x2800, s12  }
0x39c: {  	[tilespmem:s19], [sflag:$0x1] =	stream.linear.gather [hbm4b:s18+s16], $0x10, $0x38;
	[tilespmem:$0x1E600] =	vst v63  }
0x39d: {  	s21 =	sadd.s32 $0x50, s15;
	s24 =	sadd.s32 $0x2880, s12  }
0x39e: {  	[tilespmem:s24], [sflag:$0x1] =	stream.linear.gather [hbm4b:s21+s16], $0x10, $0x38;
	[tilespmem:$0x1E600] =	vst v63  }
0x39f: {  	s18 =	sadd.s32 $0x60, s15;
	s19 =	sadd.s32 $0x2900, s12  }
0x3a0: {  	[tilespmem:s19], [sflag:$0x1] =	stream.linear.gather [hbm4b:s18+s16], $0x10, $0x38;
	[tilespmem:$0x1E600] =	vst v63  }
0x3a1: {  	s21 =	sadd.s32 $0x70, s15;
	s24 =	sadd.s32 $0x2980, s12  }
0x3a2: {  	[tilespmem:s24], [sflag:$0x1] =	stream.linear.gather [hbm4b:s21+s16], $0x10, $0x38;
	[tilespmem:$0x1E600] =	vst v63  }
0x3a3: {  	s14 =	sadd.s32 $0xF4280, s15;
	s19 =	sadd.s32 $0x2A00, s12  }
0x3a4: {  	[tilespmem:s19], [sflag:$0x1] =	stream.linear.gather [hbm4b:s14+s16], $0x10, $0x38;
	[tilespmem:$0x1E600] =	vst v63  }
0x3a5: {  	s21 =	sadd.s32 $0x10, s14;
	s24 =	sadd.s32 $0x2A80, s12  }
0x3a6: {  	[tilespmem:s24], [sflag:$0x1] =	stream.linear.gather [hbm4b:s21+s16], $0x10, $0x38;
	[tilespmem:$0x1E600] =	vst v63  }
0x3a7: {  	s18 =	sadd.s32 $0x20, s14;
	s19 =	sadd.s32 $0x2B00, s12  }
0x3a8: {  	[tilespmem:s19], [sflag:$0x1] =	stream.linear.gather [hbm4b:s18+s16], $0x10, $0x38;
	[tilespmem:$0x1E600] =	vst v63  }
0x3a9: {  	s21 =	sadd.s32 $0x30, s14;
	s24 =	sadd.s32 $0x2B80, s12  }
0x3aa: {  	[tilespmem:s24], [sflag:$0x1] =	stream.linear.gather [hbm4b:s21+s16], $0x10, $0x38;
	[tilespmem:$0x1E600] =	vst v63  }
0x3ab: {  	s18 =	sadd.s32 $0x40, s14;
	s19 =	sadd.s32 $0x2C00, s12  }
0x3ac: {  	[tilespmem:s19], [sflag:$0x1] =	stream.linear.gather [hbm4b:s18+s16], $0x10, $0x38;
	[tilespmem:$0x1E600] =	vst v63  }
0x3ad: {  	s21 =	sadd.s32 $0x50, s14;
	s24 =	sadd.s32 $0x2C80, s12  }
0x3ae: {  	[tilespmem:s24], [sflag:$0x1] =	stream.linear.gather [hbm4b:s21+s16], $0x10, $0x38;
	[tilespmem:$0x1E600] =	vst v63  }
0x3af: {  	s19 =	sadd.s32 $0x60, s14;
	s21 =	sadd.s32 $0x2D00, s12  }
0x3b0: {  	[tilespmem:s21], [sflag:$0x1] =	stream.linear.gather [hbm4b:s19+s16], $0x10, $0x38;
	[tilespmem:$0x1E600] =	vst v63  }
0x3b1: {  	s14 =	sadd.s32 $0x70, s14;
	s24 =	sadd.s32 $0x2D80, s12  }
0x3b2: {  	[tilespmem:s24], [sflag:$0x1] =	stream.linear.gather [hbm4b:s14+s16], $0x10, $0x38;
	[tilespmem:$0x1E600] =	vst v63  }
0x3b3: {  	s15 =	sadd.s32 $0x0, s11;
	s14 =	sadd.s32 s2, s13  }
0x3b4: {  	[tilespmem:s15], [sflag:$0x1] =	stream.linear.gather [hbm4b:s14+s6], $0x10, $0x38;
	[tilespmem:$0x1E600] =	vst v63  }
0x3b5: {  	s19 =	sadd.s32 $0x80, s15;
	s18 =	sadd.s32 $0x10, s14  }
0x3b6: {  	[tilespmem:s19], [sflag:$0x1] =	stream.linear.gather [hbm4b:s18+s6], $0x10, $0x38;
	[tilespmem:$0x1E600] =	vst v63  }
0x3b7: {  	s24 =	sadd.s32 $0x100, s15;
	s21 =	sadd.s32 $0x20, s14  }
0x3b8: {  	[tilespmem:s24], [sflag:$0x1] =	stream.linear.gather [hbm4b:s21+s6], $0x10, $0x38;
	[tilespmem:$0x1E600] =	vst v63  }
0x3b9: {  	s18 =	sadd.s32 $0x30, s14;
	s19 =	sadd.s32 $0x180, s15  }
0x3ba: {  	[tilespmem:s19], [sflag:$0x1] =	stream.linear.gather [hbm4b:s18+s6], $0x10, $0x38;
	[tilespmem:$0x1E600] =	vst v63  }
0x3bb: {  	s21 =	sadd.s32 $0x40, s14;
	s24 =	sadd.s32 $0x200, s15  }
0x3bc: {  	[tilespmem:s24], [sflag:$0x1] =	stream.linear.gather [hbm4b:s21+s6], $0x10, $0x38;
	[tilespmem:$0x1E600] =	vst v63  }
0x3bd: {  	s18 =	sadd.s32 $0x50, s14;
	s19 =	sadd.s32 $0x280, s15;
	s21 =	sadd.s32 $0x60, s14  }
0x3be: {  	[tilespmem:s19], [sflag:$0x1] =	stream.linear.gather [hbm4b:s18+s6], $0x10, $0x38;
	[tilespmem:$0x1E600] =	vst v63  }
0x3bf: {  	s24 =	sadd.s32 $0x300, s15;
	s18 =	simm.s32 $0x400;
	s19 =	sadd.s32 $0x380, s15  }
0x3c0: {  	[tilespmem:s24], [sflag:$0x1] =	stream.linear.gather [hbm4b:s21+s6], $0x10, $0x38;
	[tilespmem:$0x1E600] =	vst v63  }
0x3c1: {  	s21 =	simm.s32 $0x2000;
	s24 =	sadd.s32 $0x70, s14;
	s14 =	sadd.s32 $0xF4280, s14  }
.LBB2_29:
0x3c2: {  	[tilespmem:s19], [sflag:$0x1] =	stream.linear.gather [hbm4b:s24+s6], $0x10, $0x38;
	[tilespmem:$0x1E600] =	vst v63  }
0x3c3: {  	s15 =	smov.u32 s21  }
0x3c4: {  	s16 =	sadd.s32 $0x1000, s21;
	s19 =	sadd.s32 s18, s11;
	s18 =	sshra.s32 s15, $0x2  }
0x3c5: {  	[tilespmem:s19], [sflag:$0x1] =	stream.linear.gather [hbm4b:s14+s6], $0x10, $0x38;
	[tilespmem:$0x1E600] =	vst v63  }
0x3c6: {  	p0 =	sne.s32 s21, $0x7000;
	s15 =	sadd.s32 $0x10, s14;
	s21 =	sadd.s32 $0x80, s19  }
0x3c7: {  	[tilespmem:s21], [sflag:$0x1] =	stream.linear.gather [hbm4b:s15+s6], $0x10, $0x38;
	[tilespmem:$0x1E600] =	vst v63  }
0x3c8: {  	s15 =	sadd.s32 $0x20, s14;
	s21 =	sadd.s32 $0x100, s19  }
0x3c9: {  	[tilespmem:s21], [sflag:$0x1] =	stream.linear.gather [hbm4b:s15+s6], $0x10, $0x38;
	[tilespmem:$0x1E600] =	vst v63  }
0x3ca: {  	s15 =	sadd.s32 $0x30, s14;
	s21 =	sadd.s32 $0x180, s19  }
0x3cb: {  	[tilespmem:s21], [sflag:$0x1] =	stream.linear.gather [hbm4b:s15+s6], $0x10, $0x38;
	[tilespmem:$0x1E600] =	vst v63  }
0x3cc: {  	s15 =	sadd.s32 $0x40, s14;
	s21 =	sadd.s32 $0x200, s19  }
0x3cd: {  	[tilespmem:s21], [sflag:$0x1] =	stream.linear.gather [hbm4b:s15+s6], $0x10, $0x38;
	[tilespmem:$0x1E600] =	vst v63  }
.Ltmp13:
0x3ce: {  	s15 =	sadd.s32 $0x50, s14;
	s21 =	sadd.s32 $0x280, s19;
	(pc) =	sbr.rel @p0 .LBB2_29-.Ltmp13, $4  }
0x3cf: {  	[tilespmem:s21], [sflag:$0x1] =	stream.linear.gather [hbm4b:s15+s6], $0x10, $0x38;
	[tilespmem:$0x1E600] =	vst v63  }
0x3d0: {  	s24 =	sadd.s32 $0x70, s14;
	s15 =	sadd.s32 $0x60, s14;
	s21 =	sadd.s32 $0x300, s19  }
0x3d1: {  	[tilespmem:s21], [sflag:$0x1] =	stream.linear.gather [hbm4b:s15+s6], $0x10, $0x38;
	[tilespmem:$0x1E600] =	vst v63  }
0x3d2: {  	s19 =	sadd.s32 $0x380, s19;
	s14 =	sadd.s32 $0xF4280, s14;
	s21 =	smov.u32 s16  }
0x3d3: {  	[tilespmem:s19], [sflag:$0x1] =	stream.linear.gather [hbm4b:s24+s6], $0x10, $0x38;
	[tilespmem:$0x1E600] =	vst v63  }
0x3d4: {  	s15 =	sadd.s32 s18, s11  }
0x3d5: {  	[tilespmem:s15], [sflag:$0x1] =	stream.linear.gather [hbm4b:s14+s6], $0x10, $0x38;
	[tilespmem:$0x1E600] =	vst v63  }
0x3d6: {  	s16 =	sadd.s32 $0x10, s14;
	s18 =	sadd.s32 $0x80, s15  }
0x3d7: {  	[tilespmem:s18], [sflag:$0x1] =	stream.linear.gather [hbm4b:s16+s6], $0x10, $0x38;
	[tilespmem:$0x1E600] =	vst v63  }
0x3d8: {  	s21 =	sadd.s32 $0x20, s14;
	s24 =	sadd.s32 $0x100, s15  }
0x3d9: {  	[tilespmem:s24], [sflag:$0x1] =	stream.linear.gather [hbm4b:s21+s6], $0x10, $0x38;
	[tilespmem:$0x1E600] =	vst v63  }
0x3da: {  	s19 =	sadd.s32 $0x180, s15;
	s18 =	sadd.s32 $0x30, s14  }
0x3db: {  	[tilespmem:s19], [sflag:$0x1] =	stream.linear.gather [hbm4b:s18+s6], $0x10, $0x38;
	[tilespmem:$0x1E600] =	vst v63  }
0x3dc: {  	s21 =	sadd.s32 $0x40, s14;
	s24 =	sadd.s32 $0x200, s15  }
0x3dd: {  	[tilespmem:s24], [sflag:$0x1] =	stream.linear.gather [hbm4b:s21+s6], $0x10, $0x38;
	[tilespmem:$0x1E600] =	vst v63  }
0x3de: {  	s18 =	sadd.s32 $0x50, s14;
	s19 =	sadd.s32 $0x280, s15  }
0x3df: {  	[tilespmem:s19], [sflag:$0x1] =	stream.linear.gather [hbm4b:s18+s6], $0x10, $0x38;
	[tilespmem:$0x1E600] =	vst v63  }
0x3e0: {  	s21 =	sadd.s32 $0x60, s14;
	s24 =	sadd.s32 $0x300, s15  }
0x3e1: {  	[tilespmem:s24], [sflag:$0x1] =	stream.linear.gather [hbm4b:s21+s6], $0x10, $0x38;
	[tilespmem:$0x1E600] =	vst v63  }
0x3e2: {  	s15 =	sadd.s32 $0x380, s15;
	s18 =	sadd.s32 $0x70, s14  }
0x3e3: {  	[tilespmem:s15], [sflag:$0x1] =	stream.linear.gather [hbm4b:s18+s6], $0x10, $0x38;
	[tilespmem:$0x1E600] =	vst v63  }
0x3e4: {  	s13 =	sadd.s32 s3, s13;
	s19 =	sadd.s32 $0x4E00, s12;
	s15 =	simm.s32 $0x0  }
0x3e5: {  	[tilespmem:s19], [sflag:$0x1] =	stream.linear.gather [hbm4b:s13+s15], $0x10, $0x38;
	[tilespmem:$0x1E600] =	vst v63  }
0x3e6: {  	s21 =	sadd.s32 $0x10, s13;
	s24 =	sadd.s32 $0x4E80, s12  }
0x3e7: {  	[tilespmem:s24], [sflag:$0x1] =	stream.linear.gather [hbm4b:s21+s15], $0x10, $0x38;
	[tilespmem:$0x1E600] =	vst v63  }
0x3e8: {  	s18 =	sadd.s32 $0x20, s13;
	s19 =	sadd.s32 $0x4F00, s12  }
0x3e9: {  	[tilespmem:s19], [sflag:$0x1] =	stream.linear.gather [hbm4b:s18+s15], $0x10, $0x38;
	[tilespmem:$0x1E600] =	vst v63  }
0x3ea: {  	s21 =	sadd.s32 $0x30, s13;
	s24 =	sadd.s32 $0x4F80, s12  }
0x3eb: {  	[tilespmem:s24], [sflag:$0x1] =	stream.linear.gather [hbm4b:s21+s15], $0x10, $0x38;
	[tilespmem:$0x1E600] =	vst v63  }
0x3ec: {  	s18 =	sadd.s32 $0x40, s13;
	s19 =	sadd.s32 $0x5000, s12  }
0x3ed: {  	[tilespmem:s19], [sflag:$0x1] =	stream.linear.gather [hbm4b:s18+s15], $0x10, $0x38;
	[tilespmem:$0x1E600] =	vst v63  }
0x3ee: {  	s21 =	sadd.s32 $0x50, s13;
	s24 =	sadd.s32 $0x5080, s12  }
0x3ef: {  	[tilespmem:s24], [sflag:$0x1] =	stream.linear.gather [hbm4b:s21+s15], $0x10, $0x38;
	[tilespmem:$0x1E600] =	vst v63  }
0x3f0: {  	s18 =	sadd.s32 $0x60, s13;
	s19 =	sadd.s32 $0x5100, s12  }
0x3f1: {  	[tilespmem:s19], [sflag:$0x1] =	stream.linear.gather [hbm4b:s18+s15], $0x10, $0x38;
	[tilespmem:$0x1E600] =	vst v63  }
0x3f2: {  	s21 =	sadd.s32 $0x70, s13;
	s24 =	sadd.s32 $0x5180, s12  }
0x3f3: {  	[tilespmem:s24], [sflag:$0x1] =	stream.linear.gather [hbm4b:s21+s15], $0x10, $0x38;
	[tilespmem:$0x1E600] =	vst v63  }
0x3f4: {  	s16 =	sadd.s32 $0x5200, s12;
	s13 =	sadd.s32 $0xF4280, s13  }
0x3f5: {  	[tilespmem:s16], [sflag:$0x1] =	stream.linear.gather [hbm4b:s13+s15], $0x10, $0x38;
	[tilespmem:$0x1E600] =	vst v63  }
0x3f6: {  	s18 =	sadd.s32 $0x10, s13;
	s19 =	sadd.s32 $0x5280, s12  }
0x3f7: {  	[tilespmem:s19], [sflag:$0x1] =	stream.linear.gather [hbm4b:s18+s15], $0x10, $0x38;
	[tilespmem:$0x1E600] =	vst v63  }
0x3f8: {  	s21 =	sadd.s32 $0x20, s13;
	s24 =	sadd.s32 $0x5300, s12  }
0x3f9: {  	[tilespmem:s24], [sflag:$0x1] =	stream.linear.gather [hbm4b:s21+s15], $0x10, $0x38;
	[tilespmem:$0x1E600] =	vst v63  }
0x3fa: {  	s18 =	sadd.s32 $0x30, s13;
	s19 =	sadd.s32 $0x5380, s12  }
0x3fb: {  	[tilespmem:s19], [sflag:$0x1] =	stream.linear.gather [hbm4b:s18+s15], $0x10, $0x38;
	[tilespmem:$0x1E600] =	vst v63  }
0x3fc: {  	s14 =	sor.u32 $0x1, s20;
	s21 =	sadd.s32 $0x40, s13;
	s24 =	sadd.s32 $0x5400, s12  }
0x3fd: {  	[tilespmem:s24], [sflag:$0x1] =	stream.linear.gather [hbm4b:s21+s15], $0x10, $0x38;
	[tilespmem:$0x1E600] =	vst v63  }
0x3fe: {  	s16 =	sadd.s32 $0x50, s13;
	s18 =	sadd.s32 $0x5480, s12;
	s24 =	sld [smem:s8+s14]  }
0x3ff: {  	[tilespmem:s18], [sflag:$0x1] =	stream.linear.gather [hbm4b:s16+s15], $0x10, $0x38;
	[tilespmem:$0x1E600] =	vst v63  }
0x400: {  	s19 =	sadd.s32 $0x60, s13;
	s21 =	sadd.s32 $0x5500, s12  }
0x401: {  	[tilespmem:s21], [sflag:$0x1] =	stream.linear.gather [hbm4b:s19+s15], $0x10, $0x38;
	[tilespmem:$0x1E600] =	vst v63  }
0x402: {  	s13 =	sadd.s32 $0x70, s13;
	s19 =	sshll.u32 s24, $0x3  }
0x403: {  	s18 =	sadd.s32 $0x5580, s12;
	s21 =	sand.u32 $0x70, s24;
	s12 =	sand.u32 $0xFFFFFC00, s19  }
0x404: {  	[tilespmem:s18], [sflag:$0x1] =	stream.linear.gather [hbm4b:s13+s15], $0x10, $0x38;
	[tilespmem:$0x1E600] =	vst v63  }
0x405: {  	s12 =	sor.u32 s21, s12  }
0x406: {  	s15 =	sadd.s32 $0x0, s7;
	s13 =	sshrl.u32 s12, $0x3  }
0x407: {  	s24 =	sadd.s32 $0x10, s15;
	s16 =	sadd.s32 s0, s13  }
0x408: {  	[tilespmem:s24], [sflag:$0x1] =	stream.linear.gather [hbm4b:s16+s6], $0x10, $0x38;
	[tilespmem:$0x1E600] =	vst v63  }
0x409: {  	s19 =	sadd.s32 $0x90, s15;
	s18 =	sadd.s32 $0x10, s16  }
0x40a: {  	[tilespmem:s19], [sflag:$0x1] =	stream.linear.gather [hbm4b:s18+s6], $0x10, $0x38;
	[tilespmem:$0x1E600] =	vst v63  }
0x40b: {  	s21 =	sadd.s32 $0x20, s16;
	s24 =	sadd.s32 $0x110, s15  }
0x40c: {  	[tilespmem:s24], [sflag:$0x1] =	stream.linear.gather [hbm4b:s21+s6], $0x10, $0x38;
	[tilespmem:$0x1E600] =	vst v63  }
0x40d: {  	s18 =	sadd.s32 $0x30, s16;
	s19 =	sadd.s32 $0x190, s15  }
0x40e: {  	[tilespmem:s19], [sflag:$0x1] =	stream.linear.gather [hbm4b:s18+s6], $0x10, $0x38;
	[tilespmem:$0x1E600] =	vst v63  }
0x40f: {  	s12 =	sshll.u32 s14, $0x4;
	s21 =	sadd.s32 $0x40, s16;
	s24 =	sadd.s32 $0x210, s15  }
0x410: {  	[tilespmem:s24], [sflag:$0x1] =	stream.linear.gather [hbm4b:s21+s6], $0x10, $0x38;
	[tilespmem:$0x1E600] =	vst v63  }
0x411: {  	s14 =	sadd.s32 $0xF4280, s16;
	s18 =	sadd.s32 $0x50, s16;
	s19 =	sadd.s32 $0x290, s15  }
0x412: {  	[tilespmem:s19], [sflag:$0x1] =	stream.linear.gather [hbm4b:s18+s6], $0x10, $0x38;
	[tilespmem:$0x1E600] =	vst v63  }
0x413: {  	s21 =	sadd.s32 $0x60, s16;
	s24 =	sadd.s32 $0x310, s15;
	s18 =	simm.s32 $0x400  }
0x414: {  	[tilespmem:s24], [sflag:$0x1] =	stream.linear.gather [hbm4b:s21+s6], $0x10, $0x38;
	[tilespmem:$0x1E600] =	vst v63  }
0x415: {  	s19 =	sadd.s32 $0x390, s15;
	s21 =	simm.s32 $0x2000;
	s24 =	sadd.s32 $0x70, s16  }
.LBB2_31:
0x416: {  	[tilespmem:s19], [sflag:$0x1] =	stream.linear.gather [hbm4b:s24+s6], $0x10, $0x38;
	[tilespmem:$0x1E600] =	vst v63  }
0x417: {  	s15 =	smov.u32 s21  }
0x418: {  	s16 =	sadd.s32 $0x1000, s21;
	s19 =	sadd.s32 s18, s7;
	s18 =	sshra.s32 s15, $0x2  }
0x419: {  	p0 =	sne.s32 s21, $0x7000;
	s15 =	sadd.s32 $0x10, s19  }
0x41a: {  	[tilespmem:s15], [sflag:$0x1] =	stream.linear.gather [hbm4b:s14+s6], $0x10, $0x38;
	[tilespmem:$0x1E600] =	vst v63  }
0x41b: {  	s21 =	sadd.s32 $0x90, s19;
	s15 =	sadd.s32 $0x10, s14  }
0x41c: {  	[tilespmem:s21], [sflag:$0x1] =	stream.linear.gather [hbm4b:s15+s6], $0x10, $0x38;
	[tilespmem:$0x1E600] =	vst v63  }
0x41d: {  	s15 =	sadd.s32 $0x20, s14;
	s21 =	sadd.s32 $0x110, s19  }
0x41e: {  	[tilespmem:s21], [sflag:$0x1] =	stream.linear.gather [hbm4b:s15+s6], $0x10, $0x38;
	[tilespmem:$0x1E600] =	vst v63  }
0x41f: {  	s15 =	sadd.s32 $0x30, s14;
	s21 =	sadd.s32 $0x190, s19  }
0x420: {  	[tilespmem:s21], [sflag:$0x1] =	stream.linear.gather [hbm4b:s15+s6], $0x10, $0x38;
	[tilespmem:$0x1E600] =	vst v63  }
0x421: {  	s15 =	sadd.s32 $0x40, s14;
	s21 =	sadd.s32 $0x210, s19  }
0x422: {  	[tilespmem:s21], [sflag:$0x1] =	stream.linear.gather [hbm4b:s15+s6], $0x10, $0x38;
	[tilespmem:$0x1E600] =	vst v63  }
.Ltmp14:
0x423: {  	s15 =	sadd.s32 $0x50, s14;
	s21 =	sadd.s32 $0x290, s19;
	(pc) =	sbr.rel @p0 .LBB2_31-.Ltmp14, $4  }
0x424: {  	[tilespmem:s21], [sflag:$0x1] =	stream.linear.gather [hbm4b:s15+s6], $0x10, $0x38;
	[tilespmem:$0x1E600] =	vst v63  }
0x425: {  	s24 =	sadd.s32 $0x70, s14;
	s15 =	sadd.s32 $0x60, s14;
	s21 =	sadd.s32 $0x310, s19  }
0x426: {  	[tilespmem:s21], [sflag:$0x1] =	stream.linear.gather [hbm4b:s15+s6], $0x10, $0x38;
	[tilespmem:$0x1E600] =	vst v63  }
0x427: {  	s19 =	sadd.s32 $0x390, s19;
	s14 =	sadd.s32 $0xF4280, s14;
	s21 =	smov.u32 s16  }
0x428: {  	[tilespmem:s19], [sflag:$0x1] =	stream.linear.gather [hbm4b:s24+s6], $0x10, $0x38;
	[tilespmem:$0x1E600] =	vst v63  }
0x429: {  	s15 =	sadd.s32 s18, s7  }
0x42a: {  	s16 =	sadd.s32 $0x10, s15  }
0x42b: {  	[tilespmem:s16], [sflag:$0x1] =	stream.linear.gather [hbm4b:s14+s6], $0x10, $0x38;
	[tilespmem:$0x1E600] =	vst v63  }
0x42c: {  	s19 =	sadd.s32 $0x10, s14;
	s18 =	sadd.s32 $0x90, s15  }
0x42d: {  	[tilespmem:s18], [sflag:$0x1] =	stream.linear.gather [hbm4b:s19+s6], $0x10, $0x38;
	[tilespmem:$0x1E600] =	vst v63  }
0x42e: {  	s21 =	sadd.s32 $0x20, s14;
	s24 =	sadd.s32 $0x110, s15  }
0x42f: {  	[tilespmem:s24], [sflag:$0x1] =	stream.linear.gather [hbm4b:s21+s6], $0x10, $0x38;
	[tilespmem:$0x1E600] =	vst v63  }
0x430: {  	s18 =	sadd.s32 $0x30, s14;
	s19 =	sadd.s32 $0x190, s15  }
0x431: {  	[tilespmem:s19], [sflag:$0x1] =	stream.linear.gather [hbm4b:s18+s6], $0x10, $0x38;
	[tilespmem:$0x1E600] =	vst v63  }
0x432: {  	s21 =	sadd.s32 $0x40, s14;
	s24 =	sadd.s32 $0x210, s15  }
0x433: {  	[tilespmem:s24], [sflag:$0x1] =	stream.linear.gather [hbm4b:s21+s6], $0x10, $0x38;
	[tilespmem:$0x1E600] =	vst v63  }
0x434: {  	s18 =	sadd.s32 $0x50, s14;
	s19 =	sadd.s32 $0x290, s15  }
0x435: {  	[tilespmem:s19], [sflag:$0x1] =	stream.linear.gather [hbm4b:s18+s6], $0x10, $0x38;
	[tilespmem:$0x1E600] =	vst v63  }
0x436: {  	s21 =	sadd.s32 $0x60, s14;
	s24 =	sadd.s32 $0x310, s15  }
0x437: {  	[tilespmem:s24], [sflag:$0x1] =	stream.linear.gather [hbm4b:s21+s6], $0x10, $0x38;
	[tilespmem:$0x1E600] =	vst v63  }
0x438: {  	s15 =	sadd.s32 $0x390, s15;
	s18 =	sadd.s32 $0x70, s14  }
0x439: {  	[tilespmem:s15], [sflag:$0x1] =	stream.linear.gather [hbm4b:s18+s6], $0x10, $0x38;
	[tilespmem:$0x1E600] =	vst v63  }
0x43a: {  	s16 =	simm.s32 $0x0;
	s19 =	sadd.s32 $0x2600, s12;
	s15 =	sadd.s32 s1, s13  }
0x43b: {  	[tilespmem:s19], [sflag:$0x1] =	stream.linear.gather [hbm4b:s15+s16], $0x10, $0x38;
	[tilespmem:$0x1E600] =	vst v63  }
0x43c: {  	s24 =	sadd.s32 $0x2680, s12;
	s21 =	sadd.s32 $0x10, s15  }
0x43d: {  	[tilespmem:s24], [sflag:$0x1] =	stream.linear.gather [hbm4b:s21+s16], $0x10, $0x38;
	[tilespmem:$0x1E600] =	vst v63  }
0x43e: {  	s18 =	sadd.s32 $0x20, s15;
	s19 =	sadd.s32 $0x2700, s12  }
0x43f: {  	[tilespmem:s19], [sflag:$0x1] =	stream.linear.gather [hbm4b:s18+s16], $0x10, $0x38;
	[tilespmem:$0x1E600] =	vst v63  }
0x440: {  	s21 =	sadd.s32 $0x30, s15;
	s24 =	sadd.s32 $0x2780, s12  }
0x441: {  	[tilespmem:s24], [sflag:$0x1] =	stream.linear.gather [hbm4b:s21+s16], $0x10, $0x38;
	[tilespmem:$0x1E600] =	vst v63  }
0x442: {  	s18 =	sadd.s32 $0x40, s15;
	s19 =	sadd.s32 $0x2800, s12  }
0x443: {  	[tilespmem:s19], [sflag:$0x1] =	stream.linear.gather [hbm4b:s18+s16], $0x10, $0x38;
	[tilespmem:$0x1E600] =	vst v63  }
0x444: {  	s21 =	sadd.s32 $0x50, s15;
	s24 =	sadd.s32 $0x2880, s12  }
0x445: {  	[tilespmem:s24], [sflag:$0x1] =	stream.linear.gather [hbm4b:s21+s16], $0x10, $0x38;
	[tilespmem:$0x1E600] =	vst v63  }
0x446: {  	s18 =	sadd.s32 $0x60, s15;
	s19 =	sadd.s32 $0x2900, s12  }
0x447: {  	[tilespmem:s19], [sflag:$0x1] =	stream.linear.gather [hbm4b:s18+s16], $0x10, $0x38;
	[tilespmem:$0x1E600] =	vst v63  }
0x448: {  	s21 =	sadd.s32 $0x70, s15;
	s24 =	sadd.s32 $0x2980, s12  }
0x449: {  	[tilespmem:s24], [sflag:$0x1] =	stream.linear.gather [hbm4b:s21+s16], $0x10, $0x38;
	[tilespmem:$0x1E600] =	vst v63  }
0x44a: {  	s14 =	sadd.s32 $0xF4280, s15;
	s19 =	sadd.s32 $0x2A00, s12  }
0x44b: {  	[tilespmem:s19], [sflag:$0x1] =	stream.linear.gather [hbm4b:s14+s16], $0x10, $0x38;
	[tilespmem:$0x1E600] =	vst v63  }
0x44c: {  	s21 =	sadd.s32 $0x10, s14;
	s24 =	sadd.s32 $0x2A80, s12  }
0x44d: {  	[tilespmem:s24], [sflag:$0x1] =	stream.linear.gather [hbm4b:s21+s16], $0x10, $0x38;
	[tilespmem:$0x1E600] =	vst v63  }
0x44e: {  	s18 =	sadd.s32 $0x20, s14;
	s19 =	sadd.s32 $0x2B00, s12  }
0x44f: {  	[tilespmem:s19], [sflag:$0x1] =	stream.linear.gather [hbm4b:s18+s16], $0x10, $0x38;
	[tilespmem:$0x1E600] =	vst v63  }
0x450: {  	s21 =	sadd.s32 $0x30, s14;
	s24 =	sadd.s32 $0x2B80, s12  }
0x451: {  	[tilespmem:s24], [sflag:$0x1] =	stream.linear.gather [hbm4b:s21+s16], $0x10, $0x38;
	[tilespmem:$0x1E600] =	vst v63  }
0x452: {  	s18 =	sadd.s32 $0x40, s14;
	s19 =	sadd.s32 $0x2C00, s12  }
0x453: {  	[tilespmem:s19], [sflag:$0x1] =	stream.linear.gather [hbm4b:s18+s16], $0x10, $0x38;
	[tilespmem:$0x1E600] =	vst v63  }
0x454: {  	s21 =	sadd.s32 $0x50, s14;
	s24 =	sadd.s32 $0x2C80, s12  }
0x455: {  	[tilespmem:s24], [sflag:$0x1] =	stream.linear.gather [hbm4b:s21+s16], $0x10, $0x38;
	[tilespmem:$0x1E600] =	vst v63  }
0x456: {  	s18 =	sadd.s32 $0x60, s14;
	s19 =	sadd.s32 $0x2D00, s12  }
0x457: {  	[tilespmem:s19], [sflag:$0x1] =	stream.linear.gather [hbm4b:s18+s16], $0x10, $0x38;
	[tilespmem:$0x1E600] =	vst v63  }
0x458: {  	s14 =	sadd.s32 $0x70, s14;
	s21 =	sadd.s32 $0x2D80, s12  }
0x459: {  	[tilespmem:s21], [sflag:$0x1] =	stream.linear.gather [hbm4b:s14+s16], $0x10, $0x38;
	[tilespmem:$0x1E600] =	vst v63  }
0x45a: {  	s14 =	sadd.s32 $0x0, s11  }
0x45b: {  	s15 =	sadd.s32 s2, s13;
	s24 =	sadd.s32 $0x10, s14  }
0x45c: {  	[tilespmem:s24], [sflag:$0x1] =	stream.linear.gather [hbm4b:s15+s6], $0x10, $0x38;
	[tilespmem:$0x1E600] =	vst v63  }
0x45d: {  	s18 =	sadd.s32 $0x10, s15;
	s19 =	sadd.s32 $0x90, s14  }
0x45e: {  	[tilespmem:s19], [sflag:$0x1] =	stream.linear.gather [hbm4b:s18+s6], $0x10, $0x38;
	[tilespmem:$0x1E600] =	vst v63  }
0x45f: {  	s21 =	sadd.s32 $0x20, s15;
	s24 =	sadd.s32 $0x110, s14  }
0x460: {  	[tilespmem:s24], [sflag:$0x1] =	stream.linear.gather [hbm4b:s21+s6], $0x10, $0x38;
	[tilespmem:$0x1E600] =	vst v63  }
0x461: {  	s18 =	sadd.s32 $0x30, s15;
	s19 =	sadd.s32 $0x190, s14  }
0x462: {  	[tilespmem:s19], [sflag:$0x1] =	stream.linear.gather [hbm4b:s18+s6], $0x10, $0x38;
	[tilespmem:$0x1E600] =	vst v63  }
0x463: {  	s21 =	sadd.s32 $0x40, s15;
	s24 =	sadd.s32 $0x210, s14  }
0x464: {  	[tilespmem:s24], [sflag:$0x1] =	stream.linear.gather [hbm4b:s21+s6], $0x10, $0x38;
	[tilespmem:$0x1E600] =	vst v63  }
0x465: {  	s18 =	sadd.s32 $0x50, s15;
	s19 =	sadd.s32 $0x290, s14;
	s21 =	sadd.s32 $0x60, s15  }
0x466: {  	[tilespmem:s19], [sflag:$0x1] =	stream.linear.gather [hbm4b:s18+s6], $0x10, $0x38;
	[tilespmem:$0x1E600] =	vst v63  }
0x467: {  	s24 =	sadd.s32 $0x310, s14;
	s18 =	simm.s32 $0x400;
	s19 =	sadd.s32 $0x390, s14  }
0x468: {  	[tilespmem:s24], [sflag:$0x1] =	stream.linear.gather [hbm4b:s21+s6], $0x10, $0x38;
	[tilespmem:$0x1E600] =	vst v63  }
0x469: {  	s14 =	sadd.s32 $0xF4280, s15;
	s21 =	simm.s32 $0x2000;
	s24 =	sadd.s32 $0x70, s15  }
.LBB2_33:
0x46a: {  	[tilespmem:s19], [sflag:$0x1] =	stream.linear.gather [hbm4b:s24+s6], $0x10, $0x38;
	[tilespmem:$0x1E600] =	vst v63  }
0x46b: {  	s15 =	smov.u32 s21  }
0x46c: {  	s16 =	sadd.s32 $0x1000, s21;
	s19 =	sadd.s32 s18, s11;
	s18 =	sshra.s32 s15, $0x2  }
0x46d: {  	p0 =	sne.s32 s21, $0x7000;
	s15 =	sadd.s32 $0x10, s19  }
0x46e: {  	[tilespmem:s15], [sflag:$0x1] =	stream.linear.gather [hbm4b:s14+s6], $0x10, $0x38;
	[tilespmem:$0x1E600] =	vst v63  }
0x46f: {  	s21 =	sadd.s32 $0x90, s19;
	s15 =	sadd.s32 $0x10, s14  }
0x470: {  	[tilespmem:s21], [sflag:$0x1] =	stream.linear.gather [hbm4b:s15+s6], $0x10, $0x38;
	[tilespmem:$0x1E600] =	vst v63  }
0x471: {  	s15 =	sadd.s32 $0x20, s14;
	s21 =	sadd.s32 $0x110, s19  }
0x472: {  	[tilespmem:s21], [sflag:$0x1] =	stream.linear.gather [hbm4b:s15+s6], $0x10, $0x38;
	[tilespmem:$0x1E600] =	vst v63  }
0x473: {  	s15 =	sadd.s32 $0x30, s14;
	s21 =	sadd.s32 $0x190, s19  }
0x474: {  	[tilespmem:s21], [sflag:$0x1] =	stream.linear.gather [hbm4b:s15+s6], $0x10, $0x38;
	[tilespmem:$0x1E600] =	vst v63  }
0x475: {  	s15 =	sadd.s32 $0x40, s14;
	s21 =	sadd.s32 $0x210, s19  }
0x476: {  	[tilespmem:s21], [sflag:$0x1] =	stream.linear.gather [hbm4b:s15+s6], $0x10, $0x38;
	[tilespmem:$0x1E600] =	vst v63  }
.Ltmp15:
0x477: {  	s15 =	sadd.s32 $0x50, s14;
	s21 =	sadd.s32 $0x290, s19;
	(pc) =	sbr.rel @p0 .LBB2_33-.Ltmp15, $4  }
0x478: {  	[tilespmem:s21], [sflag:$0x1] =	stream.linear.gather [hbm4b:s15+s6], $0x10, $0x38;
	[tilespmem:$0x1E600] =	vst v63  }
0x479: {  	s24 =	sadd.s32 $0x70, s14;
	s15 =	sadd.s32 $0x60, s14;
	s21 =	sadd.s32 $0x310, s19  }
0x47a: {  	[tilespmem:s21], [sflag:$0x1] =	stream.linear.gather [hbm4b:s15+s6], $0x10, $0x38;
	[tilespmem:$0x1E600] =	vst v63  }
0x47b: {  	s19 =	sadd.s32 $0x390, s19;
	s14 =	sadd.s32 $0xF4280, s14;
	s21 =	smov.u32 s16  }
0x47c: {  	[tilespmem:s19], [sflag:$0x1] =	stream.linear.gather [hbm4b:s24+s6], $0x10, $0x38;
	[tilespmem:$0x1E600] =	vst v63  }
0x47d: {  	s15 =	sadd.s32 s18, s11  }
0x47e: {  	s16 =	sadd.s32 $0x10, s15  }
0x47f: {  	[tilespmem:s16], [sflag:$0x1] =	stream.linear.gather [hbm4b:s14+s6], $0x10, $0x38;
	[tilespmem:$0x1E600] =	vst v63  }
0x480: {  	s24 =	sadd.s32 $0x10, s14;
	s18 =	sadd.s32 $0x90, s15  }
0x481: {  	[tilespmem:s18], [sflag:$0x1] =	stream.linear.gather [hbm4b:s24+s6], $0x10, $0x38;
	[tilespmem:$0x1E600] =	vst v63  }
0x482: {  	s19 =	sadd.s32 $0x110, s15;
	s18 =	sadd.s32 $0x20, s14  }
0x483: {  	[tilespmem:s19], [sflag:$0x1] =	stream.linear.gather [hbm4b:s18+s6], $0x10, $0x38;
	[tilespmem:$0x1E600] =	vst v63  }
0x484: {  	s21 =	sadd.s32 $0x30, s14;
	s24 =	sadd.s32 $0x190, s15  }
0x485: {  	[tilespmem:s24], [sflag:$0x1] =	stream.linear.gather [hbm4b:s21+s6], $0x10, $0x38;
	[tilespmem:$0x1E600] =	vst v63  }
0x486: {  	s18 =	sadd.s32 $0x40, s14;
	s19 =	sadd.s32 $0x210, s15  }
0x487: {  	[tilespmem:s19], [sflag:$0x1] =	stream.linear.gather [hbm4b:s18+s6], $0x10, $0x38;
	[tilespmem:$0x1E600] =	vst v63  }
0x488: {  	s21 =	sadd.s32 $0x50, s14;
	s24 =	sadd.s32 $0x290, s15  }
0x489: {  	[tilespmem:s24], [sflag:$0x1] =	stream.linear.gather [hbm4b:s21+s6], $0x10, $0x38;
	[tilespmem:$0x1E600] =	vst v63  }
0x48a: {  	s18 =	sadd.s32 $0x60, s14;
	s19 =	sadd.s32 $0x310, s15  }
0x48b: {  	[tilespmem:s19], [sflag:$0x1] =	stream.linear.gather [hbm4b:s18+s6], $0x10, $0x38;
	[tilespmem:$0x1E600] =	vst v63  }
0x48c: {  	s15 =	sadd.s32 $0x390, s15;
	s21 =	sadd.s32 $0x70, s14  }
0x48d: {  	[tilespmem:s15], [sflag:$0x1] =	stream.linear.gather [hbm4b:s21+s6], $0x10, $0x38;
	[tilespmem:$0x1E600] =	vst v63  }
0x48e: {  	s13 =	sadd.s32 s3, s13;
	s24 =	sadd.s32 $0x4E00, s12  }
0x48f: {  	[tilespmem:s24], [sflag:$0x1] =	stream.linear.gather [hbm4b:s13+s6], $0x10, $0x38;
	[tilespmem:$0x1E600] =	vst v63  }
0x490: {  	s16 =	sadd.s32 $0x4E80, s12;
	s15 =	sadd.s32 $0x10, s13  }
0x491: {  	[tilespmem:s16], [sflag:$0x1] =	stream.linear.gather [hbm4b:s15+s6], $0x10, $0x38;
	[tilespmem:$0x1E600] =	vst v63  }
0x492: {  	s18 =	sadd.s32 $0x20, s13;
	s19 =	sadd.s32 $0x4F00, s12  }
0x493: {  	[tilespmem:s19], [sflag:$0x1] =	stream.linear.gather [hbm4b:s18+s6], $0x10, $0x38;
	[tilespmem:$0x1E600] =	vst v63  }
0x494: {  	s21 =	sadd.s32 $0x30, s13;
	s24 =	sadd.s32 $0x4F80, s12  }
0x495: {  	[tilespmem:s24], [sflag:$0x1] =	stream.linear.gather [hbm4b:s21+s6], $0x10, $0x38;
	[tilespmem:$0x1E600] =	vst v63  }
0x496: {  	s15 =	sadd.s32 $0x40, s13;
	s16 =	sadd.s32 $0x5000, s12  }
0x497: {  	[tilespmem:s16], [sflag:$0x1] =	stream.linear.gather [hbm4b:s15+s6], $0x10, $0x38;
	[tilespmem:$0x1E600] =	vst v63  }
0x498: {  	s18 =	sadd.s32 $0x50, s13;
	s19 =	sadd.s32 $0x5080, s12  }
0x499: {  	[tilespmem:s19], [sflag:$0x1] =	stream.linear.gather [hbm4b:s18+s6], $0x10, $0x38;
	[tilespmem:$0x1E600] =	vst v63  }
0x49a: {  	s21 =	sadd.s32 $0x60, s13;
	s24 =	sadd.s32 $0x5100, s12  }
0x49b: {  	[tilespmem:s24], [sflag:$0x1] =	stream.linear.gather [hbm4b:s21+s6], $0x10, $0x38;
	[tilespmem:$0x1E600] =	vst v63  }
0x49c: {  	s16 =	sadd.s32 $0x70, s13;
	s18 =	sadd.s32 $0x5180, s12  }
0x49d: {  	[tilespmem:s18], [sflag:$0x1] =	stream.linear.gather [hbm4b:s16+s6], $0x10, $0x38;
	[tilespmem:$0x1E600] =	vst v63  }
0x49e: {  	s13 =	sadd.s32 $0xF4280, s13;
	s19 =	sadd.s32 $0x5200, s12  }
0x49f: {  	[tilespmem:s19], [sflag:$0x1] =	stream.linear.gather [hbm4b:s13+s6], $0x10, $0x38;
	[tilespmem:$0x1E600] =	vst v63  }
0x4a0: {  	s21 =	sadd.s32 $0x10, s13;
	s24 =	sadd.s32 $0x5280, s12  }
0x4a1: {  	[tilespmem:s24], [sflag:$0x1] =	stream.linear.gather [hbm4b:s21+s6], $0x10, $0x38;
	[tilespmem:$0x1E600] =	vst v63  }
0x4a2: {  	s15 =	sadd.s32 $0x20, s13;
	s16 =	sadd.s32 $0x5300, s12  }
0x4a3: {  	[tilespmem:s16], [sflag:$0x1] =	stream.linear.gather [hbm4b:s15+s6], $0x10, $0x38;
	[tilespmem:$0x1E600] =	vst v63  }
0x4a4: {  	s18 =	sadd.s32 $0x30, s13;
	s19 =	sadd.s32 $0x5380, s12  }
0x4a5: {  	[tilespmem:s19], [sflag:$0x1] =	stream.linear.gather [hbm4b:s18+s6], $0x10, $0x38;
	[tilespmem:$0x1E600] =	vst v63  }
0x4a6: {  	s21 =	sadd.s32 $0x40, s13;
	s24 =	sadd.s32 $0x5400, s12  }
0x4a7: {  	[tilespmem:s24], [sflag:$0x1] =	stream.linear.gather [hbm4b:s21+s6], $0x10, $0x38;
	[tilespmem:$0x1E600] =	vst v63  }
0x4a8: {  	p0 =	slt.u32 s20, $0x6;
	s15 =	sadd.s32 $0x50, s13;
	s16 =	sadd.s32 $0x5480, s12  }
0x4a9: {  	[tilespmem:s16], [sflag:$0x1] =	stream.linear.gather [hbm4b:s15+s6], $0x10, $0x38;
	[tilespmem:$0x1E600] =	vst v63  }
.Ltmp16:
0x4aa: {  	s7 =	sadd.s32 $0x20, s7;
	s11 =	sadd.s32 $0x20, s11;
	(pc) =	sbr.rel @p0 .LBB2_26-.Ltmp16, $4  }
0x4ab: {  	s18 =	sadd.s32 $0x60, s13;
	s19 =	sadd.s32 $0x5500, s12;
	s24 =	sadd.s32 $0x2, s20  }
0x4ac: {  	[tilespmem:s19], [sflag:$0x1] =	stream.linear.gather [hbm4b:s18+s6], $0x10, $0x38;
	[tilespmem:$0x1E600] =	vst v63  }
0x4ad: {  	s13 =	sadd.s32 $0x70, s13;
	s21 =	sadd.s32 $0x5580, s12;
	s20 =	smov.u32 s24  }
0x4ae: {  	[tilespmem:s21], [sflag:$0x1] =	stream.linear.gather [hbm4b:s13+s6], $0x10, $0x38;
	[tilespmem:$0x1E600] =	vst v63  }
.LBB2_35:
0x4af: {  	s7 =	simm.s32 $0x2  }
0x4b0: {  	_ =	swait.ge [sflag:s7], $0x2000  }
0x4b1: {  	[sflag:s7] =	ssyncset.done $0x0  }
0x4b2: {  	[sflag:s7] =	ssyncadd.s32 $0xFFFFE000  }
0x4b3: {  	_ =	swait.ge [sflag:s7], $0x800  }
0x4b4: {  	[sflag:s7] =	ssyncset.done $0x0  }
0x4b5: {  	[sflag:s7] =	ssyncadd.s32 $0xFFFFF800  }
0x4b6: {  	_ =	swait.ge [sflag:s7], $0x2000  }
0x4b7: {  	s13 =	rddreg [dreg:$0x19]  }
0x4b8: {  	[sflag:s7] =	ssyncset.done $0x0;
	v8 =	vmov s13  }
0x4b9: {  	[sflag:s7] =	ssyncadd.s32 $0xFFFFE000  }
0x4ba: {  	_ =	swait.ge [sflag:s7], $0x800  }
0x4bb: {  	[sflag:s7] =	ssyncset.done $0x0  }
0x4bc: {  	[sflag:s7] =	ssyncadd.s32 $0xFFFFF800  }
0x4bd: {  	v9 =	vld.idx.msk [tilespmem:v8+s17+$0x0], $0xffff;
	_ =	sdelay $0x4  }
0x4be: {  	v10 =	vshra.s32 v9, $0x1F  }
0x4bf: {  	v10 =	vshrl.u32 v10, $0x1C  }
0x4c0: {  	v10 =	vadd.s32 v10, v9  }
0x4c1: {  	v10 =	vshrl.u32 v10, $0x4  }
0x4c2: {  	v10 =	vshll.u32 v10, $0x4  }
0x4c3: {  	s24 =	simm.s32 $0x0;
	v9 =	vsub.s32 v9, v10  }
0x4c4: {  	v9 =	vadd.s32 s24, v9  }
0x4c5: {  	v11 =	vadd.s32 v0, v9;
	_ =	sdelay $0x1  }
0x4c6: {  	v10 =	vshll.u32 v8, $0x3  }
0x4c7: {  	v8 =	vand.u32 $0x7F, v8;
	v10 =	vand.u32 $0x7FFFFC00, v10  }
0x4c8: {  	v10 =	vor.u32 v8, v10  }
0x4c9: {  	v8 =	vadd.s32 v1, v10;
	v12 =	vld.idx.msk [tilespmem:v11+s25+$0x0], $0xffff  }
0x4ca: {  	v13 =	vadd.s32 v2, v9;
	_ =	sdelay $0x3  }
0x4cb: {  	[tilespmem:v8+s28+$0x0] =	vst.idx.msk $0xffff, v12  }
0x4cc: {  	v14 =	vadd.s32 v3, v10;
	v12 =	vld.idx.msk [tilespmem:v13+s25+$0x0], $0xffff  }
0x4cd: {  	v15 =	vadd.s32 v4, v9;
	_ =	sdelay $0x3  }
0x4ce: {  	[tilespmem:v14+s28+$0x0] =	vst.idx.msk $0xffff, v12  }
0x4cf: {  	v16 =	vadd.s32 v5, v10;
	v12 =	vld.idx.msk [tilespmem:v15+s25+$0x0], $0xffff  }
0x4d0: {  	v9 =	vadd.s32 v6, v9;
	_ =	sdelay $0x3  }
0x4d1: {  	[tilespmem:v16+s28+$0x0] =	vst.idx.msk $0xffff, v12  }
0x4d2: {  	v17 =	vadd.s32 v7, v10;
	v12 =	vld.idx.msk [tilespmem:v9+s25+$0x0], $0xffff;
	_ =	sdelay $0x4  }
0x4d3: {  	[tilespmem:v17+s28+$0x0] =	vst.idx.msk $0xffff, v12  }
0x4d4: {  	v10 =	vld.idx.msk [tilespmem:v11+s22+$0x0], $0xffff;
	_ =	sdelay $0x4  }
0x4d5: {  	[tilespmem:v8+s30+$0x0] =	vst.idx.msk $0xffff, v10  }
0x4d6: {  	v10 =	vld.idx.msk [tilespmem:v11+s9+$0x0], $0xffff;
	_ =	sdelay $0x4  }
0x4d7: {  	[tilespmem:v8+s4+$0x0] =	vst.idx.msk $0xffff, v10  }
0x4d8: {  	v10 =	vld.idx.msk [tilespmem:v13+s9+$0x0], $0xffff;
	_ =	sdelay $0x4  }
0x4d9: {  	[tilespmem:v14+s4+$0x0] =	vst.idx.msk $0xffff, v10  }
0x4da: {  	v10 =	vld.idx.msk [tilespmem:v15+s9+$0x0], $0xffff;
	_ =	sdelay $0x4  }
0x4db: {  	[tilespmem:v16+s4+$0x0] =	vst.idx.msk $0xffff, v10  }
0x4dc: {  	v9 =	vld.idx.msk [tilespmem:v9+s9+$0x0], $0xffff;
	_ =	sdelay $0x4  }
0x4dd: {  	[tilespmem:v17+s4+$0x0] =	vst.idx.msk $0xffff, v9  }
0x4de: {  	s8 =	sadd.s32 $0x1, s13;
	v11 =	vld.idx.msk [tilespmem:v11+s10+$0x0], $0xffff  }
0x4df: {  	v10 =	vmov s8  }
0x4e0: {  	v63 =	vshll.u32 v10, $0x3  }
0x4e1: {  	v12 =	vand.u32 $0x7FFFFC00, v63;
	v9 =	vand.u32 $0x7F, v10  }
0x4e2: {  	s11 =	simm.s32 $0x20;
	s7 =	simm.s32 $0x10;
	v9 =	vor.u32 v9, v12  }
.LBB2_36:
0x4e3: {  	p0 =	sne.s32 s11, $0x70;
	[tilespmem:v8+s23+$0x0] =	vst.idx.msk $0xffff, v11;
	s12 =	smov.u32 s11;
	s11 =	sadd.s32 $0x10, s11  }
0x4e4: {  	v8 =	vld.idx.msk [tilespmem:v10+s17+$0x0], $0xffff;
	_ =	sdelay $0x5  }
0x4e5: {  	v10 =	vshra.s32 v8, $0x1F  }
0x4e6: {  	v10 =	vshrl.u32 v10, $0x1C  }
0x4e7: {  	v10 =	vadd.s32 v10, v8  }
0x4e8: {  	v10 =	vshrl.u32 v10, $0x4  }
0x4e9: {  	v10 =	vshll.u32 v10, $0x4  }
0x4ea: {  	v8 =	vsub.s32 v8, v10  }
0x4eb: {  	v10 =	vadd.s32 s7, v8;
	s7 =	smov.u32 s12  }
0x4ec: {  	v11 =	vadd.s32 v0, v10;
	_ =	sdelay $0x4  }
0x4ed: {  	v12 =	vld.idx.msk [tilespmem:v11+s25+$0x0], $0xffff  }
0x4ee: {  	v8 =	vadd.s32 v1, v9  }
0x4ef: {  	v13 =	vadd.s32 v2, v10;
	_ =	sdelay $0x3  }
0x4f0: {  	[tilespmem:v8+s28+$0x0] =	vst.idx.msk $0xffff, v12  }
0x4f1: {  	v12 =	vld.idx.msk [tilespmem:v13+s25+$0x0], $0xffff  }
0x4f2: {  	v14 =	vadd.s32 v3, v9  }
0x4f3: {  	v15 =	vadd.s32 v4, v10;
	_ =	sdelay $0x3  }
0x4f4: {  	[tilespmem:v14+s28+$0x0] =	vst.idx.msk $0xffff, v12  }
0x4f5: {  	v12 =	vld.idx.msk [tilespmem:v15+s25+$0x0], $0xffff  }
0x4f6: {  	v16 =	vadd.s32 v5, v9  }
0x4f7: {  	v10 =	vadd.s32 v6, v10;
	_ =	sdelay $0x3  }
0x4f8: {  	[tilespmem:v16+s28+$0x0] =	vst.idx.msk $0xffff, v12  }
0x4f9: {  	v12 =	vld.idx.msk [tilespmem:v10+s25+$0x0], $0xffff  }
0x4fa: {  	v9 =	vadd.s32 v7, v9;
	_ =	sdelay $0x4  }
0x4fb: {  	[tilespmem:v9+s28+$0x0] =	vst.idx.msk $0xffff, v12  }
0x4fc: {  	v12 =	vld.idx.msk [tilespmem:v11+s22+$0x0], $0xffff;
	_ =	sdelay $0x5  }
0x4fd: {  	[tilespmem:v8+s30+$0x0] =	vst.idx.msk $0xffff, v12  }
0x4fe: {  	v12 =	vld.idx.msk [tilespmem:v11+s9+$0x0], $0xffff;
	_ =	sdelay $0x5  }
0x4ff: {  	[tilespmem:v8+s4+$0x0] =	vst.idx.msk $0xffff, v12  }
0x500: {  	v12 =	vld.idx.msk [tilespmem:v13+s9+$0x0], $0xffff;
	_ =	sdelay $0x5  }
0x501: {  	[tilespmem:v14+s4+$0x0] =	vst.idx.msk $0xffff, v12  }
0x502: {  	v12 =	vld.idx.msk [tilespmem:v15+s9+$0x0], $0xffff;
	_ =	sdelay $0x5  }
0x503: {  	[tilespmem:v16+s4+$0x0] =	vst.idx.msk $0xffff, v12  }
0x504: {  	v10 =	vld.idx.msk [tilespmem:v10+s9+$0x0], $0xffff;
	_ =	sdelay $0x5  }
0x505: {  	[tilespmem:v9+s4+$0x0] =	vst.idx.msk $0xffff, v10  }
0x506: {  	v11 =	vld.idx.msk [tilespmem:v11+s10+$0x0], $0xffff  }
.Ltmp17:
0x507: {  	s8 =	sadd.s32 $0x1, s8;
	(pc) =	sbr.rel @p0 .LBB2_36-.Ltmp17, $4  }
0x508: {  	v10 =	vmov s8  }
0x509: {  	v9 =	vshll.u32 v10, $0x3  }
0x50a: {  	v12 =	vand.u32 $0x7F, v10;
	v9 =	vand.u32 $0x7FFFFC00, v9  }
0x50b: {  	v9 =	vor.u32 v12, v9  }
0x50c: {  	_ =	sdelay $0x3  }
0x50d: {  	[tilespmem:v8+s23+$0x0] =	vst.idx.msk $0xffff, v11  }
0x50e: {  	v8 =	vld.idx.msk [tilespmem:v10+s17+$0x0], $0xffff;
	_ =	sdelay $0x4  }
0x50f: {  	v10 =	vshra.s32 v8, $0x1F  }
0x510: {  	v10 =	vshrl.u32 v10, $0x1C  }
0x511: {  	v10 =	vadd.s32 v10, v8  }
0x512: {  	v10 =	vshrl.u32 v10, $0x4  }
0x513: {  	v10 =	vshll.u32 v10, $0x4  }
0x514: {  	v8 =	vsub.s32 v8, v10  }
0x515: {  	v8 =	vadd.s32 s7, v8  }
0x516: {  	v62 =	vadd.s32 v0, v8;
	_ =	sdelay $0x4  }
0x517: {  	v12 =	vadd.s32 v1, v9;
	v11 =	vld.idx.msk [tilespmem:v62+s25+$0x0], $0xffff  }
0x518: {  	v13 =	vadd.s32 v2, v8;
	_ =	sdelay $0x3  }
0x519: {  	[tilespmem:v12+s28+$0x0] =	vst.idx.msk $0xffff, v11  }
0x51a: {  	v14 =	vadd.s32 v3, v9;
	v11 =	vld.idx.msk [tilespmem:v13+s25+$0x0], $0xffff  }
0x51b: {  	v15 =	vadd.s32 v4, v8;
	_ =	sdelay $0x3  }
0x51c: {  	[tilespmem:v14+s28+$0x0] =	vst.idx.msk $0xffff, v11  }
0x51d: {  	v16 =	vadd.s32 v5, v9;
	v11 =	vld.idx.msk [tilespmem:v15+s25+$0x0], $0xffff  }
0x51e: {  	v8 =	vadd.s32 v6, v8;
	_ =	sdelay $0x3  }
0x51f: {  	[tilespmem:v16+s28+$0x0] =	vst.idx.msk $0xffff, v11  }
0x520: {  	v63 =	vadd.s32 v7, v9;
	v11 =	vld.idx.msk [tilespmem:v8+s25+$0x0], $0xffff;
	_ =	sdelay $0x4  }
0x521: {  	[tilespmem:v63+s28+$0x0] =	vst.idx.msk $0xffff, v11  }
0x522: {  	v11 =	vld.idx.msk [tilespmem:v62+s22+$0x0], $0xffff;
	_ =	sdelay $0x4  }
0x523: {  	[tilespmem:v12+s30+$0x0] =	vst.idx.msk $0xffff, v11  }
0x524: {  	v11 =	vld.idx.msk [tilespmem:v62+s9+$0x0], $0xffff;
	_ =	sdelay $0x4  }
0x525: {  	[tilespmem:v12+s4+$0x0] =	vst.idx.msk $0xffff, v11  }
0x526: {  	v11 =	vld.idx.msk [tilespmem:v13+s9+$0x0], $0xffff;
	_ =	sdelay $0x4  }
0x527: {  	[tilespmem:v14+s4+$0x0] =	vst.idx.msk $0xffff, v11  }
0x528: {  	v11 =	vld.idx.msk [tilespmem:v15+s9+$0x0], $0xffff;
	_ =	sdelay $0x4  }
0x529: {  	[tilespmem:v16+s4+$0x0] =	vst.idx.msk $0xffff, v11  }
0x52a: {  	v8 =	vld.idx.msk [tilespmem:v8+s9+$0x0], $0xffff;
	_ =	sdelay $0x3  }
0x52b: {  	s24 =	rddreg [dreg:$0x1a]  }
0x52c: {  	s7 =	sadd.s32 $0x1, s24;
	[tilespmem:v63+s4+$0x0] =	vst.idx.msk $0xffff, v8  }
0x52d: {  	p0 =	sne.s32 s7, $0x20;
	v8 =	vld.idx.msk [tilespmem:v62+s10+$0x0], $0xffff  }
.Ltmp18:
0x52e: {  	_ = 	snop;
	(pc) =	sbr.rel @p0 .LBB2_12-.Ltmp18, $3  }
0x52f: {  	_ =	sdelay $0x1  }
0x530: {  	s15 =	rddreg [dreg:$0x18]  }
0x531: {  	s13 =	sadd.s32 $0x10, s13;
	s15 =	sadd.s32 $0x10, s15;
	[tilespmem:v12+s23+$0x0] =	vst.idx.msk $0xffff, v8  }
0x532: {  	s7 =	rddreg [dreg:$0xd];
	s8 =	simm.s32 $0x1000;
	s11 =	simm.s32 $0x20000  }
0x533: {  	[hbm4b:s7+s8] =	stream.strided.scatter [tilespmem:s28], [sflag:$0x3], $0x8000, s11, s8, $0x38;
	[tilespmem:$0x1E600] =	vst v63  }
0x534: {  	s16 =	rddreg [dreg:$0xe]  }
0x535: {  	[hbm4b:s16+s8] =	stream.strided.scatter [tilespmem:s30], [sflag:$0x3], $0x2000, s11, s8, $0x38;
	[tilespmem:$0x1E600] =	vst v63  }
0x536: {  	s18 =	rddreg [dreg:$0xf]  }
0x537: {  	[hbm4b:s18+s8] =	stream.strided.scatter [tilespmem:s4], [sflag:$0x3], $0x8000, s11, s8, $0x38;
	[tilespmem:$0x1E600] =	vst v63  }
0x538: {  	s19 =	rddreg [dreg:$0x10];
	s20 =	simm.s32 $0x3  }
0x539: {  	[hbm4b:s19+s8] =	stream.strided.scatter [tilespmem:s23], [sflag:$0x3], $0x2000, s11, s8, $0x38;
	[tilespmem:$0x1E600] =	vst v63  }
0x53a: {  	_ =	swait.ge [sflag:s20], $0x8000  }
0x53b: {  	[sflag:s20] =	ssyncset.done $0x0  }
0x53c: {  	[sflag:s20] =	ssyncadd.s32 $0xFFFF8000  }
0x53d: {  	_ =	swait.ge [sflag:s20], $0x2000  }
0x53e: {  	[sflag:s20] =	ssyncset.done $0x0  }
0x53f: {  	[sflag:s20] =	ssyncadd.s32 $0xFFFFE000  }
0x540: {  	_ =	swait.ge [sflag:s20], $0x8000  }
0x541: {  	[sflag:s20] =	ssyncset.done $0x0  }
0x542: {  	[sflag:s20] =	ssyncadd.s32 $0xFFFF8000  }
0x543: {  	_ =	swait.ge [sflag:s20], $0x2000  }
0x544: {  	s21 =	rddreg [dreg:$0x17]  }
0x545: {  	s24 =	rddreg [dreg:$0x11];
	s11 =	sadd.s32 $0x1, s21  }
0x546: {  	p0 =	sne.s32 s11, s24  }
.Ltmp19:
0x547: {  	_ = 	snop;
	(pc) =	sbr.rel @p0 .LBB2_1-.Ltmp19, $3  }
0x548: {  	_ =	sdelay $0x1  }
0x549: {  	[sflag:s20] =	ssyncset.done $0x0  }
0x54a: {  	[sflag:s20] =	ssyncadd.s32 $0xFFFFE000  }
0x54b: {  	_ =	sfence.sel $0x180000  }
0x54c: {  	[bflag:$0x0] =	sbarrier.arrive $0xFFFF  }
0x54d: {  	_ =	strace $0x90000047  }
0x54e: {  	s0 =	stileid.u32;
	[bflag:$0x2] =	sbarrier.arrive $0xFFFF  }
0x54f: {  	p0 =	sne.s32 s0, $0x0;
	s0 =	rddreg [dreg:$0xa]  }
0x550: {  	s0 =	sadd.s32 @!p0 $0x100000, s0  }
0x551: {  	[sflag:s0] =	ssyncadd.tile.s32 @!p0 $0x1;
	_ =	shalt  }
.Lfunc_end2:
_tile_overlayer_lowered:
.L_overlay_start_2:
0x552: {  	(tag) =	ssettag $0x2  }
0x553: {  	s0 =	rddreg [dreg:$0x0];
	s2 =	stileid.u32  }
0x554: {  	s1 =	rddreg [dreg:$0x1];
	p0 =	sne.s32 s2, $0x0  }
0x555: {  	s3 =	rddreg [dreg:$0x2];
	[bflag:$0x3] =	sbarrier.arrive $0xFFFF;
	s2 =	simm.s32 @!p0 $0x1C04  }
0x556: {  	[timem:s3], [sflag:s2] =	dma.local @!p0 [hbm:s0], s1  }
0x557: {  	s0 =	simm.s32 @!p0 $0x4  }
0x558: {  	_ =	swait.ge @!p0 [sflag:s0], s1  }
0x559: {  	s1 =	ssub.s32 @!p0 $0x0, s1;
	[sflag:s0] =	ssyncset.done @!p0 $0x0  }
0x55a: {  	[sflag:s0] =	ssyncadd.s32 @!p0 s1  }
0x55b: {  	[bflag:$0x3] =	sbarrier.arrive $0xFFFF  }
0x55c: {  	_ =	shalt  }

</sc_bundles>
